<compile_context>
chip_gen: v7x
topology: tpu7x:2x2x1
jax: 0.10.2.dev20260603
libtpu: 0.0.44.dev20260713+nightly
codegen_flags: <defaults>
</compile_context>

<pallas_src>
import functools

import jax
import jax.numpy as jnp
from jax import lax
from jax.experimental import pallas as pl
from jax.experimental.pallas import tpu as pltpu
from jax.experimental.pallas import tpu_sc as plsc

_N = 10000
_E = 320000
_NC = 2
_NS = 16
_CHUNK = 80
_EPT = _E // (_NC * _NS)
_NCHUNK = _EPT // _CHUNK
_ZPT = _N // _CHUNK // _NS + 1
_OROWS = 632


def _zero_rows(ref, nrows, nlane16):
    def zrow(i, _):
        for j in range(nlane16):
            ref[i, pl.ds(j * 16, 16)] = jnp.zeros((16,), jnp.float32)
        return 0
    lax.fori_loop(0, nrows, zrow, 0)


def _agg_body(table, srcs3, dsts3, out,
              si, d, b, acc, semi, semd, semg, sems):
    c = lax.axis_index("c")
    s = lax.axis_index("s")
    wid = c * _NS + s
    for j in range(3):
        _zero_rows(b[j], _CHUNK, 8)
    pltpu.sync_copy(dsts3.at[wid, 0], d[2])

    def zacc(i, _):
        start = jnp.minimum(i * _CHUNK, _N - _CHUNK)
        pltpu.sync_copy(b[0], acc.at[pl.ds(start, _CHUNK)])
        return 0
    lax.fori_loop(s * _ZPT, (s + 1) * _ZPT, zacc, 0)
    plsc.subcore_barrier()

    for j in range(2):
        pltpu.async_copy(srcs3.at[wid, j], si[j], semi[j])
        pltpu.async_copy(dsts3.at[wid, j], d[j], semd[j])
    pltpu.async_copy(srcs3.at[wid, 2], si[2], semi[2])
    for j in range(2):
        pltpu.make_async_copy(srcs3.at[wid, 0], si[j], semi[j]).wait()
        pltpu.async_copy(table.at[si[j]], b[j], semg[j])
    pltpu.async_copy(b[2], acc.at[d[2]], sems[2], add=True)

    def _wait(sem, dst):
        pltpu.make_async_copy(dsts3.at[wid, 0], dst, sem).wait()

    def step(t, _):
        for j in range(3):
            k = 3 * t + j
            jn = (j + 2) % 3
            pltpu.make_async_copy(table.at[si[j]], b[j], semg[j]).wait()
            _wait(semd[j], d[j])
            pltpu.async_copy(b[j], acc.at[d[j]], sems[j], add=True)
            pltpu.make_async_copy(b[jn], acc.at[pl.ds(0, _CHUNK)],
                                  sems[jn]).wait()
            pltpu.async_copy(dsts3.at[wid, k + 2], d[jn], semd[jn])
            pltpu.async_copy(srcs3.at[wid, jnp.minimum(k + 3, _NCHUNK - 1)],
                             si[j], semi[j])
            _wait(semi[jn], si[jn])
            pltpu.async_copy(table.at[si[jn]], b[jn], semg[jn])
        return 0
    lax.fori_loop(0, (_NCHUNK - 2) // 3, step, 0)
    for j in range(2):
        pltpu.make_async_copy(table.at[si[j]], b[j], semg[j]).wait()
        _wait(semd[j], d[j])
        pltpu.async_copy(b[j], acc.at[d[j]], sems[j], add=True)
        pltpu.make_async_copy(b[(j + 2) % 3], acc.at[pl.ds(0, _CHUNK)],
                              sems[(j + 2) % 3]).wait()
    pltpu.make_async_copy(b[1], acc.at[pl.ds(0, _CHUNK)], sems[1]).wait()
    _wait(semi[2], si[2])
    plsc.subcore_barrier()

    start = jnp.minimum(s * _OROWS, _N - _OROWS)
    pltpu.sync_copy(acc.at[pl.ds(start, _OROWS)],
                    out.at[c, pl.ds(start, _OROWS)])


def _cnt_body(dsts3, out, dst_all, ones_v, zeros_v, acc, sem):
    c = lax.axis_index("c")
    s = lax.axis_index("s")
    wid = c * _NS + s
    _zero_rows(zeros_v, _CHUNK, 8)

    def orow(i, _):
        for j in range(8):
            ones_v[i, pl.ds(j * 16, 16)] = jnp.ones((16,), jnp.float32)
        return 0
    lax.fori_loop(0, _CHUNK, orow, 0)
    pltpu.sync_copy(dsts3.at[wid], dst_all)

    def zacc(i, _):
        start = jnp.minimum(i * _CHUNK, _N - _CHUNK)
        pltpu.sync_copy(zeros_v, acc.at[pl.ds(start, _CHUNK)])
        return 0
    lax.fori_loop(s * _ZPT, (s + 1) * _ZPT, zacc, 0)
    plsc.subcore_barrier()

    for k0 in range(4):
        pltpu.async_copy(ones_v, acc.at[dst_all.at[k0]], sem, add=True)

    def step(k, _):
        pltpu.async_copy(ones_v, acc.at[dst_all.at[k]], sem, add=True)
        pltpu.make_async_copy(ones_v, acc.at[pl.ds(0, _CHUNK)], sem).wait()
        return 0
    lax.fori_loop(4, _NCHUNK, step, 0)
    for k0 in range(4):
        pltpu.make_async_copy(ones_v, acc.at[pl.ds(0, _CHUNK)], sem).wait()
    plsc.subcore_barrier()

    start = jnp.minimum(s * _OROWS, _N - _OROWS)
    pltpu.sync_copy(acc.at[pl.ds(start, _OROWS)],
                    out.at[c, pl.ds(start, _OROWS)])


@functools.cache
def _get_mesh():
    return plsc.VectorSubcoreMesh(core_axis_name="c", subcore_axis_name="s",
                                  num_cores=_NC, num_subcores=_NS)


@functools.cache
def _get_agg():
    return pl.kernel(
        _agg_body, mesh=_get_mesh(),
        out_type=jax.ShapeDtypeStruct((_NC, _N, 128), jnp.float32),
        scratch_types=[[pltpu.VMEM((_CHUNK,), jnp.int32) for _ in range(3)],
                       [pltpu.VMEM((_CHUNK,), jnp.int32) for _ in range(3)],
                       [pltpu.VMEM((_CHUNK, 128), jnp.float32)
                        for _ in range(3)],
                       pltpu.VMEM_SHARED((_N, 128), jnp.float32),
                       [pltpu.SemaphoreType.DMA for _ in range(3)],
                       [pltpu.SemaphoreType.DMA for _ in range(3)],
                       [pltpu.SemaphoreType.DMA for _ in range(3)],
                       [pltpu.SemaphoreType.DMA for _ in range(3)]])


@functools.cache
def _get_cnt():
    return pl.kernel(
        _cnt_body, mesh=_get_mesh(),
        out_type=jax.ShapeDtypeStruct((_NC, _N, 128), jnp.float32),
        scratch_types=[pltpu.VMEM((_NCHUNK, _CHUNK), jnp.int32),
                       pltpu.VMEM((_CHUNK, 128), jnp.float32),
                       pltpu.VMEM((_CHUNK, 128), jnp.float32),
                       pltpu.VMEM_SHARED((_N, 128), jnp.float32),
                       pltpu.SemaphoreType.DMA])


def _tc1_body(P, cnt, x, W1l, b1, W1r, gamma, beta, o):
    sums = P[0] + P[1]
    cnt1 = jnp.maximum((cnt[0] + cnt[1])[:, 0:1], 1.0)
    agg = sums / cnt1
    h = (jnp.dot(agg, W1l[...], preferred_element_type=jnp.float32)
         + jnp.dot(x[...], W1r[...], preferred_element_type=jnp.float32)
         + b1[...])
    nrm = jnp.sqrt(jnp.sum(h * h, axis=1, keepdims=True))
    h = h / jnp.maximum(nrm, 1e-12)
    h = jnp.maximum(h, 0.0)
    mu = jnp.mean(h, axis=0, keepdims=True)
    var = jnp.mean(jnp.square(h - mu), axis=0, keepdims=True)
    o[...] = (h - mu) * (gamma[...] / jnp.sqrt(var + 1e-5)) + beta[...]


def _tc2_body(P, cnt, h, W2l, b2, W2r, Wfc, bfc, o):
    sums = P[0] + P[1]
    cnt1 = jnp.maximum((cnt[0] + cnt[1])[:, 0:1], 1.0)
    agg = sums / cnt1
    h2 = (jnp.dot(agg, W2l[...], preferred_element_type=jnp.float32)
          + jnp.dot(h[...], W2r[...], preferred_element_type=jnp.float32)
          + b2[...])
    nrm = jnp.sqrt(jnp.sum(h2 * h2, axis=1, keepdims=True))
    h2 = h2 / jnp.maximum(nrm, 1e-12)
    o[...] = jnp.dot(h2, Wfc[...], preferred_element_type=jnp.float32) + bfc[...]


_tc1 = pl.pallas_call(
    _tc1_body, out_shape=jax.ShapeDtypeStruct((_N, 128), jnp.float32))
_tc2 = pl.pallas_call(
    _tc2_body, out_shape=jax.ShapeDtypeStruct((_N, 64), jnp.float32))


def kernel(x, edge_index, W1l, b1, W1r, gamma, beta, W2l, b2, W2r, Wfc, bfc):
    srcs3 = edge_index[0].reshape(_NC * _NS, _NCHUNK, _CHUNK)
    dsts3 = edge_index[1].reshape(_NC * _NS, _NCHUNK, _CHUNK)
    C2 = _get_cnt()(dsts3)
    P1 = _get_agg()(x, srcs3, dsts3)
    h_bn = _tc1(P1, C2, x, W1l, b1.reshape(1, -1), W1r,
                gamma.reshape(1, -1), beta.reshape(1, -1))
    P2 = _get_agg()(h_bn, srcs3, dsts3)
    out = _tc2(P2, C2, h_bn, W2l, b2.reshape(1, -1), W2r,
               Wfc, bfc.reshape(1, -1))
    return out

# --- scband reference (transcript-rebuilt; emitter-appended) ---
"""Pipeline reference for scband-sage-6356551598791 (READ-ONLY COPY).

The authoritative reference and input builder live on the scoring server;
editing this copy changes nothing except your own understanding.
"""

import jax, jax.numpy as jnp
import numpy as np

N = 10000
E = 320000
F_IN = 128
F_HID = 128
F_OUT = 64


def setup_inputs(seed: int = 0) -> dict:
    key = jax.random.key(seed)
    ks = jax.random.split(key, 8)
    x = jax.random.normal(ks[0], (N, F_IN), dtype=jnp.float32)
    edge_index = jax.random.randint(ks[1], (2, E), 0, N)

    def xavier(k, shape):
        bound = float(np.sqrt(6.0 / (shape[0] + shape[1])))
        return jax.random.uniform(k, shape, dtype=jnp.float32, minval=-bound, maxval=bound)

    W1l = xavier(ks[2], (F_IN, F_HID))
    b1 = jnp.zeros((F_HID,), dtype=jnp.float32)
    W1r = xavier(ks[3], (F_IN, F_HID))
    gamma = jnp.ones((F_HID,), dtype=jnp.float32)
    beta = jnp.zeros((F_HID,), dtype=jnp.float32)
    W2l = xavier(ks[4], (F_HID, F_HID))
    b2 = jnp.zeros((F_HID,), dtype=jnp.float32)
    W2r = xavier(ks[5], (F_HID, F_HID))
    Wfc = xavier(ks[6], (F_HID, F_OUT))
    bfc = jnp.zeros((F_OUT,), dtype=jnp.float32)
    return {
        'x': x, 'edge_index': edge_index,
        'W1l': W1l, 'b1': b1, 'W1r': W1r,
        'gamma': gamma, 'beta': beta,
        'W2l': W2l, 'b2': b2, 'W2r': W2r,
        'Wfc': Wfc, 'bfc': bfc,
    }


def _mean_agg(h, src, dst, n):
    sums = jax.ops.segment_sum(h[src], dst, num_segments=n)
    cnt = jax.ops.segment_sum(jnp.ones((src.shape[0], 1), dtype=h.dtype), dst, num_segments=n)
    return sums / jnp.maximum(cnt, 1.0)


def _l2norm(h):
    nrm = jnp.linalg.norm(h, axis=-1, keepdims=True)
    return h / jnp.maximum(nrm, 1e-12)


def reference(x, edge_index, W1l, b1, W1r, gamma, beta, W2l, b2, W2r, Wfc, bfc):
    src = edge_index[0]
    dst = edge_index[1]
    n = x.shape[0]
    # SAGEConv layer 1 (mean aggr, normalize=True)
    h = _mean_agg(x, src, dst, n) @ W1l + b1 + x @ W1r
    h = _l2norm(h)
    # transition: ReLU -> BatchNorm1d (batch stats, training mode) -> Dropout (identity in reference)
    h = jax.nn.relu(h)
    mu = jnp.mean(h, axis=0)
    var = jnp.var(h, axis=0)
    h = (h - mu) / jnp.sqrt(var + 1e-5) * gamma + beta
    # SAGEConv layer 2
    h = _mean_agg(h, src, dst, n) @ W2l + b2 + h @ W2r
    h = _l2norm(h)
    # final linear
    return h @ Wfc + bfc

if __name__ == "__main__":
    import jax
    _d = setup_inputs()
    print(jax.jit(kernel)(*tuple(_d.values())))

</pallas_src>

<mosaic_0001>
#map = affine_map<(d0, d1) -> (0, 0)>
#map1 = affine_map<(d0, d1) -> (0, 0, 0)>
module attributes {stable_mosaic.version = 14 : i64} {
  func.func @_agg_body(%arg0: i32, %arg1: i32, %arg2: memref<10000x128xf32, #tpu.memory_space<hbm>>, %arg3: memref<32x125x80xi32, #tpu.memory_space<hbm>>, %arg4: memref<32x125x80xi32, #tpu.memory_space<hbm>>, %arg5: memref<2x10000x128xf32, #tpu.memory_space<hbm>>, %arg6: memref<80xi32, #tpu.memory_space<vmem>>, %arg7: memref<80xi32, #tpu.memory_space<vmem>>, %arg8: memref<80xi32, #tpu.memory_space<vmem>>, %arg9: memref<80xi32, #tpu.memory_space<vmem>>, %arg10: memref<80xi32, #tpu.memory_space<vmem>>, %arg11: memref<80xi32, #tpu.memory_space<vmem>>, %arg12: memref<80x128xf32, #tpu.memory_space<vmem>>, %arg13: memref<80x128xf32, #tpu.memory_space<vmem>>, %arg14: memref<80x128xf32, #tpu.memory_space<vmem>>, %arg15: memref<10000x128xf32, #tpu.memory_space<vmem_shared>>, %arg16: memref<!tpu.dma_semaphore, #tpu.memory_space<semaphore_mem>>, %arg17: memref<!tpu.dma_semaphore, #tpu.memory_space<semaphore_mem>>, %arg18: memref<!tpu.dma_semaphore, #tpu.memory_space<semaphore_mem>>, %arg19: memref<!tpu.dma_semaphore, #tpu.memory_space<semaphore_mem>>, %arg20: memref<!tpu.dma_semaphore, #tpu.memory_space<semaphore_mem>>, %arg21: memref<!tpu.dma_semaphore, #tpu.memory_space<semaphore_mem>>, %arg22: memref<!tpu.dma_semaphore, #tpu.memory_space<semaphore_mem>>, %arg23: memref<!tpu.dma_semaphore, #tpu.memory_space<semaphore_mem>>, %arg24: memref<!tpu.dma_semaphore, #tpu.memory_space<semaphore_mem>>, %arg25: memref<!tpu.dma_semaphore, #tpu.memory_space<semaphore_mem>>, %arg26: memref<!tpu.dma_semaphore, #tpu.memory_space<semaphore_mem>>, %arg27: memref<!tpu.dma_semaphore, #tpu.memory_space<semaphore_mem>>) attributes {dimension_semantics = [#tpu.dimension_semantics<core_parallel>, #tpu.dimension_semantics<subcore_parallel>], iteration_bounds = array<i64: 2, 16>, scalar_prefetch = 0 : i64, scratch_operands = 22 : i64, tpu.core_type = #tpu.core_type<sc_vector_subcore>, window_params = [{transform_indices = #map}, {transform_indices = #map1}, {transform_indices = #map1}, {transform_indices = #map1}]} {
    %mul3A = arith.constant 16 : i32
    %mul3A_0 = arith.muli %arg0, %mul3A : i32
    %add3A = arith.addi %mul3A_0, %arg1 : i32
    %scan3A = arith.constant 0 : i32
    %scan3A_1 = arith.constant 0 : i32
    %scan3A_2 = arith.constant 80 : i32
    %scan3A_3 = arith.addi %scan3A_1, %scan3A_2 : i32
    %scan3A_4 = arith.constant 1 : i32
    %scan3A_5 = scf.for %scan3A_155 = %scan3A_1 to %scan3A_3 step %scan3A_4 iter_args(%scan3A_156 = %scan3A) -> (i32)  : i32 {
      %broadcast_in_dim3A = arith.constant 0.000000e+00 : f32
      %broadcast_in_dim3A_157 = vector.broadcast %broadcast_in_dim3A : f32 to vector<16xf32>
      %swap3A = arith.index_cast %scan3A_155 : i32 to index
      %swap3A_158 = arith.constant 0 : index
      %swap3A_159 = tpu.vector_load %arg12[%swap3A, %swap3A_158] {strides = array<i32>} : memref<80x128xf32, #tpu.memory_space<vmem>>, vector<1x16xf32>,
      %swap3A_160 = vector.shape_cast %swap3A_159 : vector<1x16xf32> to vector<16xf32>
      %swap3A_161 = vector.shape_cast %broadcast_in_dim3A_157 : vector<16xf32> to vector<1x16xf32>
      tpu.vector_store %arg12[%swap3A, %swap3A_158], %swap3A_161 {strides = array<i32>} : memref<80x128xf32, #tpu.memory_space<vmem>>, vector<1x16xf32>,
      %broadcast_in_dim3A_162 = arith.constant 0.000000e+00 : f32
      %broadcast_in_dim3A_163 = vector.broadcast %broadcast_in_dim3A_162 : f32 to vector<16xf32>
      %swap3A_164 = arith.index_cast %scan3A_155 : i32 to index
      %swap3A_165 = arith.constant 16 : index
      %swap3A_166 = tpu.vector_load %arg12[%swap3A_164, %swap3A_165] {strides = array<i32>} : memref<80x128xf32, #tpu.memory_space<vmem>>, vector<1x16xf32>,
      %swap3A_167 = vector.shape_cast %swap3A_166 : vector<1x16xf32> to vector<16xf32>
      %swap3A_168 = vector.shape_cast %broadcast_in_dim3A_163 : vector<16xf32> to vector<1x16xf32>
      tpu.vector_store %arg12[%swap3A_164, %swap3A_165], %swap3A_168 {strides = array<i32>} : memref<80x128xf32, #tpu.memory_space<vmem>>, vector<1x16xf32>,
      %broadcast_in_dim3A_169 = arith.constant 0.000000e+00 : f32
      %broadcast_in_dim3A_170 = vector.broadcast %broadcast_in_dim3A_169 : f32 to vector<16xf32>
      %swap3A_171 = arith.index_cast %scan3A_155 : i32 to index
      %swap3A_172 = arith.constant 32 : index
      %swap3A_173 = tpu.vector_load %arg12[%swap3A_171, %swap3A_172] {strides = array<i32>} : memref<80x128xf32, #tpu.memory_space<vmem>>, vector<1x16xf32>,
      %swap3A_174 = vector.shape_cast %swap3A_173 : vector<1x16xf32> to vector<16xf32>
      %swap3A_175 = vector.shape_cast %broadcast_in_dim3A_170 : vector<16xf32> to vector<1x16xf32>
      tpu.vector_store %arg12[%swap3A_171, %swap3A_172], %swap3A_175 {strides = array<i32>} : memref<80x128xf32, #tpu.memory_space<vmem>>, vector<1x16xf32>,
      %broadcast_in_dim3A_176 = arith.constant 0.000000e+00 : f32
      %broadcast_in_dim3A_177 = vector.broadcast %broadcast_in_dim3A_176 : f32 to vector<16xf32>
      %swap3A_178 = arith.index_cast %scan3A_155 : i32 to index
      %swap3A_179 = arith.constant 48 : index
      %swap3A_180 = tpu.vector_load %arg12[%swap3A_178, %swap3A_179] {strides = array<i32>} : memref<80x128xf32, #tpu.memory_space<vmem>>, vector<1x16xf32>,
      %swap3A_181 = vector.shape_cast %swap3A_180 : vector<1x16xf32> to vector<16xf32>
      %swap3A_182 = vector.shape_cast %broadcast_in_dim3A_177 : vector<16xf32> to vector<1x16xf32>
      tpu.vector_store %arg12[%swap3A_178, %swap3A_179], %swap3A_182 {strides = array<i32>} : memref<80x128xf32, #tpu.memory_space<vmem>>, vector<1x16xf32>,
      %broadcast_in_dim3A_183 = arith.constant 0.000000e+00 : f32
      %broadcast_in_dim3A_184 = vector.broadcast %broadcast_in_dim3A_183 : f32 to vector<16xf32>
      %swap3A_185 = arith.index_cast %scan3A_155 : i32 to index
      %swap3A_186 = arith.constant 64 : index
      %swap3A_187 = tpu.vector_load %arg12[%swap3A_185, %swap3A_186] {strides = array<i32>} : memref<80x128xf32, #tpu.memory_space<vmem>>, vector<1x16xf32>,
      %swap3A_188 = vector.shape_cast %swap3A_187 : vector<1x16xf32> to vector<16xf32>
      %swap3A_189 = vector.shape_cast %broadcast_in_dim3A_184 : vector<16xf32> to vector<1x16xf32>
      tpu.vector_store %arg12[%swap3A_185, %swap3A_186], %swap3A_189 {strides = array<i32>} : memref<80x128xf32, #tpu.memory_space<vmem>>, vector<1x16xf32>,
      %broadcast_in_dim3A_190 = arith.constant 0.000000e+00 : f32
      %broadcast_in_dim3A_191 = vector.broadcast %broadcast_in_dim3A_190 : f32 to vector<16xf32>
      %swap3A_192 = arith.index_cast %scan3A_155 : i32 to index
      %swap3A_193 = arith.constant 80 : index
      %swap3A_194 = tpu.vector_load %arg12[%swap3A_192, %swap3A_193] {strides = array<i32>} : memref<80x128xf32, #tpu.memory_space<vmem>>, vector<1x16xf32>,
      %swap3A_195 = vector.shape_cast %swap3A_194 : vector<1x16xf32> to vector<16xf32>
      %swap3A_196 = vector.shape_cast %broadcast_in_dim3A_191 : vector<16xf32> to vector<1x16xf32>
      tpu.vector_store %arg12[%swap3A_192, %swap3A_193], %swap3A_196 {strides = array<i32>} : memref<80x128xf32, #tpu.memory_space<vmem>>, vector<1x16xf32>,
      %broadcast_in_dim3A_197 = arith.constant 0.000000e+00 : f32
      %broadcast_in_dim3A_198 = vector.broadcast %broadcast_in_dim3A_197 : f32 to vector<16xf32>
      %swap3A_199 = arith.index_cast %scan3A_155 : i32 to index
      %swap3A_200 = arith.constant 96 : index
      %swap3A_201 = tpu.vector_load %arg12[%swap3A_199, %swap3A_200] {strides = array<i32>} : memref<80x128xf32, #tpu.memory_space<vmem>>, vector<1x16xf32>,
      %swap3A_202 = vector.shape_cast %swap3A_201 : vector<1x16xf32> to vector<16xf32>
      %swap3A_203 = vector.shape_cast %broadcast_in_dim3A_198 : vector<16xf32> to vector<1x16xf32>
      tpu.vector_store %arg12[%swap3A_199, %swap3A_200], %swap3A_203 {strides = array<i32>} : memref<80x128xf32, #tpu.memory_space<vmem>>, vector<1x16xf32>,
      %broadcast_in_dim3A_204 = arith.constant 0.000000e+00 : f32
      %broadcast_in_dim3A_205 = vector.broadcast %broadcast_in_dim3A_204 : f32 to vector<16xf32>
      %swap3A_206 = arith.index_cast %scan3A_155 : i32 to index
      %swap3A_207 = arith.constant 112 : index
      %swap3A_208 = tpu.vector_load %arg12[%swap3A_206, %swap3A_207] {strides = array<i32>} : memref<80x128xf32, #tpu.memory_space<vmem>>, vector<1x16xf32>,
      %swap3A_209 = vector.shape_cast %swap3A_208 : vector<1x16xf32> to vector<16xf32>
      %swap3A_210 = vector.shape_cast %broadcast_in_dim3A_205 : vector<16xf32> to vector<1x16xf32>
      tpu.vector_store %arg12[%swap3A_206, %swap3A_207], %swap3A_210 {strides = array<i32>} : memref<80x128xf32, #tpu.memory_space<vmem>>, vector<1x16xf32>,
      %scan3A_211 = arith.constant 0 : i32
      scf.yield %scan3A_211 : i32
    }
    %scan3A_6 = arith.constant 80 : i32
    %scan3A_7 = arith.constant 0 : i32
    %scan3A_8 = arith.constant 0 : i32
    %scan3A_9 = arith.constant 80 : i32
    %scan3A_10 = arith.addi %scan3A_8, %scan3A_9 : i32
    %scan3A_11 = arith.constant 1 : i32
    %scan3A_12 = scf.for %scan3A_155 = %scan3A_8 to %scan3A_10 step %scan3A_11 iter_args(%scan3A_156 = %scan3A_7) -> (i32)  : i32 {
      %broadcast_in_dim3A = arith.constant 0.000000e+00 : f32
      %broadcast_in_dim3A_157 = vector.broadcast %broadcast_in_dim3A : f32 to vector<16xf32>
      %swap3A = arith.index_cast %scan3A_155 : i32 to index
      %swap3A_158 = arith.constant 0 : index
      %swap3A_159 = tpu.vector_load %arg13[%swap3A, %swap3A_158] {strides = array<i32>} : memref<80x128xf32, #tpu.memory_space<vmem>>, vector<1x16xf32>,
      %swap3A_160 = vector.shape_cast %swap3A_159 : vector<1x16xf32> to vector<16xf32>
      %swap3A_161 = vector.shape_cast %broadcast_in_dim3A_157 : vector<16xf32> to vector<1x16xf32>
      tpu.vector_store %arg13[%swap3A, %swap3A_158], %swap3A_161 {strides = array<i32>} : memref<80x128xf32, #tpu.memory_space<vmem>>, vector<1x16xf32>,
      %broadcast_in_dim3A_162 = arith.constant 0.000000e+00 : f32
      %broadcast_in_dim3A_163 = vector.broadcast %broadcast_in_dim3A_162 : f32 to vector<16xf32>
      %swap3A_164 = arith.index_cast %scan3A_155 : i32 to index
      %swap3A_165 = arith.constant 16 : index
      %swap3A_166 = tpu.vector_load %arg13[%swap3A_164, %swap3A_165] {strides = array<i32>} : memref<80x128xf32, #tpu.memory_space<vmem>>, vector<1x16xf32>,
      %swap3A_167 = vector.shape_cast %swap3A_166 : vector<1x16xf32> to vector<16xf32>
      %swap3A_168 = vector.shape_cast %broadcast_in_dim3A_163 : vector<16xf32> to vector<1x16xf32>
      tpu.vector_store %arg13[%swap3A_164, %swap3A_165], %swap3A_168 {strides = array<i32>} : memref<80x128xf32, #tpu.memory_space<vmem>>, vector<1x16xf32>,
      %broadcast_in_dim3A_169 = arith.constant 0.000000e+00 : f32
      %broadcast_in_dim3A_170 = vector.broadcast %broadcast_in_dim3A_169 : f32 to vector<16xf32>
      %swap3A_171 = arith.index_cast %scan3A_155 : i32 to index
      %swap3A_172 = arith.constant 32 : index
      %swap3A_173 = tpu.vector_load %arg13[%swap3A_171, %swap3A_172] {strides = array<i32>} : memref<80x128xf32, #tpu.memory_space<vmem>>, vector<1x16xf32>,
      %swap3A_174 = vector.shape_cast %swap3A_173 : vector<1x16xf32> to vector<16xf32>
      %swap3A_175 = vector.shape_cast %broadcast_in_dim3A_170 : vector<16xf32> to vector<1x16xf32>
      tpu.vector_store %arg13[%swap3A_171, %swap3A_172], %swap3A_175 {strides = array<i32>} : memref<80x128xf32, #tpu.memory_space<vmem>>, vector<1x16xf32>,
      %broadcast_in_dim3A_176 = arith.constant 0.000000e+00 : f32
      %broadcast_in_dim3A_177 = vector.broadcast %broadcast_in_dim3A_176 : f32 to vector<16xf32>
      %swap3A_178 = arith.index_cast %scan3A_155 : i32 to index
      %swap3A_179 = arith.constant 48 : index
      %swap3A_180 = tpu.vector_load %arg13[%swap3A_178, %swap3A_179] {strides = array<i32>} : memref<80x128xf32, #tpu.memory_space<vmem>>, vector<1x16xf32>,
      %swap3A_181 = vector.shape_cast %swap3A_180 : vector<1x16xf32> to vector<16xf32>
      %swap3A_182 = vector.shape_cast %broadcast_in_dim3A_177 : vector<16xf32> to vector<1x16xf32>
      tpu.vector_store %arg13[%swap3A_178, %swap3A_179], %swap3A_182 {strides = array<i32>} : memref<80x128xf32, #tpu.memory_space<vmem>>, vector<1x16xf32>,
      %broadcast_in_dim3A_183 = arith.constant 0.000000e+00 : f32
      %broadcast_in_dim3A_184 = vector.broadcast %broadcast_in_dim3A_183 : f32 to vector<16xf32>
      %swap3A_185 = arith.index_cast %scan3A_155 : i32 to index
      %swap3A_186 = arith.constant 64 : index
      %swap3A_187 = tpu.vector_load %arg13[%swap3A_185, %swap3A_186] {strides = array<i32>} : memref<80x128xf32, #tpu.memory_space<vmem>>, vector<1x16xf32>,
      %swap3A_188 = vector.shape_cast %swap3A_187 : vector<1x16xf32> to vector<16xf32>
      %swap3A_189 = vector.shape_cast %broadcast_in_dim3A_184 : vector<16xf32> to vector<1x16xf32>
      tpu.vector_store %arg13[%swap3A_185, %swap3A_186], %swap3A_189 {strides = array<i32>} : memref<80x128xf32, #tpu.memory_space<vmem>>, vector<1x16xf32>,
      %broadcast_in_dim3A_190 = arith.constant 0.000000e+00 : f32
      %broadcast_in_dim3A_191 = vector.broadcast %broadcast_in_dim3A_190 : f32 to vector<16xf32>
      %swap3A_192 = arith.index_cast %scan3A_155 : i32 to index
      %swap3A_193 = arith.constant 80 : index
      %swap3A_194 = tpu.vector_load %arg13[%swap3A_192, %swap3A_193] {strides = array<i32>} : memref<80x128xf32, #tpu.memory_space<vmem>>, vector<1x16xf32>,
      %swap3A_195 = vector.shape_cast %swap3A_194 : vector<1x16xf32> to vector<16xf32>
      %swap3A_196 = vector.shape_cast %broadcast_in_dim3A_191 : vector<16xf32> to vector<1x16xf32>
      tpu.vector_store %arg13[%swap3A_192, %swap3A_193], %swap3A_196 {strides = array<i32>} : memref<80x128xf32, #tpu.memory_space<vmem>>, vector<1x16xf32>,
      %broadcast_in_dim3A_197 = arith.constant 0.000000e+00 : f32
      %broadcast_in_dim3A_198 = vector.broadcast %broadcast_in_dim3A_197 : f32 to vector<16xf32>
      %swap3A_199 = arith.index_cast %scan3A_155 : i32 to index
      %swap3A_200 = arith.constant 96 : index
      %swap3A_201 = tpu.vector_load %arg13[%swap3A_199, %swap3A_200] {strides = array<i32>} : memref<80x128xf32, #tpu.memory_space<vmem>>, vector<1x16xf32>,
      %swap3A_202 = vector.shape_cast %swap3A_201 : vector<1x16xf32> to vector<16xf32>
      %swap3A_203 = vector.shape_cast %broadcast_in_dim3A_198 : vector<16xf32> to vector<1x16xf32>
      tpu.vector_store %arg13[%swap3A_199, %swap3A_200], %swap3A_203 {strides = array<i32>} : memref<80x128xf32, #tpu.memory_space<vmem>>, vector<1x16xf32>,
      %broadcast_in_dim3A_204 = arith.constant 0.000000e+00 : f32
      %broadcast_in_dim3A_205 = vector.broadcast %broadcast_in_dim3A_204 : f32 to vector<16xf32>
      %swap3A_206 = arith.index_cast %scan3A_155 : i32 to index
      %swap3A_207 = arith.constant 112 : index
      %swap3A_208 = tpu.vector_load %arg13[%swap3A_206, %swap3A_207] {strides = array<i32>} : memref<80x128xf32, #tpu.memory_space<vmem>>, vector<1x16xf32>,
      %swap3A_209 = vector.shape_cast %swap3A_208 : vector<1x16xf32> to vector<16xf32>
      %swap3A_210 = vector.shape_cast %broadcast_in_dim3A_205 : vector<16xf32> to vector<1x16xf32>
      tpu.vector_store %arg13[%swap3A_206, %swap3A_207], %swap3A_210 {strides = array<i32>} : memref<80x128xf32, #tpu.memory_space<vmem>>, vector<1x16xf32>,
      %scan3A_211 = arith.constant 0 : i32
      scf.yield %scan3A_211 : i32
    }
    %scan3A_13 = arith.constant 80 : i32
    %scan3A_14 = arith.constant 0 : i32
    %scan3A_15 = arith.constant 0 : i32
    %scan3A_16 = arith.constant 80 : i32
    %scan3A_17 = arith.addi %scan3A_15, %scan3A_16 : i32
    %scan3A_18 = arith.constant 1 : i32
    %scan3A_19 = scf.for %scan3A_155 = %scan3A_15 to %scan3A_17 step %scan3A_18 iter_args(%scan3A_156 = %scan3A_14) -> (i32)  : i32 {
      %broadcast_in_dim3A = arith.constant 0.000000e+00 : f32
      %broadcast_in_dim3A_157 = vector.broadcast %broadcast_in_dim3A : f32 to vector<16xf32>
      %swap3A = arith.index_cast %scan3A_155 : i32 to index
      %swap3A_158 = arith.constant 0 : index
      %swap3A_159 = tpu.vector_load %arg14[%swap3A, %swap3A_158] {strides = array<i32>} : memref<80x128xf32, #tpu.memory_space<vmem>>, vector<1x16xf32>,
      %swap3A_160 = vector.shape_cast %swap3A_159 : vector<1x16xf32> to vector<16xf32>
      %swap3A_161 = vector.shape_cast %broadcast_in_dim3A_157 : vector<16xf32> to vector<1x16xf32>
      tpu.vector_store %arg14[%swap3A, %swap3A_158], %swap3A_161 {strides = array<i32>} : memref<80x128xf32, #tpu.memory_space<vmem>>, vector<1x16xf32>,
      %broadcast_in_dim3A_162 = arith.constant 0.000000e+00 : f32
      %broadcast_in_dim3A_163 = vector.broadcast %broadcast_in_dim3A_162 : f32 to vector<16xf32>
      %swap3A_164 = arith.index_cast %scan3A_155 : i32 to index
      %swap3A_165 = arith.constant 16 : index
      %swap3A_166 = tpu.vector_load %arg14[%swap3A_164, %swap3A_165] {strides = array<i32>} : memref<80x128xf32, #tpu.memory_space<vmem>>, vector<1x16xf32>,
      %swap3A_167 = vector.shape_cast %swap3A_166 : vector<1x16xf32> to vector<16xf32>
      %swap3A_168 = vector.shape_cast %broadcast_in_dim3A_163 : vector<16xf32> to vector<1x16xf32>
      tpu.vector_store %arg14[%swap3A_164, %swap3A_165], %swap3A_168 {strides = array<i32>} : memref<80x128xf32, #tpu.memory_space<vmem>>, vector<1x16xf32>,
      %broadcast_in_dim3A_169 = arith.constant 0.000000e+00 : f32
      %broadcast_in_dim3A_170 = vector.broadcast %broadcast_in_dim3A_169 : f32 to vector<16xf32>
      %swap3A_171 = arith.index_cast %scan3A_155 : i32 to index
      %swap3A_172 = arith.constant 32 : index
      %swap3A_173 = tpu.vector_load %arg14[%swap3A_171, %swap3A_172] {strides = array<i32>} : memref<80x128xf32, #tpu.memory_space<vmem>>, vector<1x16xf32>,
      %swap3A_174 = vector.shape_cast %swap3A_173 : vector<1x16xf32> to vector<16xf32>
      %swap3A_175 = vector.shape_cast %broadcast_in_dim3A_170 : vector<16xf32> to vector<1x16xf32>
      tpu.vector_store %arg14[%swap3A_171, %swap3A_172], %swap3A_175 {strides = array<i32>} : memref<80x128xf32, #tpu.memory_space<vmem>>, vector<1x16xf32>,
      %broadcast_in_dim3A_176 = arith.constant 0.000000e+00 : f32
      %broadcast_in_dim3A_177 = vector.broadcast %broadcast_in_dim3A_176 : f32 to vector<16xf32>
      %swap3A_178 = arith.index_cast %scan3A_155 : i32 to index
      %swap3A_179 = arith.constant 48 : index
      %swap3A_180 = tpu.vector_load %arg14[%swap3A_178, %swap3A_179] {strides = array<i32>} : memref<80x128xf32, #tpu.memory_space<vmem>>, vector<1x16xf32>,
      %swap3A_181 = vector.shape_cast %swap3A_180 : vector<1x16xf32> to vector<16xf32>
      %swap3A_182 = vector.shape_cast %broadcast_in_dim3A_177 : vector<16xf32> to vector<1x16xf32>
      tpu.vector_store %arg14[%swap3A_178, %swap3A_179], %swap3A_182 {strides = array<i32>} : memref<80x128xf32, #tpu.memory_space<vmem>>, vector<1x16xf32>,
      %broadcast_in_dim3A_183 = arith.constant 0.000000e+00 : f32
      %broadcast_in_dim3A_184 = vector.broadcast %broadcast_in_dim3A_183 : f32 to vector<16xf32>
      %swap3A_185 = arith.index_cast %scan3A_155 : i32 to index
      %swap3A_186 = arith.constant 64 : index
      %swap3A_187 = tpu.vector_load %arg14[%swap3A_185, %swap3A_186] {strides = array<i32>} : memref<80x128xf32, #tpu.memory_space<vmem>>, vector<1x16xf32>,
      %swap3A_188 = vector.shape_cast %swap3A_187 : vector<1x16xf32> to vector<16xf32>
      %swap3A_189 = vector.shape_cast %broadcast_in_dim3A_184 : vector<16xf32> to vector<1x16xf32>
      tpu.vector_store %arg14[%swap3A_185, %swap3A_186], %swap3A_189 {strides = array<i32>} : memref<80x128xf32, #tpu.memory_space<vmem>>, vector<1x16xf32>,
      %broadcast_in_dim3A_190 = arith.constant 0.000000e+00 : f32
      %broadcast_in_dim3A_191 = vector.broadcast %broadcast_in_dim3A_190 : f32 to vector<16xf32>
      %swap3A_192 = arith.index_cast %scan3A_155 : i32 to index
      %swap3A_193 = arith.constant 80 : index
      %swap3A_194 = tpu.vector_load %arg14[%swap3A_192, %swap3A_193] {strides = array<i32>} : memref<80x128xf32, #tpu.memory_space<vmem>>, vector<1x16xf32>,
      %swap3A_195 = vector.shape_cast %swap3A_194 : vector<1x16xf32> to vector<16xf32>
      %swap3A_196 = vector.shape_cast %broadcast_in_dim3A_191 : vector<16xf32> to vector<1x16xf32>
      tpu.vector_store %arg14[%swap3A_192, %swap3A_193], %swap3A_196 {strides = array<i32>} : memref<80x128xf32, #tpu.memory_space<vmem>>, vector<1x16xf32>,
      %broadcast_in_dim3A_197 = arith.constant 0.000000e+00 : f32
      %broadcast_in_dim3A_198 = vector.broadcast %broadcast_in_dim3A_197 : f32 to vector<16xf32>
      %swap3A_199 = arith.index_cast %scan3A_155 : i32 to index
      %swap3A_200 = arith.constant 96 : index
      %swap3A_201 = tpu.vector_load %arg14[%swap3A_199, %swap3A_200] {strides = array<i32>} : memref<80x128xf32, #tpu.memory_space<vmem>>, vector<1x16xf32>,
      %swap3A_202 = vector.shape_cast %swap3A_201 : vector<1x16xf32> to vector<16xf32>
      %swap3A_203 = vector.shape_cast %broadcast_in_dim3A_198 : vector<16xf32> to vector<1x16xf32>
      tpu.vector_store %arg14[%swap3A_199, %swap3A_200], %swap3A_203 {strides = array<i32>} : memref<80x128xf32, #tpu.memory_space<vmem>>, vector<1x16xf32>,
      %broadcast_in_dim3A_204 = arith.constant 0.000000e+00 : f32
      %broadcast_in_dim3A_205 = vector.broadcast %broadcast_in_dim3A_204 : f32 to vector<16xf32>
      %swap3A_206 = arith.index_cast %scan3A_155 : i32 to index
      %swap3A_207 = arith.constant 112 : index
      %swap3A_208 = tpu.vector_load %arg14[%swap3A_206, %swap3A_207] {strides = array<i32>} : memref<80x128xf32, #tpu.memory_space<vmem>>, vector<1x16xf32>,
      %swap3A_209 = vector.shape_cast %swap3A_208 : vector<1x16xf32> to vector<16xf32>
      %swap3A_210 = vector.shape_cast %broadcast_in_dim3A_205 : vector<16xf32> to vector<1x16xf32>
      tpu.vector_store %arg14[%swap3A_206, %swap3A_207], %swap3A_210 {strides = array<i32>} : memref<80x128xf32, #tpu.memory_space<vmem>>, vector<1x16xf32>,
      %scan3A_211 = arith.constant 0 : i32
      scf.yield %scan3A_211 : i32
    }
    %scan3A_20 = arith.constant 80 : i32
    %run_scoped3A = arith.constant 0 : i32
    "tpu.region"() ({
      %run_scoped3A_155 = tpu.sem_alloc : memref<!tpu.dma_semaphore, #tpu.memory_space<semaphore_mem>>
      %dma_start3A_156 = arith.constant 0 : i32
      %dma_start3A_157 = tpu.memref_slice %arg4[%add3A, %run_scoped3A, %dma_start3A_156] : memref<32x125x80xi32, #tpu.memory_space<hbm>> -> memref<1x1x80xi32, #tpu.memory_space<hbm>>
      %dma_start3A_158 = tpu.memref_squeeze %dma_start3A_157 : memref<1x1x80xi32, #tpu.memory_space<hbm>> -> memref<80xi32, #tpu.memory_space<hbm>>
      %dma_start3A_159 = arith.constant 0 : i32
      %dma_start3A_160 = tpu.memref_slice %arg4[%add3A, %run_scoped3A, %dma_start3A_159] : memref<32x125x80xi32, #tpu.memory_space<hbm>> -> memref<1x1x80xi32, #tpu.memory_space<hbm>>
      %dma_start3A_161 = tpu.memref_squeeze %dma_start3A_160 : memref<1x1x80xi32, #tpu.memory_space<hbm>> -> memref<80xi32, #tpu.memory_space<hbm>>
      tpu.enqueue_dma source(%dma_start3A_161 : memref<80xi32, #tpu.memory_space<hbm>>) target(%arg11 : memref<80xi32, #tpu.memory_space<vmem>>) target_semaphore(%run_scoped3A_155 : memref<!tpu.dma_semaphore, #tpu.memory_space<semaphore_mem>>)
      %dma_wait3A_162 = arith.constant 0 : i32
      %dma_wait3A_163 = tpu.memref_slice %arg4[%add3A, %run_scoped3A, %dma_wait3A_162] : memref<32x125x80xi32, #tpu.memory_space<hbm>> -> memref<1x1x80xi32, #tpu.memory_space<hbm>>
      %dma_wait3A_164 = tpu.memref_squeeze %dma_wait3A_163 : memref<1x1x80xi32, #tpu.memory_space<hbm>> -> memref<80xi32, #tpu.memory_space<hbm>>
      %dma_wait3A_165 = arith.constant 0 : i32
      %dma_wait3A_166 = tpu.memref_slice %arg4[%add3A, %run_scoped3A, %dma_wait3A_165] : memref<32x125x80xi32, #tpu.memory_space<hbm>> -> memref<1x1x80xi32, #tpu.memory_space<hbm>>
      %dma_wait3A_167 = tpu.memref_squeeze %dma_wait3A_166 : memref<1x1x80xi32, #tpu.memory_space<hbm>> -> memref<80xi32, #tpu.memory_space<hbm>>
      tpu.wait_dma2 semaphore(%run_scoped3A_155 : memref<!tpu.dma_semaphore, #tpu.memory_space<semaphore_mem>>) src(%dma_wait3A_167 : memref<80xi32, #tpu.memory_space<hbm>>) dst(%arg11 : memref<80xi32, #tpu.memory_space<vmem>>)
      tpu.yield
    }) : () -> ()
    %mul3A_21 = arith.constant 8 : i32
    %mul3A_22 = arith.muli %arg1, %mul3A_21 : i32
    %add3A_23 = arith.constant 1 : i32
    %add3A_24 = arith.addi %arg1, %add3A_23 : i32
    %mul3A_25 = arith.constant 8 : i32
    %mul3A_26 = arith.muli %add3A_24, %mul3A_25 : i32
    %while3A = arith.constant 0 : i32
    %while3A_27 = arith.subi %mul3A_26, %mul3A_22 : i32
    %while3A_28 = arith.addi %mul3A_22, %while3A_27 : i32
    %while3A_29 = arith.constant 1 : i32
    %while3A_30 = arith.divsi %while3A_27, %while3A_29 : i32
    %while3A_31 = arith.muli %while3A_30, %while3A_29 : i32
    %while3A_32 = arith.addi %mul3A_22, %while3A_31 : i32
    %while3A_33 = arith.constant 1 : i32
    %while3A_34 = scf.for %while3A_155 = %mul3A_22 to %while3A_32 step %while3A_33 iter_args(%while3A_156 = %while3A) -> (i32)  : i32 {
      %mul3A_157 = arith.constant 80 : i32
      %mul3A_158 = arith.muli %while3A_155, %mul3A_157 : i32
      %min3A_159 = arith.constant 9920 : i32
      %min3A_160 = arith.minsi %mul3A_158, %min3A_159 : i32
      "tpu.region"() ({
        %run_scoped3A_162 = tpu.sem_alloc : memref<!tpu.dma_semaphore, #tpu.memory_space<semaphore_mem>>
        %dma_start3A_163 = arith.constant 0 : i32
        %dma_start3A_164 = tpu.memref_slice %arg15[%min3A_160, %dma_start3A_163] : memref<10000x128xf32, #tpu.memory_space<vmem_shared>> -> memref<80x128xf32, #tpu.memory_space<vmem_shared>>
        %dma_start3A_165 = arith.constant 0 : i32
        %dma_start3A_166 = tpu.memref_slice %arg15[%min3A_160, %dma_start3A_165] : memref<10000x128xf32, #tpu.memory_space<vmem_shared>> -> memref<80x128xf32, #tpu.memory_space<vmem_shared>>
        tpu.enqueue_dma source(%arg12 : memref<80x128xf32, #tpu.memory_space<vmem>>) target(%dma_start3A_166 : memref<80x128xf32, #tpu.memory_space<vmem_shared>>) target_semaphore(%run_scoped3A_162 : memref<!tpu.dma_semaphore, #tpu.memory_space<semaphore_mem>>)
        %dma_wait3A_167 = arith.constant 0 : i32
        %dma_wait3A_168 = tpu.memref_slice %arg15[%min3A_160, %dma_wait3A_167] : memref<10000x128xf32, #tpu.memory_space<vmem_shared>> -> memref<80x128xf32, #tpu.memory_space<vmem_shared>>
        %dma_wait3A_169 = arith.constant 0 : i32
        %dma_wait3A_170 = tpu.memref_slice %arg15[%min3A_160, %dma_wait3A_169] : memref<10000x128xf32, #tpu.memory_space<vmem_shared>> -> memref<80x128xf32, #tpu.memory_space<vmem_shared>>
        tpu.wait_dma2 semaphore(%run_scoped3A_162 : memref<!tpu.dma_semaphore, #tpu.memory_space<semaphore_mem>>) src(%arg12 : memref<80x128xf32, #tpu.memory_space<vmem>>) dst(%dma_wait3A_170 : memref<80x128xf32, #tpu.memory_space<vmem_shared>>)
        tpu.yield
      }) : () -> ()
      %while3A_161 = arith.constant 0 : i32
      scf.yield %while3A_161 : i32
    }
    %while3A_35 = arith.constant 1 : i32
    %while3A_36 = scf.for %while3A_155 = %while3A_32 to %while3A_28 step %while3A_35 iter_args(%while3A_156 = %while3A_34) -> (i32)  : i32 {
      %mul3A_157 = arith.constant 80 : i32
      %mul3A_158 = arith.muli %while3A_155, %mul3A_157 : i32
      %min3A_159 = arith.constant 9920 : i32
      %min3A_160 = arith.minsi %mul3A_158, %min3A_159 : i32
      "tpu.region"() ({
        %run_scoped3A_162 = tpu.sem_alloc : memref<!tpu.dma_semaphore, #tpu.memory_space<semaphore_mem>>
        %dma_start3A_163 = arith.constant 0 : i32
        %dma_start3A_164 = tpu.memref_slice %arg15[%min3A_160, %dma_start3A_163] : memref<10000x128xf32, #tpu.memory_space<vmem_shared>> -> memref<80x128xf32, #tpu.memory_space<vmem_shared>>
        %dma_start3A_165 = arith.constant 0 : i32
        %dma_start3A_166 = tpu.memref_slice %arg15[%min3A_160, %dma_start3A_165] : memref<10000x128xf32, #tpu.memory_space<vmem_shared>> -> memref<80x128xf32, #tpu.memory_space<vmem_shared>>
        tpu.enqueue_dma source(%arg12 : memref<80x128xf32, #tpu.memory_space<vmem>>) target(%dma_start3A_166 : memref<80x128xf32, #tpu.memory_space<vmem_shared>>) target_semaphore(%run_scoped3A_162 : memref<!tpu.dma_semaphore, #tpu.memory_space<semaphore_mem>>)
        %dma_wait3A_167 = arith.constant 0 : i32
        %dma_wait3A_168 = tpu.memref_slice %arg15[%min3A_160, %dma_wait3A_167] : memref<10000x128xf32, #tpu.memory_space<vmem_shared>> -> memref<80x128xf32, #tpu.memory_space<vmem_shared>>
        %dma_wait3A_169 = arith.constant 0 : i32
        %dma_wait3A_170 = tpu.memref_slice %arg15[%min3A_160, %dma_wait3A_169] : memref<10000x128xf32, #tpu.memory_space<vmem_shared>> -> memref<80x128xf32, #tpu.memory_space<vmem_shared>>
        tpu.wait_dma2 semaphore(%run_scoped3A_162 : memref<!tpu.dma_semaphore, #tpu.memory_space<semaphore_mem>>) src(%arg12 : memref<80x128xf32, #tpu.memory_space<vmem>>) dst(%dma_wait3A_170 : memref<80x128xf32, #tpu.memory_space<vmem_shared>>)
        tpu.yield
      }) : () -> ()
      %while3A_161 = arith.constant 0 : i32
      scf.yield %while3A_161 : i32
    }
    %barrier3A = arith.constant 0 : index
    tpu.barrier barrier_id(%barrier3A)
    %dma_start3A = arith.constant 0 : i32
    %dma_start3A_37 = arith.constant 0 : i32
    %dma_start3A_38 = tpu.memref_slice %arg3[%add3A, %dma_start3A, %dma_start3A_37] : memref<32x125x80xi32, #tpu.memory_space<hbm>> -> memref<1x1x80xi32, #tpu.memory_space<hbm>>
    %dma_start3A_39 = tpu.memref_squeeze %dma_start3A_38 : memref<1x1x80xi32, #tpu.memory_space<hbm>> -> memref<80xi32, #tpu.memory_space<hbm>>
    %dma_start3A_40 = arith.constant 0 : i32
    %dma_start3A_41 = tpu.memref_slice %arg3[%add3A, %dma_start3A, %dma_start3A_40] : memref<32x125x80xi32, #tpu.memory_space<hbm>> -> memref<1x1x80xi32, #tpu.memory_space<hbm>>
    %dma_start3A_42 = tpu.memref_squeeze %dma_start3A_41 : memref<1x1x80xi32, #tpu.memory_space<hbm>> -> memref<80xi32, #tpu.memory_space<hbm>>
    tpu.enqueue_dma source(%dma_start3A_42 : memref<80xi32, #tpu.memory_space<hbm>>) target(%arg6 : memref<80xi32, #tpu.memory_space<vmem>>) target_semaphore(%arg16 : memref<!tpu.dma_semaphore, #tpu.memory_space<semaphore_mem>>)
    %dma_start3A_43 = arith.constant 0 : i32
    %dma_start3A_44 = arith.constant 0 : i32
    %dma_start3A_45 = tpu.memref_slice %arg4[%add3A, %dma_start3A_43, %dma_start3A_44] : memref<32x125x80xi32, #tpu.memory_space<hbm>> -> memref<1x1x80xi32, #tpu.memory_space<hbm>>
    %dma_start3A_46 = tpu.memref_squeeze %dma_start3A_45 : memref<1x1x80xi32, #tpu.memory_space<hbm>> -> memref<80xi32, #tpu.memory_space<hbm>>
    %dma_start3A_47 = arith.constant 0 : i32
    %dma_start3A_48 = tpu.memref_slice %arg4[%add3A, %dma_start3A_43, %dma_start3A_47] : memref<32x125x80xi32, #tpu.memory_space<hbm>> -> memref<1x1x80xi32, #tpu.memory_space<hbm>>
    %dma_start3A_49 = tpu.memref_squeeze %dma_start3A_48 : memref<1x1x80xi32, #tpu.memory_space<hbm>> -> memref<80xi32, #tpu.memory_space<hbm>>
    tpu.enqueue_dma source(%dma_start3A_49 : memref<80xi32, #tpu.memory_space<hbm>>) target(%arg9 : memref<80xi32, #tpu.memory_space<vmem>>) target_semaphore(%arg19 : memref<!tpu.dma_semaphore, #tpu.memory_space<semaphore_mem>>)
    %dma_start3A_50 = arith.constant 1 : i32
    %dma_start3A_51 = arith.constant 0 : i32
    %dma_start3A_52 = tpu.memref_slice %arg3[%add3A, %dma_start3A_50, %dma_start3A_51] : memref<32x125x80xi32, #tpu.memory_space<hbm>> -> memref<1x1x80xi32, #tpu.memory_space<hbm>>
    %dma_start3A_53 = tpu.memref_squeeze %dma_start3A_52 : memref<1x1x80xi32, #tpu.memory_space<hbm>> -> memref<80xi32, #tpu.memory_space<hbm>>
    %dma_start3A_54 = arith.constant 0 : i32
    %dma_start3A_55 = tpu.memref_slice %arg3[%add3A, %dma_start3A_50, %dma_start3A_54] : memref<32x125x80xi32, #tpu.memory_space<hbm>> -> memref<1x1x80xi32, #tpu.memory_space<hbm>>
    %dma_start3A_56 = tpu.memref_squeeze %dma_start3A_55 : memref<1x1x80xi32, #tpu.memory_space<hbm>> -> memref<80xi32, #tpu.memory_space<hbm>>
    tpu.enqueue_dma source(%dma_start3A_56 : memref<80xi32, #tpu.memory_space<hbm>>) target(%arg7 : memref<80xi32, #tpu.memory_space<vmem>>) target_semaphore(%arg17 : memref<!tpu.dma_semaphore, #tpu.memory_space<semaphore_mem>>)
    %dma_start3A_57 = arith.constant 1 : i32
    %dma_start3A_58 = arith.constant 0 : i32
    %dma_start3A_59 = tpu.memref_slice %arg4[%add3A, %dma_start3A_57, %dma_start3A_58] : memref<32x125x80xi32, #tpu.memory_space<hbm>> -> memref<1x1x80xi32, #tpu.memory_space<hbm>>
    %dma_start3A_60 = tpu.memref_squeeze %dma_start3A_59 : memref<1x1x80xi32, #tpu.memory_space<hbm>> -> memref<80xi32, #tpu.memory_space<hbm>>
    %dma_start3A_61 = arith.constant 0 : i32
    %dma_start3A_62 = tpu.memref_slice %arg4[%add3A, %dma_start3A_57, %dma_start3A_61] : memref<32x125x80xi32, #tpu.memory_space<hbm>> -> memref<1x1x80xi32, #tpu.memory_space<hbm>>
    %dma_start3A_63 = tpu.memref_squeeze %dma_start3A_62 : memref<1x1x80xi32, #tpu.memory_space<hbm>> -> memref<80xi32, #tpu.memory_space<hbm>>
    tpu.enqueue_dma source(%dma_start3A_63 : memref<80xi32, #tpu.memory_space<hbm>>) target(%arg10 : memref<80xi32, #tpu.memory_space<vmem>>) target_semaphore(%arg20 : memref<!tpu.dma_semaphore, #tpu.memory_space<semaphore_mem>>)
    %dma_start3A_64 = arith.constant 2 : i32
    %dma_start3A_65 = arith.constant 0 : i32
    %dma_start3A_66 = tpu.memref_slice %arg3[%add3A, %dma_start3A_64, %dma_start3A_65] : memref<32x125x80xi32, #tpu.memory_space<hbm>> -> memref<1x1x80xi32, #tpu.memory_space<hbm>>
    %dma_start3A_67 = tpu.memref_squeeze %dma_start3A_66 : memref<1x1x80xi32, #tpu.memory_space<hbm>> -> memref<80xi32, #tpu.memory_space<hbm>>
    %dma_start3A_68 = arith.constant 0 : i32
    %dma_start3A_69 = tpu.memref_slice %arg3[%add3A, %dma_start3A_64, %dma_start3A_68] : memref<32x125x80xi32, #tpu.memory_space<hbm>> -> memref<1x1x80xi32, #tpu.memory_space<hbm>>
    %dma_start3A_70 = tpu.memref_squeeze %dma_start3A_69 : memref<1x1x80xi32, #tpu.memory_space<hbm>> -> memref<80xi32, #tpu.memory_space<hbm>>
    tpu.enqueue_dma source(%dma_start3A_70 : memref<80xi32, #tpu.memory_space<hbm>>) target(%arg8 : memref<80xi32, #tpu.memory_space<vmem>>) target_semaphore(%arg18 : memref<!tpu.dma_semaphore, #tpu.memory_space<semaphore_mem>>)
    %dma_wait3A = arith.constant 0 : i32
    %dma_wait3A_71 = arith.constant 0 : i32
    %dma_wait3A_72 = tpu.memref_slice %arg3[%add3A, %dma_wait3A, %dma_wait3A_71] : memref<32x125x80xi32, #tpu.memory_space<hbm>> -> memref<1x1x80xi32, #tpu.memory_space<hbm>>
    %dma_wait3A_73 = tpu.memref_squeeze %dma_wait3A_72 : memref<1x1x80xi32, #tpu.memory_space<hbm>> -> memref<80xi32, #tpu.memory_space<hbm>>
    %dma_wait3A_74 = arith.constant 0 : i32
    %dma_wait3A_75 = tpu.memref_slice %arg3[%add3A, %dma_wait3A, %dma_wait3A_74] : memref<32x125x80xi32, #tpu.memory_space<hbm>> -> memref<1x1x80xi32, #tpu.memory_space<hbm>>
    %dma_wait3A_76 = tpu.memref_squeeze %dma_wait3A_75 : memref<1x1x80xi32, #tpu.memory_space<hbm>> -> memref<80xi32, #tpu.memory_space<hbm>>
    tpu.wait_dma2 semaphore(%arg16 : memref<!tpu.dma_semaphore, #tpu.memory_space<semaphore_mem>>) src(%dma_wait3A_76 : memref<80xi32, #tpu.memory_space<hbm>>) dst(%arg6 : memref<80xi32, #tpu.memory_space<vmem>>)
    %dma_start3A_77 = arith.constant 0 : i32
    %dma_start3A_78 = arith.constant 0 : i32
    %dma_start3A_79 = tpu.memref_slice %arg2[%dma_start3A_77, %dma_start3A_78] : memref<10000x128xf32, #tpu.memory_space<hbm>> -> memref<10000x128xf32, #tpu.memory_space<hbm>>
    tpu.enqueue_indirect_dma source(%dma_start3A_79 : memref<10000x128xf32, #tpu.memory_space<hbm>>) target(%arg12 : memref<80x128xf32, #tpu.memory_space<vmem>>) offsets(%arg6 : memref<80xi32, #tpu.memory_space<vmem>>) semaphore(%arg22 : memref<!tpu.dma_semaphore, #tpu.memory_space<semaphore_mem>>)
    %dma_wait3A_80 = arith.constant 0 : i32
    %dma_wait3A_81 = arith.constant 0 : i32
    %dma_wait3A_82 = tpu.memref_slice %arg3[%add3A, %dma_wait3A_80, %dma_wait3A_81] : memref<32x125x80xi32, #tpu.memory_space<hbm>> -> memref<1x1x80xi32, #tpu.memory_space<hbm>>
    %dma_wait3A_83 = tpu.memref_squeeze %dma_wait3A_82 : memref<1x1x80xi32, #tpu.memory_space<hbm>> -> memref<80xi32, #tpu.memory_space<hbm>>
    %dma_wait3A_84 = arith.constant 0 : i32
    %dma_wait3A_85 = tpu.memref_slice %arg3[%add3A, %dma_wait3A_80, %dma_wait3A_84] : memref<32x125x80xi32, #tpu.memory_space<hbm>> -> memref<1x1x80xi32, #tpu.memory_space<hbm>>
    %dma_wait3A_86 = tpu.memref_squeeze %dma_wait3A_85 : memref<1x1x80xi32, #tpu.memory_space<hbm>> -> memref<80xi32, #tpu.memory_space<hbm>>
    tpu.wait_dma2 semaphore(%arg17 : memref<!tpu.dma_semaphore, #tpu.memory_space<semaphore_mem>>) src(%dma_wait3A_86 : memref<80xi32, #tpu.memory_space<hbm>>) dst(%arg7 : memref<80xi32, #tpu.memory_space<vmem>>)
    %dma_start3A_87 = arith.constant 0 : i32
    %dma_start3A_88 = arith.constant 0 : i32
    %dma_start3A_89 = tpu.memref_slice %arg2[%dma_start3A_87, %dma_start3A_88] : memref<10000x128xf32, #tpu.memory_space<hbm>> -> memref<10000x128xf32, #tpu.memory_space<hbm>>
    tpu.enqueue_indirect_dma source(%dma_start3A_89 : memref<10000x128xf32, #tpu.memory_space<hbm>>) target(%arg13 : memref<80x128xf32, #tpu.memory_space<vmem>>) offsets(%arg7 : memref<80xi32, #tpu.memory_space<vmem>>) semaphore(%arg23 : memref<!tpu.dma_semaphore, #tpu.memory_space<semaphore_mem>>)
    %dma_start3A_90 = arith.constant 0 : i32
    %dma_start3A_91 = arith.constant 0 : i32
    %dma_start3A_92 = tpu.memref_slice %arg15[%dma_start3A_90, %dma_start3A_91] : memref<10000x128xf32, #tpu.memory_space<vmem_shared>> -> memref<10000x128xf32, #tpu.memory_space<vmem_shared>>
    tpu.enqueue_indirect_dma source(%arg14 : memref<80x128xf32, #tpu.memory_space<vmem>>) target(%dma_start3A_92 : memref<10000x128xf32, #tpu.memory_space<vmem_shared>>) offsets(%arg11 : memref<80xi32, #tpu.memory_space<vmem>>) semaphore(%arg27 : memref<!tpu.dma_semaphore, #tpu.memory_space<semaphore_mem>>) {add = true}
    %scan3A_93 = arith.constant 0 : i32
    %scan3A_94 = arith.constant 0 : i32
    %scan3A_95 = arith.constant 41 : i32
    %scan3A_96 = arith.addi %scan3A_94, %scan3A_95 : i32
    %scan3A_97 = arith.constant 1 : i32
    %scan3A_98 = scf.for %scan3A_155 = %scan3A_94 to %scan3A_96 step %scan3A_97 iter_args(%scan3A_156 = %scan3A_93) -> (i32)  : i32 {
      %mul3A_157 = arith.constant 3 : i32
      %mul3A_158 = arith.muli %mul3A_157, %scan3A_155 : i32
      %add3A_159 = arith.constant 0 : i32
      %add3A_160 = arith.addi %mul3A_158, %add3A_159 : i32
      %dma_wait3A_161 = arith.constant 0 : i32
      %dma_wait3A_162 = arith.constant 0 : i32
      %dma_wait3A_163 = tpu.memref_slice %arg2[%dma_wait3A_161, %dma_wait3A_162] : memref<10000x128xf32, #tpu.memory_space<hbm>> -> memref<10000x128xf32, #tpu.memory_space<hbm>>
      tpu.wait_indirect_dma semaphore(%arg22 : memref<!tpu.dma_semaphore, #tpu.memory_space<semaphore_mem>>) src(%dma_wait3A_163 : memref<10000x128xf32, #tpu.memory_space<hbm>>) dst(%arg12 : memref<80x128xf32, #tpu.memory_space<vmem>>)
      %dma_wait3A_164 = arith.constant 0 : i32
      %dma_wait3A_165 = arith.constant 0 : i32
      %dma_wait3A_166 = tpu.memref_slice %arg4[%add3A, %dma_wait3A_164, %dma_wait3A_165] : memref<32x125x80xi32, #tpu.memory_space<hbm>> -> memref<1x1x80xi32, #tpu.memory_space<hbm>>
      %dma_wait3A_167 = tpu.memref_squeeze %dma_wait3A_166 : memref<1x1x80xi32, #tpu.memory_space<hbm>> -> memref<80xi32, #tpu.memory_space<hbm>>
      %dma_wait3A_168 = arith.constant 0 : i32
      %dma_wait3A_169 = tpu.memref_slice %arg4[%add3A, %dma_wait3A_164, %dma_wait3A_168] : memref<32x125x80xi32, #tpu.memory_space<hbm>> -> memref<1x1x80xi32, #tpu.memory_space<hbm>>
      %dma_wait3A_170 = tpu.memref_squeeze %dma_wait3A_169 : memref<1x1x80xi32, #tpu.memory_space<hbm>> -> memref<80xi32, #tpu.memory_space<hbm>>
      tpu.wait_dma2 semaphore(%arg19 : memref<!tpu.dma_semaphore, #tpu.memory_space<semaphore_mem>>) src(%dma_wait3A_170 : memref<80xi32, #tpu.memory_space<hbm>>) dst(%arg9 : memref<80xi32, #tpu.memory_space<vmem>>)
      %dma_start3A_171 = arith.constant 0 : i32
      %dma_start3A_172 = arith.constant 0 : i32
      %dma_start3A_173 = tpu.memref_slice %arg15[%dma_start3A_171, %dma_start3A_172] : memref<10000x128xf32, #tpu.memory_space<vmem_shared>> -> memref<10000x128xf32, #tpu.memory_space<vmem_shared>>
      tpu.enqueue_indirect_dma source(%arg12 : memref<80x128xf32, #tpu.memory_space<vmem>>) target(%dma_start3A_173 : memref<10000x128xf32, #tpu.memory_space<vmem_shared>>) offsets(%arg9 : memref<80xi32, #tpu.memory_space<vmem>>) semaphore(%arg25 : memref<!tpu.dma_semaphore, #tpu.memory_space<semaphore_mem>>) {add = true}
      %dma_wait3A_174 = arith.constant 0 : i32
      %dma_wait3A_175 = arith.constant 0 : i32
      %dma_wait3A_176 = tpu.memref_slice %arg15[%dma_wait3A_174, %dma_wait3A_175] : memref<10000x128xf32, #tpu.memory_space<vmem_shared>> -> memref<80x128xf32, #tpu.memory_space<vmem_shared>>
      %dma_wait3A_177 = arith.constant 0 : i32
      %dma_wait3A_178 = arith.constant 0 : i32
      %dma_wait3A_179 = tpu.memref_slice %arg15[%dma_wait3A_177, %dma_wait3A_178] : memref<10000x128xf32, #tpu.memory_space<vmem_shared>> -> memref<80x128xf32, #tpu.memory_space<vmem_shared>>
      tpu.wait_dma2 semaphore(%arg27 : memref<!tpu.dma_semaphore, #tpu.memory_space<semaphore_mem>>) src(%arg14 : memref<80x128xf32, #tpu.memory_space<vmem>>) dst(%dma_wait3A_179 : memref<80x128xf32, #tpu.memory_space<vmem_shared>>)
      %add3A_180 = arith.constant 2 : i32
      %add3A_181 = arith.addi %add3A_160, %add3A_180 : i32
      %dma_start3A_182 = arith.constant 0 : i32
      %dma_start3A_183 = tpu.memref_slice %arg4[%add3A, %add3A_181, %dma_start3A_182] : memref<32x125x80xi32, #tpu.memory_space<hbm>> -> memref<1x1x80xi32, #tpu.memory_space<hbm>>
      %dma_start3A_184 = tpu.memref_squeeze %dma_start3A_183 : memref<1x1x80xi32, #tpu.memory_space<hbm>> -> memref<80xi32, #tpu.memory_space<hbm>>
      %dma_start3A_185 = arith.constant 0 : i32
      %dma_start3A_186 = tpu.memref_slice %arg4[%add3A, %add3A_181, %dma_start3A_185] : memref<32x125x80xi32, #tpu.memory_space<hbm>> -> memref<1x1x80xi32, #tpu.memory_space<hbm>>
      %dma_start3A_187 = tpu.memref_squeeze %dma_start3A_186 : memref<1x1x80xi32, #tpu.memory_space<hbm>> -> memref<80xi32, #tpu.memory_space<hbm>>
      tpu.enqueue_dma source(%dma_start3A_187 : memref<80xi32, #tpu.memory_space<hbm>>) target(%arg11 : memref<80xi32, #tpu.memory_space<vmem>>) target_semaphore(%arg21 : memref<!tpu.dma_semaphore, #tpu.memory_space<semaphore_mem>>)
      %add3A_188 = arith.constant 3 : i32
      %add3A_189 = arith.addi %add3A_160, %add3A_188 : i32
      %min3A_190 = arith.constant 124 : i32
      %min3A_191 = arith.minsi %add3A_189, %min3A_190 : i32
      %dma_start3A_192 = arith.constant 0 : i32
      %dma_start3A_193 = tpu.memref_slice %arg3[%add3A, %min3A_191, %dma_start3A_192] : memref<32x125x80xi32, #tpu.memory_space<hbm>> -> memref<1x1x80xi32, #tpu.memory_space<hbm>>
      %dma_start3A_194 = tpu.memref_squeeze %dma_start3A_193 : memref<1x1x80xi32, #tpu.memory_space<hbm>> -> memref<80xi32, #tpu.memory_space<hbm>>
      %dma_start3A_195 = arith.constant 0 : i32
      %dma_start3A_196 = tpu.memref_slice %arg3[%add3A, %min3A_191, %dma_start3A_195] : memref<32x125x80xi32, #tpu.memory_space<hbm>> -> memref<1x1x80xi32, #tpu.memory_space<hbm>>
      %dma_start3A_197 = tpu.memref_squeeze %dma_start3A_196 : memref<1x1x80xi32, #tpu.memory_space<hbm>> -> memref<80xi32, #tpu.memory_space<hbm>>
      tpu.enqueue_dma source(%dma_start3A_197 : memref<80xi32, #tpu.memory_space<hbm>>) target(%arg6 : memref<80xi32, #tpu.memory_space<vmem>>) target_semaphore(%arg16 : memref<!tpu.dma_semaphore, #tpu.memory_space<semaphore_mem>>)
      %dma_wait3A_198 = arith.constant 0 : i32
      %dma_wait3A_199 = arith.constant 0 : i32
      %dma_wait3A_200 = tpu.memref_slice %arg4[%add3A, %dma_wait3A_198, %dma_wait3A_199] : memref<32x125x80xi32, #tpu.memory_space<hbm>> -> memref<1x1x80xi32, #tpu.memory_space<hbm>>
      %dma_wait3A_201 = tpu.memref_squeeze %dma_wait3A_200 : memref<1x1x80xi32, #tpu.memory_space<hbm>> -> memref<80xi32, #tpu.memory_space<hbm>>
      %dma_wait3A_202 = arith.constant 0 : i32
      %dma_wait3A_203 = tpu.memref_slice %arg4[%add3A, %dma_wait3A_198, %dma_wait3A_202] : memref<32x125x80xi32, #tpu.memory_space<hbm>> -> memref<1x1x80xi32, #tpu.memory_space<hbm>>
      %dma_wait3A_204 = tpu.memref_squeeze %dma_wait3A_203 : memref<1x1x80xi32, #tpu.memory_space<hbm>> -> memref<80xi32, #tpu.memory_space<hbm>>
      tpu.wait_dma2 semaphore(%arg18 : memref<!tpu.dma_semaphore, #tpu.memory_space<semaphore_mem>>) src(%dma_wait3A_204 : memref<80xi32, #tpu.memory_space<hbm>>) dst(%arg8 : memref<80xi32, #tpu.memory_space<vmem>>)
      %dma_start3A_205 = arith.constant 0 : i32
      %dma_start3A_206 = arith.constant 0 : i32
      %dma_start3A_207 = tpu.memref_slice %arg2[%dma_start3A_205, %dma_start3A_206] : memref<10000x128xf32, #tpu.memory_space<hbm>> -> memref<10000x128xf32, #tpu.memory_space<hbm>>
      tpu.enqueue_indirect_dma source(%dma_start3A_207 : memref<10000x128xf32, #tpu.memory_space<hbm>>) target(%arg14 : memref<80x128xf32, #tpu.memory_space<vmem>>) offsets(%arg8 : memref<80xi32, #tpu.memory_space<vmem>>) semaphore(%arg24 : memref<!tpu.dma_semaphore, #tpu.memory_space<semaphore_mem>>)
      %mul3A_208 = arith.constant 3 : i32
      %mul3A_209 = arith.muli %mul3A_208, %scan3A_155 : i32
      %add3A_210 = arith.constant 1 : i32
      %add3A_211 = arith.addi %mul3A_209, %add3A_210 : i32
      %dma_wait3A_212 = arith.constant 0 : i32
      %dma_wait3A_213 = arith.constant 0 : i32
      %dma_wait3A_214 = tpu.memref_slice %arg2[%dma_wait3A_212, %dma_wait3A_213] : memref<10000x128xf32, #tpu.memory_space<hbm>> -> memref<10000x128xf32, #tpu.memory_space<hbm>>
      tpu.wait_indirect_dma semaphore(%arg23 : memref<!tpu.dma_semaphore, #tpu.memory_space<semaphore_mem>>) src(%dma_wait3A_214 : memref<10000x128xf32, #tpu.memory_space<hbm>>) dst(%arg13 : memref<80x128xf32, #tpu.memory_space<vmem>>)
      %dma_wait3A_215 = arith.constant 0 : i32
      %dma_wait3A_216 = arith.constant 0 : i32
      %dma_wait3A_217 = tpu.memref_slice %arg4[%add3A, %dma_wait3A_215, %dma_wait3A_216] : memref<32x125x80xi32, #tpu.memory_space<hbm>> -> memref<1x1x80xi32, #tpu.memory_space<hbm>>
      %dma_wait3A_218 = tpu.memref_squeeze %dma_wait3A_217 : memref<1x1x80xi32, #tpu.memory_space<hbm>> -> memref<80xi32, #tpu.memory_space<hbm>>
      %dma_wait3A_219 = arith.constant 0 : i32
      %dma_wait3A_220 = tpu.memref_slice %arg4[%add3A, %dma_wait3A_215, %dma_wait3A_219] : memref<32x125x80xi32, #tpu.memory_space<hbm>> -> memref<1x1x80xi32, #tpu.memory_space<hbm>>
      %dma_wait3A_221 = tpu.memref_squeeze %dma_wait3A_220 : memref<1x1x80xi32, #tpu.memory_space<hbm>> -> memref<80xi32, #tpu.memory_space<hbm>>
      tpu.wait_dma2 semaphore(%arg20 : memref<!tpu.dma_semaphore, #tpu.memory_space<semaphore_mem>>) src(%dma_wait3A_221 : memref<80xi32, #tpu.memory_space<hbm>>) dst(%arg10 : memref<80xi32, #tpu.memory_space<vmem>>)
      %dma_start3A_222 = arith.constant 0 : i32
      %dma_start3A_223 = arith.constant 0 : i32
      %dma_start3A_224 = tpu.memref_slice %arg15[%dma_start3A_222, %dma_start3A_223] : memref<10000x128xf32, #tpu.memory_space<vmem_shared>> -> memref<10000x128xf32, #tpu.memory_space<vmem_shared>>
      tpu.enqueue_indirect_dma source(%arg13 : memref<80x128xf32, #tpu.memory_space<vmem>>) target(%dma_start3A_224 : memref<10000x128xf32, #tpu.memory_space<vmem_shared>>) offsets(%arg10 : memref<80xi32, #tpu.memory_space<vmem>>) semaphore(%arg26 : memref<!tpu.dma_semaphore, #tpu.memory_space<semaphore_mem>>) {add = true}
      %dma_wait3A_225 = arith.constant 0 : i32
      %dma_wait3A_226 = arith.constant 0 : i32
      %dma_wait3A_227 = tpu.memref_slice %arg15[%dma_wait3A_225, %dma_wait3A_226] : memref<10000x128xf32, #tpu.memory_space<vmem_shared>> -> memref<80x128xf32, #tpu.memory_space<vmem_shared>>
      %dma_wait3A_228 = arith.constant 0 : i32
      %dma_wait3A_229 = arith.constant 0 : i32
      %dma_wait3A_230 = tpu.memref_slice %arg15[%dma_wait3A_228, %dma_wait3A_229] : memref<10000x128xf32, #tpu.memory_space<vmem_shared>> -> memref<80x128xf32, #tpu.memory_space<vmem_shared>>
      tpu.wait_dma2 semaphore(%arg25 : memref<!tpu.dma_semaphore, #tpu.memory_space<semaphore_mem>>) src(%arg12 : memref<80x128xf32, #tpu.memory_space<vmem>>) dst(%dma_wait3A_230 : memref<80x128xf32, #tpu.memory_space<vmem_shared>>)
      %add3A_231 = arith.constant 2 : i32
      %add3A_232 = arith.addi %add3A_211, %add3A_231 : i32
      %dma_start3A_233 = arith.constant 0 : i32
      %dma_start3A_234 = tpu.memref_slice %arg4[%add3A, %add3A_232, %dma_start3A_233] : memref<32x125x80xi32, #tpu.memory_space<hbm>> -> memref<1x1x80xi32, #tpu.memory_space<hbm>>
      %dma_start3A_235 = tpu.memref_squeeze %dma_start3A_234 : memref<1x1x80xi32, #tpu.memory_space<hbm>> -> memref<80xi32, #tpu.memory_space<hbm>>
      %dma_start3A_236 = arith.constant 0 : i32
      %dma_start3A_237 = tpu.memref_slice %arg4[%add3A, %add3A_232, %dma_start3A_236] : memref<32x125x80xi32, #tpu.memory_space<hbm>> -> memref<1x1x80xi32, #tpu.memory_space<hbm>>
      %dma_start3A_238 = tpu.memref_squeeze %dma_start3A_237 : memref<1x1x80xi32, #tpu.memory_space<hbm>> -> memref<80xi32, #tpu.memory_space<hbm>>
      tpu.enqueue_dma source(%dma_start3A_238 : memref<80xi32, #tpu.memory_space<hbm>>) target(%arg9 : memref<80xi32, #tpu.memory_space<vmem>>) target_semaphore(%arg19 : memref<!tpu.dma_semaphore, #tpu.memory_space<semaphore_mem>>)
      %add3A_239 = arith.constant 3 : i32
      %add3A_240 = arith.addi %add3A_211, %add3A_239 : i32
      %min3A_241 = arith.constant 124 : i32
      %min3A_242 = arith.minsi %add3A_240, %min3A_241 : i32
      %dma_start3A_243 = arith.constant 0 : i32
      %dma_start3A_244 = tpu.memref_slice %arg3[%add3A, %min3A_242, %dma_start3A_243] : memref<32x125x80xi32, #tpu.memory_space<hbm>> -> memref<1x1x80xi32, #tpu.memory_space<hbm>>
      %dma_start3A_245 = tpu.memref_squeeze %dma_start3A_244 : memref<1x1x80xi32, #tpu.memory_space<hbm>> -> memref<80xi32, #tpu.memory_space<hbm>>
      %dma_start3A_246 = arith.constant 0 : i32
      %dma_start3A_247 = tpu.memref_slice %arg3[%add3A, %min3A_242, %dma_start3A_246] : memref<32x125x80xi32, #tpu.memory_space<hbm>> -> memref<1x1x80xi32, #tpu.memory_space<hbm>>
      %dma_start3A_248 = tpu.memref_squeeze %dma_start3A_247 : memref<1x1x80xi32, #tpu.memory_space<hbm>> -> memref<80xi32, #tpu.memory_space<hbm>>
      tpu.enqueue_dma source(%dma_start3A_248 : memref<80xi32, #tpu.memory_space<hbm>>) target(%arg7 : memref<80xi32, #tpu.memory_space<vmem>>) target_semaphore(%arg17 : memref<!tpu.dma_semaphore, #tpu.memory_space<semaphore_mem>>)
      %dma_wait3A_249 = arith.constant 0 : i32
      %dma_wait3A_250 = arith.constant 0 : i32
      %dma_wait3A_251 = tpu.memref_slice %arg4[%add3A, %dma_wait3A_249, %dma_wait3A_250] : memref<32x125x80xi32, #tpu.memory_space<hbm>> -> memref<1x1x80xi32, #tpu.memory_space<hbm>>
      %dma_wait3A_252 = tpu.memref_squeeze %dma_wait3A_251 : memref<1x1x80xi32, #tpu.memory_space<hbm>> -> memref<80xi32, #tpu.memory_space<hbm>>
      %dma_wait3A_253 = arith.constant 0 : i32
      %dma_wait3A_254 = tpu.memref_slice %arg4[%add3A, %dma_wait3A_249, %dma_wait3A_253] : memref<32x125x80xi32, #tpu.memory_space<hbm>> -> memref<1x1x80xi32, #tpu.memory_space<hbm>>
      %dma_wait3A_255 = tpu.memref_squeeze %dma_wait3A_254 : memref<1x1x80xi32, #tpu.memory_space<hbm>> -> memref<80xi32, #tpu.memory_space<hbm>>
      tpu.wait_dma2 semaphore(%arg16 : memref<!tpu.dma_semaphore, #tpu.memory_space<semaphore_mem>>) src(%dma_wait3A_255 : memref<80xi32, #tpu.memory_space<hbm>>) dst(%arg6 : memref<80xi32, #tpu.memory_space<vmem>>)
      %dma_start3A_256 = arith.constant 0 : i32
      %dma_start3A_257 = arith.constant 0 : i32
      %dma_start3A_258 = tpu.memref_slice %arg2[%dma_start3A_256, %dma_start3A_257] : memref<10000x128xf32, #tpu.memory_space<hbm>> -> memref<10000x128xf32, #tpu.memory_space<hbm>>
      tpu.enqueue_indirect_dma source(%dma_start3A_258 : memref<10000x128xf32, #tpu.memory_space<hbm>>) target(%arg12 : memref<80x128xf32, #tpu.memory_space<vmem>>) offsets(%arg6 : memref<80xi32, #tpu.memory_space<vmem>>) semaphore(%arg22 : memref<!tpu.dma_semaphore, #tpu.memory_space<semaphore_mem>>)
      %mul3A_259 = arith.constant 3 : i32
      %mul3A_260 = arith.muli %mul3A_259, %scan3A_155 : i32
      %add3A_261 = arith.constant 2 : i32
      %add3A_262 = arith.addi %mul3A_260, %add3A_261 : i32
      %dma_wait3A_263 = arith.constant 0 : i32
      %dma_wait3A_264 = arith.constant 0 : i32
      %dma_wait3A_265 = tpu.memref_slice %arg2[%dma_wait3A_263, %dma_wait3A_264] : memref<10000x128xf32, #tpu.memory_space<hbm>> -> memref<10000x128xf32, #tpu.memory_space<hbm>>
      tpu.wait_indirect_dma semaphore(%arg24 : memref<!tpu.dma_semaphore, #tpu.memory_space<semaphore_mem>>) src(%dma_wait3A_265 : memref<10000x128xf32, #tpu.memory_space<hbm>>) dst(%arg14 : memref<80x128xf32, #tpu.memory_space<vmem>>)
      %dma_wait3A_266 = arith.constant 0 : i32
      %dma_wait3A_267 = arith.constant 0 : i32
      %dma_wait3A_268 = tpu.memref_slice %arg4[%add3A, %dma_wait3A_266, %dma_wait3A_267] : memref<32x125x80xi32, #tpu.memory_space<hbm>> -> memref<1x1x80xi32, #tpu.memory_space<hbm>>
      %dma_wait3A_269 = tpu.memref_squeeze %dma_wait3A_268 : memref<1x1x80xi32, #tpu.memory_space<hbm>> -> memref<80xi32, #tpu.memory_space<hbm>>
      %dma_wait3A_270 = arith.constant 0 : i32
      %dma_wait3A_271 = tpu.memref_slice %arg4[%add3A, %dma_wait3A_266, %dma_wait3A_270] : memref<32x125x80xi32, #tpu.memory_space<hbm>> -> memref<1x1x80xi32, #tpu.memory_space<hbm>>
      %dma_wait3A_272 = tpu.memref_squeeze %dma_wait3A_271 : memref<1x1x80xi32, #tpu.memory_space<hbm>> -> memref<80xi32, #tpu.memory_space<hbm>>
      tpu.wait_dma2 semaphore(%arg21 : memref<!tpu.dma_semaphore, #tpu.memory_space<semaphore_mem>>) src(%dma_wait3A_272 : memref<80xi32, #tpu.memory_space<hbm>>) dst(%arg11 : memref<80xi32, #tpu.memory_space<vmem>>)
      %dma_start3A_273 = arith.constant 0 : i32
      %dma_start3A_274 = arith.constant 0 : i32
      %dma_start3A_275 = tpu.memref_slice %arg15[%dma_start3A_273, %dma_start3A_274] : memref<10000x128xf32, #tpu.memory_space<vmem_shared>> -> memref<10000x128xf32, #tpu.memory_space<vmem_shared>>
      tpu.enqueue_indirect_dma source(%arg14 : memref<80x128xf32, #tpu.memory_space<vmem>>) target(%dma_start3A_275 : memref<10000x128xf32, #tpu.memory_space<vmem_shared>>) offsets(%arg11 : memref<80xi32, #tpu.memory_space<vmem>>) semaphore(%arg27 : memref<!tpu.dma_semaphore, #tpu.memory_space<semaphore_mem>>) {add = true}
      %dma_wait3A_276 = arith.constant 0 : i32
      %dma_wait3A_277 = arith.constant 0 : i32
      %dma_wait3A_278 = tpu.memref_slice %arg15[%dma_wait3A_276, %dma_wait3A_277] : memref<10000x128xf32, #tpu.memory_space<vmem_shared>> -> memref<80x128xf32, #tpu.memory_space<vmem_shared>>
      %dma_wait3A_279 = arith.constant 0 : i32
      %dma_wait3A_280 = arith.constant 0 : i32
      %dma_wait3A_281 = tpu.memref_slice %arg15[%dma_wait3A_279, %dma_wait3A_280] : memref<10000x128xf32, #tpu.memory_space<vmem_shared>> -> memref<80x128xf32, #tpu.memory_space<vmem_shared>>
      tpu.wait_dma2 semaphore(%arg26 : memref<!tpu.dma_semaphore, #tpu.memory_space<semaphore_mem>>) src(%arg13 : memref<80x128xf32, #tpu.memory_space<vmem>>) dst(%dma_wait3A_281 : memref<80x128xf32, #tpu.memory_space<vmem_shared>>)
      %add3A_282 = arith.constant 2 : i32
      %add3A_283 = arith.addi %add3A_262, %add3A_282 : i32
      %dma_start3A_284 = arith.constant 0 : i32
      %dma_start3A_285 = tpu.memref_slice %arg4[%add3A, %add3A_283, %dma_start3A_284] : memref<32x125x80xi32, #tpu.memory_space<hbm>> -> memref<1x1x80xi32, #tpu.memory_space<hbm>>
      %dma_start3A_286 = tpu.memref_squeeze %dma_start3A_285 : memref<1x1x80xi32, #tpu.memory_space<hbm>> -> memref<80xi32, #tpu.memory_space<hbm>>
      %dma_start3A_287 = arith.constant 0 : i32
      %dma_start3A_288 = tpu.memref_slice %arg4[%add3A, %add3A_283, %dma_start3A_287] : memref<32x125x80xi32, #tpu.memory_space<hbm>> -> memref<1x1x80xi32, #tpu.memory_space<hbm>>
      %dma_start3A_289 = tpu.memref_squeeze %dma_start3A_288 : memref<1x1x80xi32, #tpu.memory_space<hbm>> -> memref<80xi32, #tpu.memory_space<hbm>>
      tpu.enqueue_dma source(%dma_start3A_289 : memref<80xi32, #tpu.memory_space<hbm>>) target(%arg10 : memref<80xi32, #tpu.memory_space<vmem>>) target_semaphore(%arg20 : memref<!tpu.dma_semaphore, #tpu.memory_space<semaphore_mem>>)
      %add3A_290 = arith.constant 3 : i32
      %add3A_291 = arith.addi %add3A_262, %add3A_290 : i32
      %min3A_292 = arith.constant 124 : i32
      %min3A_293 = arith.minsi %add3A_291, %min3A_292 : i32
      %dma_start3A_294 = arith.constant 0 : i32
      %dma_start3A_295 = tpu.memref_slice %arg3[%add3A, %min3A_293, %dma_start3A_294] : memref<32x125x80xi32, #tpu.memory_space<hbm>> -> memref<1x1x80xi32, #tpu.memory_space<hbm>>
      %dma_start3A_296 = tpu.memref_squeeze %dma_start3A_295 : memref<1x1x80xi32, #tpu.memory_space<hbm>> -> memref<80xi32, #tpu.memory_space<hbm>>
      %dma_start3A_297 = arith.constant 0 : i32
      %dma_start3A_298 = tpu.memref_slice %arg3[%add3A, %min3A_293, %dma_start3A_297] : memref<32x125x80xi32, #tpu.memory_space<hbm>> -> memref<1x1x80xi32, #tpu.memory_space<hbm>>
      %dma_start3A_299 = tpu.memref_squeeze %dma_start3A_298 : memref<1x1x80xi32, #tpu.memory_space<hbm>> -> memref<80xi32, #tpu.memory_space<hbm>>
      tpu.enqueue_dma source(%dma_start3A_299 : memref<80xi32, #tpu.memory_space<hbm>>) target(%arg8 : memref<80xi32, #tpu.memory_space<vmem>>) target_semaphore(%arg18 : memref<!tpu.dma_semaphore, #tpu.memory_space<semaphore_mem>>)
      %dma_wait3A_300 = arith.constant 0 : i32
      %dma_wait3A_301 = arith.constant 0 : i32
      %dma_wait3A_302 = tpu.memref_slice %arg4[%add3A, %dma_wait3A_300, %dma_wait3A_301] : memref<32x125x80xi32, #tpu.memory_space<hbm>> -> memref<1x1x80xi32, #tpu.memory_space<hbm>>
      %dma_wait3A_303 = tpu.memref_squeeze %dma_wait3A_302 : memref<1x1x80xi32, #tpu.memory_space<hbm>> -> memref<80xi32, #tpu.memory_space<hbm>>
      %dma_wait3A_304 = arith.constant 0 : i32
      %dma_wait3A_305 = tpu.memref_slice %arg4[%add3A, %dma_wait3A_300, %dma_wait3A_304] : memref<32x125x80xi32, #tpu.memory_space<hbm>> -> memref<1x1x80xi32, #tpu.memory_space<hbm>>
      %dma_wait3A_306 = tpu.memref_squeeze %dma_wait3A_305 : memref<1x1x80xi32, #tpu.memory_space<hbm>> -> memref<80xi32, #tpu.memory_space<hbm>>
      tpu.wait_dma2 semaphore(%arg17 : memref<!tpu.dma_semaphore, #tpu.memory_space<semaphore_mem>>) src(%dma_wait3A_306 : memref<80xi32, #tpu.memory_space<hbm>>) dst(%arg7 : memref<80xi32, #tpu.memory_space<vmem>>)
      %dma_start3A_307 = arith.constant 0 : i32
      %dma_start3A_308 = arith.constant 0 : i32
      %dma_start3A_309 = tpu.memref_slice %arg2[%dma_start3A_307, %dma_start3A_308] : memref<10000x128xf32, #tpu.memory_space<hbm>> -> memref<10000x128xf32, #tpu.memory_space<hbm>>
      tpu.enqueue_indirect_dma source(%dma_start3A_309 : memref<10000x128xf32, #tpu.memory_space<hbm>>) target(%arg13 : memref<80x128xf32, #tpu.memory_space<vmem>>) offsets(%arg7 : memref<80xi32, #tpu.memory_space<vmem>>) semaphore(%arg23 : memref<!tpu.dma_semaphore, #tpu.memory_space<semaphore_mem>>)
      %scan3A_310 = arith.constant 0 : i32
      scf.yield %scan3A_310 : i32
    }
    %scan3A_99 = arith.constant 41 : i32
    %dma_wait3A_100 = arith.constant 0 : i32
    %dma_wait3A_101 = arith.constant 0 : i32
    %dma_wait3A_102 = tpu.memref_slice %arg2[%dma_wait3A_100, %dma_wait3A_101] : memref<10000x128xf32, #tpu.memory_space<hbm>> -> memref<10000x128xf32, #tpu.memory_space<hbm>>
    tpu.wait_indirect_dma semaphore(%arg22 : memref<!tpu.dma_semaphore, #tpu.memory_space<semaphore_mem>>) src(%dma_wait3A_102 : memref<10000x128xf32, #tpu.memory_space<hbm>>) dst(%arg12 : memref<80x128xf32, #tpu.memory_space<vmem>>)
    %dma_wait3A_103 = arith.constant 0 : i32
    %dma_wait3A_104 = arith.constant 0 : i32
    %dma_wait3A_105 = tpu.memref_slice %arg4[%add3A, %dma_wait3A_103, %dma_wait3A_104] : memref<32x125x80xi32, #tpu.memory_space<hbm>> -> memref<1x1x80xi32, #tpu.memory_space<hbm>>
    %dma_wait3A_106 = tpu.memref_squeeze %dma_wait3A_105 : memref<1x1x80xi32, #tpu.memory_space<hbm>> -> memref<80xi32, #tpu.memory_space<hbm>>
    %dma_wait3A_107 = arith.constant 0 : i32
    %dma_wait3A_108 = tpu.memref_slice %arg4[%add3A, %dma_wait3A_103, %dma_wait3A_107] : memref<32x125x80xi32, #tpu.memory_space<hbm>> -> memref<1x1x80xi32, #tpu.memory_space<hbm>>
    %dma_wait3A_109 = tpu.memref_squeeze %dma_wait3A_108 : memref<1x1x80xi32, #tpu.memory_space<hbm>> -> memref<80xi32, #tpu.memory_space<hbm>>
    tpu.wait_dma2 semaphore(%arg19 : memref<!tpu.dma_semaphore, #tpu.memory_space<semaphore_mem>>) src(%dma_wait3A_109 : memref<80xi32, #tpu.memory_space<hbm>>) dst(%arg9 : memref<80xi32, #tpu.memory_space<vmem>>)
    %dma_start3A_110 = arith.constant 0 : i32
    %dma_start3A_111 = arith.constant 0 : i32
    %dma_start3A_112 = tpu.memref_slice %arg15[%dma_start3A_110, %dma_start3A_111] : memref<10000x128xf32, #tpu.memory_space<vmem_shared>> -> memref<10000x128xf32, #tpu.memory_space<vmem_shared>>
    tpu.enqueue_indirect_dma source(%arg12 : memref<80x128xf32, #tpu.memory_space<vmem>>) target(%dma_start3A_112 : memref<10000x128xf32, #tpu.memory_space<vmem_shared>>) offsets(%arg9 : memref<80xi32, #tpu.memory_space<vmem>>) semaphore(%arg25 : memref<!tpu.dma_semaphore, #tpu.memory_space<semaphore_mem>>) {add = true}
    %dma_wait3A_113 = arith.constant 0 : i32
    %dma_wait3A_114 = arith.constant 0 : i32
    %dma_wait3A_115 = tpu.memref_slice %arg15[%dma_wait3A_113, %dma_wait3A_114] : memref<10000x128xf32, #tpu.memory_space<vmem_shared>> -> memref<80x128xf32, #tpu.memory_space<vmem_shared>>
    %dma_wait3A_116 = arith.constant 0 : i32
    %dma_wait3A_117 = arith.constant 0 : i32
    %dma_wait3A_118 = tpu.memref_slice %arg15[%dma_wait3A_116, %dma_wait3A_117] : memref<10000x128xf32, #tpu.memory_space<vmem_shared>> -> memref<80x128xf32, #tpu.memory_space<vmem_shared>>
    tpu.wait_dma2 semaphore(%arg27 : memref<!tpu.dma_semaphore, #tpu.memory_space<semaphore_mem>>) src(%arg14 : memref<80x128xf32, #tpu.memory_space<vmem>>) dst(%dma_wait3A_118 : memref<80x128xf32, #tpu.memory_space<vmem_shared>>)
    %dma_wait3A_119 = arith.constant 0 : i32
    %dma_wait3A_120 = arith.constant 0 : i32
    %dma_wait3A_121 = tpu.memref_slice %arg2[%dma_wait3A_119, %dma_wait3A_120] : memref<10000x128xf32, #tpu.memory_space<hbm>> -> memref<10000x128xf32, #tpu.memory_space<hbm>>
    tpu.wait_indirect_dma semaphore(%arg23 : memref<!tpu.dma_semaphore, #tpu.memory_space<semaphore_mem>>) src(%dma_wait3A_121 : memref<10000x128xf32, #tpu.memory_space<hbm>>) dst(%arg13 : memref<80x128xf32, #tpu.memory_space<vmem>>)
    %dma_wait3A_122 = arith.constant 0 : i32
    %dma_wait3A_123 = arith.constant 0 : i32
    %dma_wait3A_124 = tpu.memref_slice %arg4[%add3A, %dma_wait3A_122, %dma_wait3A_123] : memref<32x125x80xi32, #tpu.memory_space<hbm>> -> memref<1x1x80xi32, #tpu.memory_space<hbm>>
    %dma_wait3A_125 = tpu.memref_squeeze %dma_wait3A_124 : memref<1x1x80xi32, #tpu.memory_space<hbm>> -> memref<80xi32, #tpu.memory_space<hbm>>
    %dma_wait3A_126 = arith.constant 0 : i32
    %dma_wait3A_127 = tpu.memref_slice %arg4[%add3A, %dma_wait3A_122, %dma_wait3A_126] : memref<32x125x80xi32, #tpu.memory_space<hbm>> -> memref<1x1x80xi32, #tpu.memory_space<hbm>>
    %dma_wait3A_128 = tpu.memref_squeeze %dma_wait3A_127 : memref<1x1x80xi32, #tpu.memory_space<hbm>> -> memref<80xi32, #tpu.memory_space<hbm>>
    tpu.wait_dma2 semaphore(%arg20 : memref<!tpu.dma_semaphore, #tpu.memory_space<semaphore_mem>>) src(%dma_wait3A_128 : memref<80xi32, #tpu.memory_space<hbm>>) dst(%arg10 : memref<80xi32, #tpu.memory_space<vmem>>)
    %dma_start3A_129 = arith.constant 0 : i32
    %dma_start3A_130 = arith.constant 0 : i32
    %dma_start3A_131 = tpu.memref_slice %arg15[%dma_start3A_129, %dma_start3A_130] : memref<10000x128xf32, #tpu.memory_space<vmem_shared>> -> memref<10000x128xf32, #tpu.memory_space<vmem_shared>>
    tpu.enqueue_indirect_dma source(%arg13 : memref<80x128xf32, #tpu.memory_space<vmem>>) target(%dma_start3A_131 : memref<10000x128xf32, #tpu.memory_space<vmem_shared>>) offsets(%arg10 : memref<80xi32, #tpu.memory_space<vmem>>) semaphore(%arg26 : memref<!tpu.dma_semaphore, #tpu.memory_space<semaphore_mem>>) {add = true}
    %dma_wait3A_132 = arith.constant 0 : i32
    %dma_wait3A_133 = arith.constant 0 : i32
    %dma_wait3A_134 = tpu.memref_slice %arg15[%dma_wait3A_132, %dma_wait3A_133] : memref<10000x128xf32, #tpu.memory_space<vmem_shared>> -> memref<80x128xf32, #tpu.memory_space<vmem_shared>>
    %dma_wait3A_135 = arith.constant 0 : i32
    %dma_wait3A_136 = arith.constant 0 : i32
    %dma_wait3A_137 = tpu.memref_slice %arg15[%dma_wait3A_135, %dma_wait3A_136] : memref<10000x128xf32, #tpu.memory_space<vmem_shared>> -> memref<80x128xf32, #tpu.memory_space<vmem_shared>>
    tpu.wait_dma2 semaphore(%arg25 : memref<!tpu.dma_semaphore, #tpu.memory_space<semaphore_mem>>) src(%arg12 : memref<80x128xf32, #tpu.memory_space<vmem>>) dst(%dma_wait3A_137 : memref<80x128xf32, #tpu.memory_space<vmem_shared>>)
    %dma_wait3A_138 = arith.constant 0 : i32
    %dma_wait3A_139 = arith.constant 0 : i32
    %dma_wait3A_140 = tpu.memref_slice %arg15[%dma_wait3A_138, %dma_wait3A_139] : memref<10000x128xf32, #tpu.memory_space<vmem_shared>> -> memref<80x128xf32, #tpu.memory_space<vmem_shared>>
    %dma_wait3A_141 = arith.constant 0 : i32
    %dma_wait3A_142 = arith.constant 0 : i32
    %dma_wait3A_143 = tpu.memref_slice %arg15[%dma_wait3A_141, %dma_wait3A_142] : memref<10000x128xf32, #tpu.memory_space<vmem_shared>> -> memref<80x128xf32, #tpu.memory_space<vmem_shared>>
    tpu.wait_dma2 semaphore(%arg26 : memref<!tpu.dma_semaphore, #tpu.memory_space<semaphore_mem>>) src(%arg13 : memref<80x128xf32, #tpu.memory_space<vmem>>) dst(%dma_wait3A_143 : memref<80x128xf32, #tpu.memory_space<vmem_shared>>)
    %dma_wait3A_144 = arith.constant 0 : i32
    %dma_wait3A_145 = arith.constant 0 : i32
    %dma_wait3A_146 = tpu.memref_slice %arg4[%add3A, %dma_wait3A_144, %dma_wait3A_145] : memref<32x125x80xi32, #tpu.memory_space<hbm>> -> memref<1x1x80xi32, #tpu.memory_space<hbm>>
    %dma_wait3A_147 = tpu.memref_squeeze %dma_wait3A_146 : memref<1x1x80xi32, #tpu.memory_space<hbm>> -> memref<80xi32, #tpu.memory_space<hbm>>
    %dma_wait3A_148 = arith.constant 0 : i32
    %dma_wait3A_149 = tpu.memref_slice %arg4[%add3A, %dma_wait3A_144, %dma_wait3A_148] : memref<32x125x80xi32, #tpu.memory_space<hbm>> -> memref<1x1x80xi32, #tpu.memory_space<hbm>>
    %dma_wait3A_150 = tpu.memref_squeeze %dma_wait3A_149 : memref<1x1x80xi32, #tpu.memory_space<hbm>> -> memref<80xi32, #tpu.memory_space<hbm>>
    tpu.wait_dma2 semaphore(%arg18 : memref<!tpu.dma_semaphore, #tpu.memory_space<semaphore_mem>>) src(%dma_wait3A_150 : memref<80xi32, #tpu.memory_space<hbm>>) dst(%arg8 : memref<80xi32, #tpu.memory_space<vmem>>)
    %barrier3A_151 = arith.constant 0 : index
    tpu.barrier barrier_id(%barrier3A_151)
    %mul3A_152 = arith.constant 632 : i32
    %mul3A_153 = arith.muli %arg1, %mul3A_152 : i32
    %min3A = arith.constant 9368 : i32
    %min3A_154 = arith.minsi %mul3A_153, %min3A : i32
    "tpu.region"() ({
      %run_scoped3A_155 = tpu.sem_alloc : memref<!tpu.dma_semaphore, #tpu.memory_space<semaphore_mem>>
      %dma_start3A_156 = arith.constant 0 : i32
      %dma_start3A_157 = tpu.memref_slice %arg5[%arg0, %min3A_154, %dma_start3A_156] : memref<2x10000x128xf32, #tpu.memory_space<hbm>> -> memref<1x632x128xf32, #tpu.memory_space<hbm>>
      %dma_start3A_158 = tpu.memref_squeeze %dma_start3A_157 : memref<1x632x128xf32, #tpu.memory_space<hbm>> -> memref<632x128xf32, #tpu.memory_space<hbm>>
      %dma_start3A_159 = arith.constant 0 : i32
      %dma_start3A_160 = tpu.memref_slice %arg15[%min3A_154, %dma_start3A_159] : memref<10000x128xf32, #tpu.memory_space<vmem_shared>> -> memref<632x128xf32, #tpu.memory_space<vmem_shared>>
      tpu.enqueue_dma source(%dma_start3A_160 : memref<632x128xf32, #tpu.memory_space<vmem_shared>>) target(%dma_start3A_158 : memref<632x128xf32, #tpu.memory_space<hbm>>) target_semaphore(%run_scoped3A_155 : memref<!tpu.dma_semaphore, #tpu.memory_space<semaphore_mem>>)
      %dma_wait3A_161 = arith.constant 0 : i32
      %dma_wait3A_162 = tpu.memref_slice %arg5[%arg0, %min3A_154, %dma_wait3A_161] : memref<2x10000x128xf32, #tpu.memory_space<hbm>> -> memref<1x632x128xf32, #tpu.memory_space<hbm>>
      %dma_wait3A_163 = tpu.memref_squeeze %dma_wait3A_162 : memref<1x632x128xf32, #tpu.memory_space<hbm>> -> memref<632x128xf32, #tpu.memory_space<hbm>>
      %dma_wait3A_164 = arith.constant 0 : i32
      %dma_wait3A_165 = tpu.memref_slice %arg15[%min3A_154, %dma_wait3A_164] : memref<10000x128xf32, #tpu.memory_space<vmem_shared>> -> memref<632x128xf32, #tpu.memory_space<vmem_shared>>
      tpu.wait_dma2 semaphore(%run_scoped3A_155 : memref<!tpu.dma_semaphore, #tpu.memory_space<semaphore_mem>>) src(%dma_wait3A_165 : memref<632x128xf32, #tpu.memory_space<vmem_shared>>) dst(%dma_wait3A_163 : memref<632x128xf32, #tpu.memory_space<hbm>>)
      tpu.yield
    }) : () -> ()
    return
  }
}

#map = affine_map<(d0, d1) -> (0, 0)>
#map1 = affine_map<(d0, d1) -> (0, 0, 0)>
module attributes {stable_mosaic.version = 14 : i64} {
  func.func @_agg_body(%arg0: i32, %arg1: i32, %arg2: memref<10000x128xf32, #tpu.memory_space<hbm>>, %arg3: memref<32x125x80xi32, #tpu.memory_space<hbm>>, %arg4: memref<32x125x80xi32, #tpu.memory_space<hbm>>, %arg5: memref<2x10000x128xf32, #tpu.memory_space<hbm>>, %arg6: memref<80xi32, #tpu.memory_space<vmem>>, %arg7: memref<80xi32, #tpu.memory_space<vmem>>, %arg8: memref<80xi32, #tpu.memory_space<vmem>>, %arg9: memref<80xi32, #tpu.memory_space<vmem>>, %arg10: memref<80xi32, #tpu.memory_space<vmem>>, %arg11: memref<80xi32, #tpu.memory_space<vmem>>, %arg12: memref<80x128xf32, #tpu.memory_space<vmem>>, %arg13: memref<80x128xf32, #tpu.memory_space<vmem>>, %arg14: memref<80x128xf32, #tpu.memory_space<vmem>>, %arg15: memref<10000x128xf32, #tpu.memory_space<vmem_shared>>, %arg16: memref<!tpu.dma_semaphore, #tpu.memory_space<semaphore_mem>>, %arg17: memref<!tpu.dma_semaphore, #tpu.memory_space<semaphore_mem>>, %arg18: memref<!tpu.dma_semaphore, #tpu.memory_space<semaphore_mem>>, %arg19: memref<!tpu.dma_semaphore, #tpu.memory_space<semaphore_mem>>, %arg20: memref<!tpu.dma_semaphore, #tpu.memory_space<semaphore_mem>>, %arg21: memref<!tpu.dma_semaphore, #tpu.memory_space<semaphore_mem>>, %arg22: memref<!tpu.dma_semaphore, #tpu.memory_space<semaphore_mem>>, %arg23: memref<!tpu.dma_semaphore, #tpu.memory_space<semaphore_mem>>, %arg24: memref<!tpu.dma_semaphore, #tpu.memory_space<semaphore_mem>>, %arg25: memref<!tpu.dma_semaphore, #tpu.memory_space<semaphore_mem>>, %arg26: memref<!tpu.dma_semaphore, #tpu.memory_space<semaphore_mem>>, %arg27: memref<!tpu.dma_semaphore, #tpu.memory_space<semaphore_mem>>) attributes {dimension_semantics = [#tpu.dimension_semantics<core_parallel>, #tpu.dimension_semantics<subcore_parallel>], iteration_bounds = array<i64: 2, 16>, scalar_prefetch = 0 : i64, scratch_operands = 22 : i64, tpu.core_type = #tpu.core_type<sc_vector_subcore>, window_params = [{transform_indices = #map}, {transform_indices = #map1}, {transform_indices = #map1}, {transform_indices = #map1}]} {
    %mul3A = arith.constant 16 : i32
    %mul3A_0 = arith.muli %arg0, %mul3A : i32
    %add3A = arith.addi %mul3A_0, %arg1 : i32
    %scan3A = arith.constant 0 : i32
    %scan3A_1 = arith.constant 0 : i32
    %scan3A_2 = arith.constant 80 : i32
    %scan3A_3 = arith.addi %scan3A_1, %scan3A_2 : i32
    %scan3A_4 = arith.constant 1 : i32
    %scan3A_5 = scf.for %scan3A_155 = %scan3A_1 to %scan3A_3 step %scan3A_4 iter_args(%scan3A_156 = %scan3A) -> (i32)  : i32 {
      %broadcast_in_dim3A = arith.constant 0.000000e+00 : f32
      %broadcast_in_dim3A_157 = vector.broadcast %broadcast_in_dim3A : f32 to vector<16xf32>
      %swap3A = arith.index_cast %scan3A_155 : i32 to index
      %swap3A_158 = arith.constant 0 : index
      %swap3A_159 = tpu.vector_load %arg12[%swap3A, %swap3A_158] {strides = array<i32>} : memref<80x128xf32, #tpu.memory_space<vmem>>, vector<1x16xf32>,
      %swap3A_160 = vector.shape_cast %swap3A_159 : vector<1x16xf32> to vector<16xf32>
      %swap3A_161 = vector.shape_cast %broadcast_in_dim3A_157 : vector<16xf32> to vector<1x16xf32>
      tpu.vector_store %arg12[%swap3A, %swap3A_158], %swap3A_161 {strides = array<i32>} : memref<80x128xf32, #tpu.memory_space<vmem>>, vector<1x16xf32>,
      %broadcast_in_dim3A_162 = arith.constant 0.000000e+00 : f32
      %broadcast_in_dim3A_163 = vector.broadcast %broadcast_in_dim3A_162 : f32 to vector<16xf32>
      %swap3A_164 = arith.index_cast %scan3A_155 : i32 to index
      %swap3A_165 = arith.constant 16 : index
      %swap3A_166 = tpu.vector_load %arg12[%swap3A_164, %swap3A_165] {strides = array<i32>} : memref<80x128xf32, #tpu.memory_space<vmem>>, vector<1x16xf32>,
      %swap3A_167 = vector.shape_cast %swap3A_166 : vector<1x16xf32> to vector<16xf32>
      %swap3A_168 = vector.shape_cast %broadcast_in_dim3A_163 : vector<16xf32> to vector<1x16xf32>
      tpu.vector_store %arg12[%swap3A_164, %swap3A_165], %swap3A_168 {strides = array<i32>} : memref<80x128xf32, #tpu.memory_space<vmem>>, vector<1x16xf32>,
      %broadcast_in_dim3A_169 = arith.constant 0.000000e+00 : f32
      %broadcast_in_dim3A_170 = vector.broadcast %broadcast_in_dim3A_169 : f32 to vector<16xf32>
      %swap3A_171 = arith.index_cast %scan3A_155 : i32 to index
      %swap3A_172 = arith.constant 32 : index
      %swap3A_173 = tpu.vector_load %arg12[%swap3A_171, %swap3A_172] {strides = array<i32>} : memref<80x128xf32, #tpu.memory_space<vmem>>, vector<1x16xf32>,
      %swap3A_174 = vector.shape_cast %swap3A_173 : vector<1x16xf32> to vector<16xf32>
      %swap3A_175 = vector.shape_cast %broadcast_in_dim3A_170 : vector<16xf32> to vector<1x16xf32>
      tpu.vector_store %arg12[%swap3A_171, %swap3A_172], %swap3A_175 {strides = array<i32>} : memref<80x128xf32, #tpu.memory_space<vmem>>, vector<1x16xf32>,
      %broadcast_in_dim3A_176 = arith.constant 0.000000e+00 : f32
      %broadcast_in_dim3A_177 = vector.broadcast %broadcast_in_dim3A_176 : f32 to vector<16xf32>
      %swap3A_178 = arith.index_cast %scan3A_155 : i32 to index
      %swap3A_179 = arith.constant 48 : index
      %swap3A_180 = tpu.vector_load %arg12[%swap3A_178, %swap3A_179] {strides = array<i32>} : memref<80x128xf32, #tpu.memory_space<vmem>>, vector<1x16xf32>,
      %swap3A_181 = vector.shape_cast %swap3A_180 : vector<1x16xf32> to vector<16xf32>
      %swap3A_182 = vector.shape_cast %broadcast_in_dim3A_177 : vector<16xf32> to vector<1x16xf32>
      tpu.vector_store %arg12[%swap3A_178, %swap3A_179], %swap3A_182 {strides = array<i32>} : memref<80x128xf32, #tpu.memory_space<vmem>>, vector<1x16xf32>,
      %broadcast_in_dim3A_183 = arith.constant 0.000000e+00 : f32
      %broadcast_in_dim3A_184 = vector.broadcast %broadcast_in_dim3A_183 : f32 to vector<16xf32>
      %swap3A_185 = arith.index_cast %scan3A_155 : i32 to index
      %swap3A_186 = arith.constant 64 : index
      %swap3A_187 = tpu.vector_load %arg12[%swap3A_185, %swap3A_186] {strides = array<i32>} : memref<80x128xf32, #tpu.memory_space<vmem>>, vector<1x16xf32>,
      %swap3A_188 = vector.shape_cast %swap3A_187 : vector<1x16xf32> to vector<16xf32>
      %swap3A_189 = vector.shape_cast %broadcast_in_dim3A_184 : vector<16xf32> to vector<1x16xf32>
      tpu.vector_store %arg12[%swap3A_185, %swap3A_186], %swap3A_189 {strides = array<i32>} : memref<80x128xf32, #tpu.memory_space<vmem>>, vector<1x16xf32>,
      %broadcast_in_dim3A_190 = arith.constant 0.000000e+00 : f32
      %broadcast_in_dim3A_191 = vector.broadcast %broadcast_in_dim3A_190 : f32 to vector<16xf32>
      %swap3A_192 = arith.index_cast %scan3A_155 : i32 to index
      %swap3A_193 = arith.constant 80 : index
      %swap3A_194 = tpu.vector_load %arg12[%swap3A_192, %swap3A_193] {strides = array<i32>} : memref<80x128xf32, #tpu.memory_space<vmem>>, vector<1x16xf32>,
      %swap3A_195 = vector.shape_cast %swap3A_194 : vector<1x16xf32> to vector<16xf32>
      %swap3A_196 = vector.shape_cast %broadcast_in_dim3A_191 : vector<16xf32> to vector<1x16xf32>
      tpu.vector_store %arg12[%swap3A_192, %swap3A_193], %swap3A_196 {strides = array<i32>} : memref<80x128xf32, #tpu.memory_space<vmem>>, vector<1x16xf32>,
      %broadcast_in_dim3A_197 = arith.constant 0.000000e+00 : f32
      %broadcast_in_dim3A_198 = vector.broadcast %broadcast_in_dim3A_197 : f32 to vector<16xf32>
      %swap3A_199 = arith.index_cast %scan3A_155 : i32 to index
      %swap3A_200 = arith.constant 96 : index
      %swap3A_201 = tpu.vector_load %arg12[%swap3A_199, %swap3A_200] {strides = array<i32>} : memref<80x128xf32, #tpu.memory_space<vmem>>, vector<1x16xf32>,
      %swap3A_202 = vector.shape_cast %swap3A_201 : vector<1x16xf32> to vector<16xf32>
      %swap3A_203 = vector.shape_cast %broadcast_in_dim3A_198 : vector<16xf32> to vector<1x16xf32>
      tpu.vector_store %arg12[%swap3A_199, %swap3A_200], %swap3A_203 {strides = array<i32>} : memref<80x128xf32, #tpu.memory_space<vmem>>, vector<1x16xf32>,
      %broadcast_in_dim3A_204 = arith.constant 0.000000e+00 : f32
      %broadcast_in_dim3A_205 = vector.broadcast %broadcast_in_dim3A_204 : f32 to vector<16xf32>
      %swap3A_206 = arith.index_cast %scan3A_155 : i32 to index
      %swap3A_207 = arith.constant 112 : index
      %swap3A_208 = tpu.vector_load %arg12[%swap3A_206, %swap3A_207] {strides = array<i32>} : memref<80x128xf32, #tpu.memory_space<vmem>>, vector<1x16xf32>,
      %swap3A_209 = vector.shape_cast %swap3A_208 : vector<1x16xf32> to vector<16xf32>
      %swap3A_210 = vector.shape_cast %broadcast_in_dim3A_205 : vector<16xf32> to vector<1x16xf32>
      tpu.vector_store %arg12[%swap3A_206, %swap3A_207], %swap3A_210 {strides = array<i32>} : memref<80x128xf32, #tpu.memory_space<vmem>>, vector<1x16xf32>,
      %scan3A_211 = arith.constant 0 : i32
      scf.yield %scan3A_211 : i32
    }
    %scan3A_6 = arith.constant 80 : i32
    %scan3A_7 = arith.constant 0 : i32
    %scan3A_8 = arith.constant 0 : i32
    %scan3A_9 = arith.constant 80 : i32
    %scan3A_10 = arith.addi %scan3A_8, %scan3A_9 : i32
    %scan3A_11 = arith.constant 1 : i32
    %scan3A_12 = scf.for %scan3A_155 = %scan3A_8 to %scan3A_10 step %scan3A_11 iter_args(%scan3A_156 = %scan3A_7) -> (i32)  : i32 {
      %broadcast_in_dim3A = arith.constant 0.000000e+00 : f32
      %broadcast_in_dim3A_157 = vector.broadcast %broadcast_in_dim3A : f32 to vector<16xf32>
      %swap3A = arith.index_cast %scan3A_155 : i32 to index
      %swap3A_158 = arith.constant 0 : index
      %swap3A_159 = tpu.vector_load %arg13[%swap3A, %swap3A_158] {strides = array<i32>} : memref<80x128xf32, #tpu.memory_space<vmem>>, vector<1x16xf32>,
      %swap3A_160 = vector.shape_cast %swap3A_159 : vector<1x16xf32> to vector<16xf32>
      %swap3A_161 = vector.shape_cast %broadcast_in_dim3A_157 : vector<16xf32> to vector<1x16xf32>
      tpu.vector_store %arg13[%swap3A, %swap3A_158], %swap3A_161 {strides = array<i32>} : memref<80x128xf32, #tpu.memory_space<vmem>>, vector<1x16xf32>,
      %broadcast_in_dim3A_162 = arith.constant 0.000000e+00 : f32
      %broadcast_in_dim3A_163 = vector.broadcast %broadcast_in_dim3A_162 : f32 to vector<16xf32>
      %swap3A_164 = arith.index_cast %scan3A_155 : i32 to index
      %swap3A_165 = arith.constant 16 : index
      %swap3A_166 = tpu.vector_load %arg13[%swap3A_164, %swap3A_165] {strides = array<i32>} : memref<80x128xf32, #tpu.memory_space<vmem>>, vector<1x16xf32>,
      %swap3A_167 = vector.shape_cast %swap3A_166 : vector<1x16xf32> to vector<16xf32>
      %swap3A_168 = vector.shape_cast %broadcast_in_dim3A_163 : vector<16xf32> to vector<1x16xf32>
      tpu.vector_store %arg13[%swap3A_164, %swap3A_165], %swap3A_168 {strides = array<i32>} : memref<80x128xf32, #tpu.memory_space<vmem>>, vector<1x16xf32>,
      %broadcast_in_dim3A_169 = arith.constant 0.000000e+00 : f32
      %broadcast_in_dim3A_170 = vector.broadcast %broadcast_in_dim3A_169 : f32 to vector<16xf32>
      %swap3A_171 = arith.index_cast %scan3A_155 : i32 to index
      %swap3A_172 = arith.constant 32 : index
      %swap3A_173 = tpu.vector_load %arg13[%swap3A_171, %swap3A_172] {strides = array<i32>} : memref<80x128xf32, #tpu.memory_space<vmem>>, vector<1x16xf32>,
      %swap3A_174 = vector.shape_cast %swap3A_173 : vector<1x16xf32> to vector<16xf32>
      %swap3A_175 = vector.shape_cast %broadcast_in_dim3A_170 : vector<16xf32> to vector<1x16xf32>
      tpu.vector_store %arg13[%swap3A_171, %swap3A_172], %swap3A_175 {strides = array<i32>} : memref<80x128xf32, #tpu.memory_space<vmem>>, vector<1x16xf32>,
      %broadcast_in_dim3A_176 = arith.constant 0.000000e+00 : f32
      %broadcast_in_dim3A_177 = vector.broadcast %broadcast_in_dim3A_176 : f32 to vector<16xf32>
      %swap3A_178 = arith.index_cast %scan3A_155 : i32 to index
      %swap3A_179 = arith.constant 48 : index
      %swap3A_180 = tpu.vector_load %arg13[%swap3A_178, %swap3A_179] {strides = array<i32>} : memref<80x128xf32, #tpu.memory_space<vmem>>, vector<1x16xf32>,
      %swap3A_181 = vector.shape_cast %swap3A_180 : vector<1x16xf32> to vector<16xf32>
      %swap3A_182 = vector.shape_cast %broadcast_in_dim3A_177 : vector<16xf32> to vector<1x16xf32>
      tpu.vector_store %arg13[%swap3A_178, %swap3A_179], %swap3A_182 {strides = array<i32>} : memref<80x128xf32, #tpu.memory_space<vmem>>, vector<1x16xf32>,
      %broadcast_in_dim3A_183 = arith.constant 0.000000e+00 : f32
      %broadcast_in_dim3A_184 = vector.broadcast %broadcast_in_dim3A_183 : f32 to vector<16xf32>
      %swap3A_185 = arith.index_cast %scan3A_155 : i32 to index
      %swap3A_186 = arith.constant 64 : index
      %swap3A_187 = tpu.vector_load %arg13[%swap3A_185, %swap3A_186] {strides = array<i32>} : memref<80x128xf32, #tpu.memory_space<vmem>>, vector<1x16xf32>,
      %swap3A_188 = vector.shape_cast %swap3A_187 : vector<1x16xf32> to vector<16xf32>
      %swap3A_189 = vector.shape_cast %broadcast_in_dim3A_184 : vector<16xf32> to vector<1x16xf32>
      tpu.vector_store %arg13[%swap3A_185, %swap3A_186], %swap3A_189 {strides = array<i32>} : memref<80x128xf32, #tpu.memory_space<vmem>>, vector<1x16xf32>,
      %broadcast_in_dim3A_190 = arith.constant 0.000000e+00 : f32
      %broadcast_in_dim3A_191 = vector.broadcast %broadcast_in_dim3A_190 : f32 to vector<16xf32>
      %swap3A_192 = arith.index_cast %scan3A_155 : i32 to index
      %swap3A_193 = arith.constant 80 : index
      %swap3A_194 = tpu.vector_load %arg13[%swap3A_192, %swap3A_193] {strides = array<i32>} : memref<80x128xf32, #tpu.memory_space<vmem>>, vector<1x16xf32>,
      %swap3A_195 = vector.shape_cast %swap3A_194 : vector<1x16xf32> to vector<16xf32>
      %swap3A_196 = vector.shape_cast %broadcast_in_dim3A_191 : vector<16xf32> to vector<1x16xf32>
      tpu.vector_store %arg13[%swap3A_192, %swap3A_193], %swap3A_196 {strides = array<i32>} : memref<80x128xf32, #tpu.memory_space<vmem>>, vector<1x16xf32>,
      %broadcast_in_dim3A_197 = arith.constant 0.000000e+00 : f32
      %broadcast_in_dim3A_198 = vector.broadcast %broadcast_in_dim3A_197 : f32 to vector<16xf32>
      %swap3A_199 = arith.index_cast %scan3A_155 : i32 to index
      %swap3A_200 = arith.constant 96 : index
      %swap3A_201 = tpu.vector_load %arg13[%swap3A_199, %swap3A_200] {strides = array<i32>} : memref<80x128xf32, #tpu.memory_space<vmem>>, vector<1x16xf32>,
      %swap3A_202 = vector.shape_cast %swap3A_201 : vector<1x16xf32> to vector<16xf32>
      %swap3A_203 = vector.shape_cast %broadcast_in_dim3A_198 : vector<16xf32> to vector<1x16xf32>
      tpu.vector_store %arg13[%swap3A_199, %swap3A_200], %swap3A_203 {strides = array<i32>} : memref<80x128xf32, #tpu.memory_space<vmem>>, vector<1x16xf32>,
      %broadcast_in_dim3A_204 = arith.constant 0.000000e+00 : f32
      %broadcast_in_dim3A_205 = vector.broadcast %broadcast_in_dim3A_204 : f32 to vector<16xf32>
      %swap3A_206 = arith.index_cast %scan3A_155 : i32 to index
      %swap3A_207 = arith.constant 112 : index
      %swap3A_208 = tpu.vector_load %arg13[%swap3A_206, %swap3A_207] {strides = array<i32>} : memref<80x128xf32, #tpu.memory_space<vmem>>, vector<1x16xf32>,
      %swap3A_209 = vector.shape_cast %swap3A_208 : vector<1x16xf32> to vector<16xf32>
      %swap3A_210 = vector.shape_cast %broadcast_in_dim3A_205 : vector<16xf32> to vector<1x16xf32>
      tpu.vector_store %arg13[%swap3A_206, %swap3A_207], %swap3A_210 {strides = array<i32>} : memref<80x128xf32, #tpu.memory_space<vmem>>, vector<1x16xf32>,
      %scan3A_211 = arith.constant 0 : i32
      scf.yield %scan3A_211 : i32
    }
    %scan3A_13 = arith.constant 80 : i32
    %scan3A_14 = arith.constant 0 : i32
    %scan3A_15 = arith.constant 0 : i32
    %scan3A_16 = arith.constant 80 : i32
    %scan3A_17 = arith.addi %scan3A_15, %scan3A_16 : i32
    %scan3A_18 = arith.constant 1 : i32
    %scan3A_19 = scf.for %scan3A_155 = %scan3A_15 to %scan3A_17 step %scan3A_18 iter_args(%scan3A_156 = %scan3A_14) -> (i32)  : i32 {
      %broadcast_in_dim3A = arith.constant 0.000000e+00 : f32
      %broadcast_in_dim3A_157 = vector.broadcast %broadcast_in_dim3A : f32 to vector<16xf32>
      %swap3A = arith.index_cast %scan3A_155 : i32 to index
      %swap3A_158 = arith.constant 0 : index
      %swap3A_159 = tpu.vector_load %arg14[%swap3A, %swap3A_158] {strides = array<i32>} : memref<80x128xf32, #tpu.memory_space<vmem>>, vector<1x16xf32>,
      %swap3A_160 = vector.shape_cast %swap3A_159 : vector<1x16xf32> to vector<16xf32>
      %swap3A_161 = vector.shape_cast %broadcast_in_dim3A_157 : vector<16xf32> to vector<1x16xf32>
      tpu.vector_store %arg14[%swap3A, %swap3A_158], %swap3A_161 {strides = array<i32>} : memref<80x128xf32, #tpu.memory_space<vmem>>, vector<1x16xf32>,
      %broadcast_in_dim3A_162 = arith.constant 0.000000e+00 : f32
      %broadcast_in_dim3A_163 = vector.broadcast %broadcast_in_dim3A_162 : f32 to vector<16xf32>
      %swap3A_164 = arith.index_cast %scan3A_155 : i32 to index
      %swap3A_165 = arith.constant 16 : index
      %swap3A_166 = tpu.vector_load %arg14[%swap3A_164, %swap3A_165] {strides = array<i32>} : memref<80x128xf32, #tpu.memory_space<vmem>>, vector<1x16xf32>,
      %swap3A_167 = vector.shape_cast %swap3A_166 : vector<1x16xf32> to vector<16xf32>
      %swap3A_168 = vector.shape_cast %broadcast_in_dim3A_163 : vector<16xf32> to vector<1x16xf32>
      tpu.vector_store %arg14[%swap3A_164, %swap3A_165], %swap3A_168 {strides = array<i32>} : memref<80x128xf32, #tpu.memory_space<vmem>>, vector<1x16xf32>,
      %broadcast_in_dim3A_169 = arith.constant 0.000000e+00 : f32
      %broadcast_in_dim3A_170 = vector.broadcast %broadcast_in_dim3A_169 : f32 to vector<16xf32>
      %swap3A_171 = arith.index_cast %scan3A_155 : i32 to index
      %swap3A_172 = arith.constant 32 : index
      %swap3A_173 = tpu.vector_load %arg14[%swap3A_171, %swap3A_172] {strides = array<i32>} : memref<80x128xf32, #tpu.memory_space<vmem>>, vector<1x16xf32>,
      %swap3A_174 = vector.shape_cast %swap3A_173 : vector<1x16xf32> to vector<16xf32>
      %swap3A_175 = vector.shape_cast %broadcast_in_dim3A_170 : vector<16xf32> to vector<1x16xf32>
      tpu.vector_store %arg14[%swap3A_171, %swap3A_172], %swap3A_175 {strides = array<i32>} : memref<80x128xf32, #tpu.memory_space<vmem>>, vector<1x16xf32>,
      %broadcast_in_dim3A_176 = arith.constant 0.000000e+00 : f32
      %broadcast_in_dim3A_177 = vector.broadcast %broadcast_in_dim3A_176 : f32 to vector<16xf32>
      %swap3A_178 = arith.index_cast %scan3A_155 : i32 to index
      %swap3A_179 = arith.constant 48 : index
      %swap3A_180 = tpu.vector_load %arg14[%swap3A_178, %swap3A_179] {strides = array<i32>} : memref<80x128xf32, #tpu.memory_space<vmem>>, vector<1x16xf32>,
      %swap3A_181 = vector.shape_cast %swap3A_180 : vector<1x16xf32> to vector<16xf32>
      %swap3A_182 = vector.shape_cast %broadcast_in_dim3A_177 : vector<16xf32> to vector<1x16xf32>
      tpu.vector_store %arg14[%swap3A_178, %swap3A_179], %swap3A_182 {strides = array<i32>} : memref<80x128xf32, #tpu.memory_space<vmem>>, vector<1x16xf32>,
      %broadcast_in_dim3A_183 = arith.constant 0.000000e+00 : f32
      %broadcast_in_dim3A_184 = vector.broadcast %broadcast_in_dim3A_183 : f32 to vector<16xf32>
      %swap3A_185 = arith.index_cast %scan3A_155 : i32 to index
      %swap3A_186 = arith.constant 64 : index
      %swap3A_187 = tpu.vector_load %arg14[%swap3A_185, %swap3A_186] {strides = array<i32>} : memref<80x128xf32, #tpu.memory_space<vmem>>, vector<1x16xf32>,
      %swap3A_188 = vector.shape_cast %swap3A_187 : vector<1x16xf32> to vector<16xf32>
      %swap3A_189 = vector.shape_cast %broadcast_in_dim3A_184 : vector<16xf32> to vector<1x16xf32>
      tpu.vector_store %arg14[%swap3A_185, %swap3A_186], %swap3A_189 {strides = array<i32>} : memref<80x128xf32, #tpu.memory_space<vmem>>, vector<1x16xf32>,
      %broadcast_in_dim3A_190 = arith.constant 0.000000e+00 : f32
      %broadcast_in_dim3A_191 = vector.broadcast %broadcast_in_dim3A_190 : f32 to vector<16xf32>
      %swap3A_192 = arith.index_cast %scan3A_155 : i32 to index
      %swap3A_193 = arith.constant 80 : index
      %swap3A_194 = tpu.vector_load %arg14[%swap3A_192, %swap3A_193] {strides = array<i32>} : memref<80x128xf32, #tpu.memory_space<vmem>>, vector<1x16xf32>,
      %swap3A_195 = vector.shape_cast %swap3A_194 : vector<1x16xf32> to vector<16xf32>
      %swap3A_196 = vector.shape_cast %broadcast_in_dim3A_191 : vector<16xf32> to vector<1x16xf32>
      tpu.vector_store %arg14[%swap3A_192, %swap3A_193], %swap3A_196 {strides = array<i32>} : memref<80x128xf32, #tpu.memory_space<vmem>>, vector<1x16xf32>,
      %broadcast_in_dim3A_197 = arith.constant 0.000000e+00 : f32
      %broadcast_in_dim3A_198 = vector.broadcast %broadcast_in_dim3A_197 : f32 to vector<16xf32>
      %swap3A_199 = arith.index_cast %scan3A_155 : i32 to index
      %swap3A_200 = arith.constant 96 : index
      %swap3A_201 = tpu.vector_load %arg14[%swap3A_199, %swap3A_200] {strides = array<i32>} : memref<80x128xf32, #tpu.memory_space<vmem>>, vector<1x16xf32>,
      %swap3A_202 = vector.shape_cast %swap3A_201 : vector<1x16xf32> to vector<16xf32>
      %swap3A_203 = vector.shape_cast %broadcast_in_dim3A_198 : vector<16xf32> to vector<1x16xf32>
      tpu.vector_store %arg14[%swap3A_199, %swap3A_200], %swap3A_203 {strides = array<i32>} : memref<80x128xf32, #tpu.memory_space<vmem>>, vector<1x16xf32>,
      %broadcast_in_dim3A_204 = arith.constant 0.000000e+00 : f32
      %broadcast_in_dim3A_205 = vector.broadcast %broadcast_in_dim3A_204 : f32 to vector<16xf32>
      %swap3A_206 = arith.index_cast %scan3A_155 : i32 to index
      %swap3A_207 = arith.constant 112 : index
      %swap3A_208 = tpu.vector_load %arg14[%swap3A_206, %swap3A_207] {strides = array<i32>} : memref<80x128xf32, #tpu.memory_space<vmem>>, vector<1x16xf32>,
      %swap3A_209 = vector.shape_cast %swap3A_208 : vector<1x16xf32> to vector<16xf32>
      %swap3A_210 = vector.shape_cast %broadcast_in_dim3A_205 : vector<16xf32> to vector<1x16xf32>
      tpu.vector_store %arg14[%swap3A_206, %swap3A_207], %swap3A_210 {strides = array<i32>} : memref<80x128xf32, #tpu.memory_space<vmem>>, vector<1x16xf32>,
      %scan3A_211 = arith.constant 0 : i32
      scf.yield %scan3A_211 : i32
    }
    %scan3A_20 = arith.constant 80 : i32
    %run_scoped3A = arith.constant 0 : i32
    "tpu.region"() ({
      %run_scoped3A_155 = tpu.sem_alloc : memref<!tpu.dma_semaphore, #tpu.memory_space<semaphore_mem>>
      %dma_start3A_156 = arith.constant 0 : i32
      %dma_start3A_157 = tpu.memref_slice %arg4[%add3A, %run_scoped3A, %dma_start3A_156] : memref<32x125x80xi32, #tpu.memory_space<hbm>> -> memref<1x1x80xi32, #tpu.memory_space<hbm>>
      %dma_start3A_158 = tpu.memref_squeeze %dma_start3A_157 : memref<1x1x80xi32, #tpu.memory_space<hbm>> -> memref<80xi32, #tpu.memory_space<hbm>>
      %dma_start3A_159 = arith.constant 0 : i32
      %dma_start3A_160 = tpu.memref_slice %arg4[%add3A, %run_scoped3A, %dma_start3A_159] : memref<32x125x80xi32, #tpu.memory_space<hbm>> -> memref<1x1x80xi32, #tpu.memory_space<hbm>>
      %dma_start3A_161 = tpu.memref_squeeze %dma_start3A_160 : memref<1x1x80xi32, #tpu.memory_space<hbm>> -> memref<80xi32, #tpu.memory_space<hbm>>
      tpu.enqueue_dma source(%dma_start3A_161 : memref<80xi32, #tpu.memory_space<hbm>>) target(%arg11 : memref<80xi32, #tpu.memory_space<vmem>>) target_semaphore(%run_scoped3A_155 : memref<!tpu.dma_semaphore, #tpu.memory_space<semaphore_mem>>)
      %dma_wait3A_162 = arith.constant 0 : i32
      %dma_wait3A_163 = tpu.memref_slice %arg4[%add3A, %run_scoped3A, %dma_wait3A_162] : memref<32x125x80xi32, #tpu.memory_space<hbm>> -> memref<1x1x80xi32, #tpu.memory_space<hbm>>
      %dma_wait3A_164 = tpu.memref_squeeze %dma_wait3A_163 : memref<1x1x80xi32, #tpu.memory_space<hbm>> -> memref<80xi32, #tpu.memory_space<hbm>>
      %dma_wait3A_165 = arith.constant 0 : i32
      %dma_wait3A_166 = tpu.memref_slice %arg4[%add3A, %run_scoped3A, %dma_wait3A_165] : memref<32x125x80xi32, #tpu.memory_space<hbm>> -> memref<1x1x80xi32, #tpu.memory_space<hbm>>
      %dma_wait3A_167 = tpu.memref_squeeze %dma_wait3A_166 : memref<1x1x80xi32, #tpu.memory_space<hbm>> -> memref<80xi32, #tpu.memory_space<hbm>>
      tpu.wait_dma2 semaphore(%run_scoped3A_155 : memref<!tpu.dma_semaphore, #tpu.memory_space<semaphore_mem>>) src(%dma_wait3A_167 : memref<80xi32, #tpu.memory_space<hbm>>) dst(%arg11 : memref<80xi32, #tpu.memory_space<vmem>>)
      tpu.yield
    }) : () -> ()
    %mul3A_21 = arith.constant 8 : i32
    %mul3A_22 = arith.muli %arg1, %mul3A_21 : i32
    %add3A_23 = arith.constant 1 : i32
    %add3A_24 = arith.addi %arg1, %add3A_23 : i32
    %mul3A_25 = arith.constant 8 : i32
    %mul3A_26 = arith.muli %add3A_24, %mul3A_25 : i32
    %while3A = arith.constant 0 : i32
    %while3A_27 = arith.subi %mul3A_26, %mul3A_22 : i32
    %while3A_28 = arith.addi %mul3A_22, %while3A_27 : i32
    %while3A_29 = arith.constant 1 : i32
    %while3A_30 = arith.divsi %while3A_27, %while3A_29 : i32
    %while3A_31 = arith.muli %while3A_30, %while3A_29 : i32
    %while3A_32 = arith.addi %mul3A_22, %while3A_31 : i32
    %while3A_33 = arith.constant 1 : i32
    %while3A_34 = scf.for %while3A_155 = %mul3A_22 to %while3A_32 step %while3A_33 iter_args(%while3A_156 = %while3A) -> (i32)  : i32 {
      %mul3A_157 = arith.constant 80 : i32
      %mul3A_158 = arith.muli %while3A_155, %mul3A_157 : i32
      %min3A_159 = arith.constant 9920 : i32
      %min3A_160 = arith.minsi %mul3A_158, %min3A_159 : i32
      "tpu.region"() ({
        %run_scoped3A_162 = tpu.sem_alloc : memref<!tpu.dma_semaphore, #tpu.memory_space<semaphore_mem>>
        %dma_start3A_163 = arith.constant 0 : i32
        %dma_start3A_164 = tpu.memref_slice %arg15[%min3A_160, %dma_start3A_163] : memref<10000x128xf32, #tpu.memory_space<vmem_shared>> -> memref<80x128xf32, #tpu.memory_space<vmem_shared>>
        %dma_start3A_165 = arith.constant 0 : i32
        %dma_start3A_166 = tpu.memref_slice %arg15[%min3A_160, %dma_start3A_165] : memref<10000x128xf32, #tpu.memory_space<vmem_shared>> -> memref<80x128xf32, #tpu.memory_space<vmem_shared>>
        tpu.enqueue_dma source(%arg12 : memref<80x128xf32, #tpu.memory_space<vmem>>) target(%dma_start3A_166 : memref<80x128xf32, #tpu.memory_space<vmem_shared>>) target_semaphore(%run_scoped3A_162 : memref<!tpu.dma_semaphore, #tpu.memory_space<semaphore_mem>>)
        %dma_wait3A_167 = arith.constant 0 : i32
        %dma_wait3A_168 = tpu.memref_slice %arg15[%min3A_160, %dma_wait3A_167] : memref<10000x128xf32, #tpu.memory_space<vmem_shared>> -> memref<80x128xf32, #tpu.memory_space<vmem_shared>>
        %dma_wait3A_169 = arith.constant 0 : i32
        %dma_wait3A_170 = tpu.memref_slice %arg15[%min3A_160, %dma_wait3A_169] : memref<10000x128xf32, #tpu.memory_space<vmem_shared>> -> memref<80x128xf32, #tpu.memory_space<vmem_shared>>
        tpu.wait_dma2 semaphore(%run_scoped3A_162 : memref<!tpu.dma_semaphore, #tpu.memory_space<semaphore_mem>>) src(%arg12 : memref<80x128xf32, #tpu.memory_space<vmem>>) dst(%dma_wait3A_170 : memref<80x128xf32, #tpu.memory_space<vmem_shared>>)
        tpu.yield
      }) : () -> ()
      %while3A_161 = arith.constant 0 : i32
      scf.yield %while3A_161 : i32
    }
    %while3A_35 = arith.constant 1 : i32
    %while3A_36 = scf.for %while3A_155 = %while3A_32 to %while3A_28 step %while3A_35 iter_args(%while3A_156 = %while3A_34) -> (i32)  : i32 {
      %mul3A_157 = arith.constant 80 : i32
      %mul3A_158 = arith.muli %while3A_155, %mul3A_157 : i32
      %min3A_159 = arith.constant 9920 : i32
      %min3A_160 = arith.minsi %mul3A_158, %min3A_159 : i32
      "tpu.region"() ({
        %run_scoped3A_162 = tpu.sem_alloc : memref<!tpu.dma_semaphore, #tpu.memory_space<semaphore_mem>>
        %dma_start3A_163 = arith.constant 0 : i32
        %dma_start3A_164 = tpu.memref_slice %arg15[%min3A_160, %dma_start3A_163] : memref<10000x128xf32, #tpu.memory_space<vmem_shared>> -> memref<80x128xf32, #tpu.memory_space<vmem_shared>>
        %dma_start3A_165 = arith.constant 0 : i32
        %dma_start3A_166 = tpu.memref_slice %arg15[%min3A_160, %dma_start3A_165] : memref<10000x128xf32, #tpu.memory_space<vmem_shared>> -> memref<80x128xf32, #tpu.memory_space<vmem_shared>>
        tpu.enqueue_dma source(%arg12 : memref<80x128xf32, #tpu.memory_space<vmem>>) target(%dma_start3A_166 : memref<80x128xf32, #tpu.memory_space<vmem_shared>>) target_semaphore(%run_scoped3A_162 : memref<!tpu.dma_semaphore, #tpu.memory_space<semaphore_mem>>)
        %dma_wait3A_167 = arith.constant 0 : i32
        %dma_wait3A_168 = tpu.memref_slice %arg15[%min3A_160, %dma_wait3A_167] : memref<10000x128xf32, #tpu.memory_space<vmem_shared>> -> memref<80x128xf32, #tpu.memory_space<vmem_shared>>
        %dma_wait3A_169 = arith.constant 0 : i32
        %dma_wait3A_170 = tpu.memref_slice %arg15[%min3A_160, %dma_wait3A_169] : memref<10000x128xf32, #tpu.memory_space<vmem_shared>> -> memref<80x128xf32, #tpu.memory_space<vmem_shared>>
        tpu.wait_dma2 semaphore(%run_scoped3A_162 : memref<!tpu.dma_semaphore, #tpu.memory_space<semaphore_mem>>) src(%arg12 : memref<80x128xf32, #tpu.memory_space<vmem>>) dst(%dma_wait3A_170 : memref<80x128xf32, #tpu.memory_space<vmem_shared>>)
        tpu.yield
      }) : () -> ()
      %while3A_161 = arith.constant 0 : i32
      scf.yield %while3A_161 : i32
    }
    %barrier3A = arith.constant 0 : index
    tpu.barrier barrier_id(%barrier3A)
    %dma_start3A = arith.constant 0 : i32
    %dma_start3A_37 = arith.constant 0 : i32
    %dma_start3A_38 = tpu.memref_slice %arg3[%add3A, %dma_start3A, %dma_start3A_37] : memref<32x125x80xi32, #tpu.memory_space<hbm>> -> memref<1x1x80xi32, #tpu.memory_space<hbm>>
    %dma_start3A_39 = tpu.memref_squeeze %dma_start3A_38 : memref<1x1x80xi32, #tpu.memory_space<hbm>> -> memref<80xi32, #tpu.memory_space<hbm>>
    %dma_start3A_40 = arith.constant 0 : i32
    %dma_start3A_41 = tpu.memref_slice %arg3[%add3A, %dma_start3A, %dma_start3A_40] : memref<32x125x80xi32, #tpu.memory_space<hbm>> -> memref<1x1x80xi32, #tpu.memory_space<hbm>>
    %dma_start3A_42 = tpu.memref_squeeze %dma_start3A_41 : memref<1x1x80xi32, #tpu.memory_space<hbm>> -> memref<80xi32, #tpu.memory_space<hbm>>
    tpu.enqueue_dma source(%dma_start3A_42 : memref<80xi32, #tpu.memory_space<hbm>>) target(%arg6 : memref<80xi32, #tpu.memory_space<vmem>>) target_semaphore(%arg16 : memref<!tpu.dma_semaphore, #tpu.memory_space<semaphore_mem>>)
    %dma_start3A_43 = arith.constant 0 : i32
    %dma_start3A_44 = arith.constant 0 : i32
    %dma_start3A_45 = tpu.memref_slice %arg4[%add3A, %dma_start3A_43, %dma_start3A_44] : memref<32x125x80xi32, #tpu.memory_space<hbm>> -> memref<1x1x80xi32, #tpu.memory_space<hbm>>
    %dma_start3A_46 = tpu.memref_squeeze %dma_start3A_45 : memref<1x1x80xi32, #tpu.memory_space<hbm>> -> memref<80xi32, #tpu.memory_space<hbm>>
    %dma_start3A_47 = arith.constant 0 : i32
    %dma_start3A_48 = tpu.memref_slice %arg4[%add3A, %dma_start3A_43, %dma_start3A_47] : memref<32x125x80xi32, #tpu.memory_space<hbm>> -> memref<1x1x80xi32, #tpu.memory_space<hbm>>
    %dma_start3A_49 = tpu.memref_squeeze %dma_start3A_48 : memref<1x1x80xi32, #tpu.memory_space<hbm>> -> memref<80xi32, #tpu.memory_space<hbm>>
    tpu.enqueue_dma source(%dma_start3A_49 : memref<80xi32, #tpu.memory_space<hbm>>) target(%arg9 : memref<80xi32, #tpu.memory_space<vmem>>) target_semaphore(%arg19 : memref<!tpu.dma_semaphore, #tpu.memory_space<semaphore_mem>>)
    %dma_start3A_50 = arith.constant 1 : i32
    %dma_start3A_51 = arith.constant 0 : i32
    %dma_start3A_52 = tpu.memref_slice %arg3[%add3A, %dma_start3A_50, %dma_start3A_51] : memref<32x125x80xi32, #tpu.memory_space<hbm>> -> memref<1x1x80xi32, #tpu.memory_space<hbm>>
    %dma_start3A_53 = tpu.memref_squeeze %dma_start3A_52 : memref<1x1x80xi32, #tpu.memory_space<hbm>> -> memref<80xi32, #tpu.memory_space<hbm>>
    %dma_start3A_54 = arith.constant 0 : i32
    %dma_start3A_55 = tpu.memref_slice %arg3[%add3A, %dma_start3A_50, %dma_start3A_54] : memref<32x125x80xi32, #tpu.memory_space<hbm>> -> memref<1x1x80xi32, #tpu.memory_space<hbm>>
    %dma_start3A_56 = tpu.memref_squeeze %dma_start3A_55 : memref<1x1x80xi32, #tpu.memory_space<hbm>> -> memref<80xi32, #tpu.memory_space<hbm>>
    tpu.enqueue_dma source(%dma_start3A_56 : memref<80xi32, #tpu.memory_space<hbm>>) target(%arg7 : memref<80xi32, #tpu.memory_space<vmem>>) target_semaphore(%arg17 : memref<!tpu.dma_semaphore, #tpu.memory_space<semaphore_mem>>)
    %dma_start3A_57 = arith.constant 1 : i32
    %dma_start3A_58 = arith.constant 0 : i32
    %dma_start3A_59 = tpu.memref_slice %arg4[%add3A, %dma_start3A_57, %dma_start3A_58] : memref<32x125x80xi32, #tpu.memory_space<hbm>> -> memref<1x1x80xi32, #tpu.memory_space<hbm>>
    %dma_start3A_60 = tpu.memref_squeeze %dma_start3A_59 : memref<1x1x80xi32, #tpu.memory_space<hbm>> -> memref<80xi32, #tpu.memory_space<hbm>>
    %dma_start3A_61 = arith.constant 0 : i32
    %dma_start3A_62 = tpu.memref_slice %arg4[%add3A, %dma_start3A_57, %dma_start3A_61] : memref<32x125x80xi32, #tpu.memory_space<hbm>> -> memref<1x1x80xi32, #tpu.memory_space<hbm>>
    %dma_start3A_63 = tpu.memref_squeeze %dma_start3A_62 : memref<1x1x80xi32, #tpu.memory_space<hbm>> -> memref<80xi32, #tpu.memory_space<hbm>>
    tpu.enqueue_dma source(%dma_start3A_63 : memref<80xi32, #tpu.memory_space<hbm>>) target(%arg10 : memref<80xi32, #tpu.memory_space<vmem>>) target_semaphore(%arg20 : memref<!tpu.dma_semaphore, #tpu.memory_space<semaphore_mem>>)
    %dma_start3A_64 = arith.constant 2 : i32
    %dma_start3A_65 = arith.constant 0 : i32
    %dma_start3A_66 = tpu.memref_slice %arg3[%add3A, %dma_start3A_64, %dma_start3A_65] : memref<32x125x80xi32, #tpu.memory_space<hbm>> -> memref<1x1x80xi32, #tpu.memory_space<hbm>>
    %dma_start3A_67 = tpu.memref_squeeze %dma_start3A_66 : memref<1x1x80xi32, #tpu.memory_space<hbm>> -> memref<80xi32, #tpu.memory_space<hbm>>
    %dma_start3A_68 = arith.constant 0 : i32
    %dma_start3A_69 = tpu.memref_slice %arg3[%add3A, %dma_start3A_64, %dma_start3A_68] : memref<32x125x80xi32, #tpu.memory_space<hbm>> -> memref<1x1x80xi32, #tpu.memory_space<hbm>>
    %dma_start3A_70 = tpu.memref_squeeze %dma_start3A_69 : memref<1x1x80xi32, #tpu.memory_space<hbm>> -> memref<80xi32, #tpu.memory_space<hbm>>
    tpu.enqueue_dma source(%dma_start3A_70 : memref<80xi32, #tpu.memory_space<hbm>>) target(%arg8 : memref<80xi32, #tpu.memory_space<vmem>>) target_semaphore(%arg18 : memref<!tpu.dma_semaphore, #tpu.memory_space<semaphore_mem>>)
    %dma_wait3A = arith.constant 0 : i32
    %dma_wait3A_71 = arith.constant 0 : i32
    %dma_wait3A_72 = tpu.memref_slice %arg3[%add3A, %dma_wait3A, %dma_wait3A_71] : memref<32x125x80xi32, #tpu.memory_space<hbm>> -> memref<1x1x80xi32, #tpu.memory_space<hbm>>
    %dma_wait3A_73 = tpu.memref_squeeze %dma_wait3A_72 : memref<1x1x80xi32, #tpu.memory_space<hbm>> -> memref<80xi32, #tpu.memory_space<hbm>>
    %dma_wait3A_74 = arith.constant 0 : i32
    %dma_wait3A_75 = tpu.memref_slice %arg3[%add3A, %dma_wait3A, %dma_wait3A_74] : memref<32x125x80xi32, #tpu.memory_space<hbm>> -> memref<1x1x80xi32, #tpu.memory_space<hbm>>
    %dma_wait3A_76 = tpu.memref_squeeze %dma_wait3A_75 : memref<1x1x80xi32, #tpu.memory_space<hbm>> -> memref<80xi32, #tpu.memory_space<hbm>>
    tpu.wait_dma2 semaphore(%arg16 : memref<!tpu.dma_semaphore, #tpu.memory_space<semaphore_mem>>) src(%dma_wait3A_76 : memref<80xi32, #tpu.memory_space<hbm>>) dst(%arg6 : memref<80xi32, #tpu.memory_space<vmem>>)
    %dma_start3A_77 = arith.constant 0 : i32
    %dma_start3A_78 = arith.constant 0 : i32
    %dma_start3A_79 = tpu.memref_slice %arg2[%dma_start3A_77, %dma_start3A_78] : memref<10000x128xf32, #tpu.memory_space<hbm>> -> memref<10000x128xf32, #tpu.memory_space<hbm>>
    tpu.enqueue_indirect_dma source(%dma_start3A_79 : memref<10000x128xf32, #tpu.memory_space<hbm>>) target(%arg12 : memref<80x128xf32, #tpu.memory_space<vmem>>) offsets(%arg6 : memref<80xi32, #tpu.memory_space<vmem>>) semaphore(%arg22 : memref<!tpu.dma_semaphore, #tpu.memory_space<semaphore_mem>>)
    %dma_wait3A_80 = arith.constant 0 : i32
    %dma_wait3A_81 = arith.constant 0 : i32
    %dma_wait3A_82 = tpu.memref_slice %arg3[%add3A, %dma_wait3A_80, %dma_wait3A_81] : memref<32x125x80xi32, #tpu.memory_space<hbm>> -> memref<1x1x80xi32, #tpu.memory_space<hbm>>
    %dma_wait3A_83 = tpu.memref_squeeze %dma_wait3A_82 : memref<1x1x80xi32, #tpu.memory_space<hbm>> -> memref<80xi32, #tpu.memory_space<hbm>>
    %dma_wait3A_84 = arith.constant 0 : i32
    %dma_wait3A_85 = tpu.memref_slice %arg3[%add3A, %dma_wait3A_80, %dma_wait3A_84] : memref<32x125x80xi32, #tpu.memory_space<hbm>> -> memref<1x1x80xi32, #tpu.memory_space<hbm>>
    %dma_wait3A_86 = tpu.memref_squeeze %dma_wait3A_85 : memref<1x1x80xi32, #tpu.memory_space<hbm>> -> memref<80xi32, #tpu.memory_space<hbm>>
    tpu.wait_dma2 semaphore(%arg17 : memref<!tpu.dma_semaphore, #tpu.memory_space<semaphore_mem>>) src(%dma_wait3A_86 : memref<80xi32, #tpu.memory_space<hbm>>) dst(%arg7 : memref<80xi32, #tpu.memory_space<vmem>>)
    %dma_start3A_87 = arith.constant 0 : i32
    %dma_start3A_88 = arith.constant 0 : i32
    %dma_start3A_89 = tpu.memref_slice %arg2[%dma_start3A_87, %dma_start3A_88] : memref<10000x128xf32, #tpu.memory_space<hbm>> -> memref<10000x128xf32, #tpu.memory_space<hbm>>
    tpu.enqueue_indirect_dma source(%dma_start3A_89 : memref<10000x128xf32, #tpu.memory_space<hbm>>) target(%arg13 : memref<80x128xf32, #tpu.memory_space<vmem>>) offsets(%arg7 : memref<80xi32, #tpu.memory_space<vmem>>) semaphore(%arg23 : memref<!tpu.dma_semaphore, #tpu.memory_space<semaphore_mem>>)
    %dma_start3A_90 = arith.constant 0 : i32
    %dma_start3A_91 = arith.constant 0 : i32
    %dma_start3A_92 = tpu.memref_slice %arg15[%dma_start3A_90, %dma_start3A_91] : memref<10000x128xf32, #tpu.memory_space<vmem_shared>> -> memref<10000x128xf32, #tpu.memory_space<vmem_shared>>
    tpu.enqueue_indirect_dma source(%arg14 : memref<80x128xf32, #tpu.memory_space<vmem>>) target(%dma_start3A_92 : memref<10000x128xf32, #tpu.memory_space<vmem_shared>>) offsets(%arg11 : memref<80xi32, #tpu.memory_space<vmem>>) semaphore(%arg27 : memref<!tpu.dma_semaphore, #tpu.memory_space<semaphore_mem>>) {add = true}
    %scan3A_93 = arith.constant 0 : i32
    %scan3A_94 = arith.constant 0 : i32
    %scan3A_95 = arith.constant 41 : i32
    %scan3A_96 = arith.addi %scan3A_94, %scan3A_95 : i32
    %scan3A_97 = arith.constant 1 : i32
    %scan3A_98 = scf.for %scan3A_155 = %scan3A_94 to %scan3A_96 step %scan3A_97 iter_args(%scan3A_156 = %scan3A_93) -> (i32)  : i32 {
      %mul3A_157 = arith.constant 3 : i32
      %mul3A_158 = arith.muli %mul3A_157, %scan3A_155 : i32
      %add3A_159 = arith.constant 0 : i32
      %add3A_160 = arith.addi %mul3A_158, %add3A_159 : i32
      %dma_wait3A_161 = arith.constant 0 : i32
      %dma_wait3A_162 = arith.constant 0 : i32
      %dma_wait3A_163 = tpu.memref_slice %arg2[%dma_wait3A_161, %dma_wait3A_162] : memref<10000x128xf32, #tpu.memory_space<hbm>> -> memref<10000x128xf32, #tpu.memory_space<hbm>>
      tpu.wait_indirect_dma semaphore(%arg22 : memref<!tpu.dma_semaphore, #tpu.memory_space<semaphore_mem>>) src(%dma_wait3A_163 : memref<10000x128xf32, #tpu.memory_space<hbm>>) dst(%arg12 : memref<80x128xf32, #tpu.memory_space<vmem>>)
      %dma_wait3A_164 = arith.constant 0 : i32
      %dma_wait3A_165 = arith.constant 0 : i32
      %dma_wait3A_166 = tpu.memref_slice %arg4[%add3A, %dma_wait3A_164, %dma_wait3A_165] : memref<32x125x80xi32, #tpu.memory_space<hbm>> -> memref<1x1x80xi32, #tpu.memory_space<hbm>>
      %dma_wait3A_167 = tpu.memref_squeeze %dma_wait3A_166 : memref<1x1x80xi32, #tpu.memory_space<hbm>> -> memref<80xi32, #tpu.memory_space<hbm>>
      %dma_wait3A_168 = arith.constant 0 : i32
      %dma_wait3A_169 = tpu.memref_slice %arg4[%add3A, %dma_wait3A_164, %dma_wait3A_168] : memref<32x125x80xi32, #tpu.memory_space<hbm>> -> memref<1x1x80xi32, #tpu.memory_space<hbm>>
      %dma_wait3A_170 = tpu.memref_squeeze %dma_wait3A_169 : memref<1x1x80xi32, #tpu.memory_space<hbm>> -> memref<80xi32, #tpu.memory_space<hbm>>
      tpu.wait_dma2 semaphore(%arg19 : memref<!tpu.dma_semaphore, #tpu.memory_space<semaphore_mem>>) src(%dma_wait3A_170 : memref<80xi32, #tpu.memory_space<hbm>>) dst(%arg9 : memref<80xi32, #tpu.memory_space<vmem>>)
      %dma_start3A_171 = arith.constant 0 : i32
      %dma_start3A_172 = arith.constant 0 : i32
      %dma_start3A_173 = tpu.memref_slice %arg15[%dma_start3A_171, %dma_start3A_172] : memref<10000x128xf32, #tpu.memory_space<vmem_shared>> -> memref<10000x128xf32, #tpu.memory_space<vmem_shared>>
      tpu.enqueue_indirect_dma source(%arg12 : memref<80x128xf32, #tpu.memory_space<vmem>>) target(%dma_start3A_173 : memref<10000x128xf32, #tpu.memory_space<vmem_shared>>) offsets(%arg9 : memref<80xi32, #tpu.memory_space<vmem>>) semaphore(%arg25 : memref<!tpu.dma_semaphore, #tpu.memory_space<semaphore_mem>>) {add = true}
      %dma_wait3A_174 = arith.constant 0 : i32
      %dma_wait3A_175 = arith.constant 0 : i32
      %dma_wait3A_176 = tpu.memref_slice %arg15[%dma_wait3A_174, %dma_wait3A_175] : memref<10000x128xf32, #tpu.memory_space<vmem_shared>> -> memref<80x128xf32, #tpu.memory_space<vmem_shared>>
      %dma_wait3A_177 = arith.constant 0 : i32
      %dma_wait3A_178 = arith.constant 0 : i32
      %dma_wait3A_179 = tpu.memref_slice %arg15[%dma_wait3A_177, %dma_wait3A_178] : memref<10000x128xf32, #tpu.memory_space<vmem_shared>> -> memref<80x128xf32, #tpu.memory_space<vmem_shared>>
      tpu.wait_dma2 semaphore(%arg27 : memref<!tpu.dma_semaphore, #tpu.memory_space<semaphore_mem>>) src(%arg14 : memref<80x128xf32, #tpu.memory_space<vmem>>) dst(%dma_wait3A_179 : memref<80x128xf32, #tpu.memory_space<vmem_shared>>)
      %add3A_180 = arith.constant 2 : i32
      %add3A_181 = arith.addi %add3A_160, %add3A_180 : i32
      %dma_start3A_182 = arith.constant 0 : i32
      %dma_start3A_183 = tpu.memref_slice %arg4[%add3A, %add3A_181, %dma_start3A_182] : memref<32x125x80xi32, #tpu.memory_space<hbm>> -> memref<1x1x80xi32, #tpu.memory_space<hbm>>
      %dma_start3A_184 = tpu.memref_squeeze %dma_start3A_183 : memref<1x1x80xi32, #tpu.memory_space<hbm>> -> memref<80xi32, #tpu.memory_space<hbm>>
      %dma_start3A_185 = arith.constant 0 : i32
      %dma_start3A_186 = tpu.memref_slice %arg4[%add3A, %add3A_181, %dma_start3A_185] : memref<32x125x80xi32, #tpu.memory_space<hbm>> -> memref<1x1x80xi32, #tpu.memory_space<hbm>>
      %dma_start3A_187 = tpu.memref_squeeze %dma_start3A_186 : memref<1x1x80xi32, #tpu.memory_space<hbm>> -> memref<80xi32, #tpu.memory_space<hbm>>
      tpu.enqueue_dma source(%dma_start3A_187 : memref<80xi32, #tpu.memory_space<hbm>>) target(%arg11 : memref<80xi32, #tpu.memory_space<vmem>>) target_semaphore(%arg21 : memref<!tpu.dma_semaphore, #tpu.memory_space<semaphore_mem>>)
      %add3A_188 = arith.constant 3 : i32
      %add3A_189 = arith.addi %add3A_160, %add3A_188 : i32
      %min3A_190 = arith.constant 124 : i32
      %min3A_191 = arith.minsi %add3A_189, %min3A_190 : i32
      %dma_start3A_192 = arith.constant 0 : i32
      %dma_start3A_193 = tpu.memref_slice %arg3[%add3A, %min3A_191, %dma_start3A_192] : memref<32x125x80xi32, #tpu.memory_space<hbm>> -> memref<1x1x80xi32, #tpu.memory_space<hbm>>
      %dma_start3A_194 = tpu.memref_squeeze %dma_start3A_193 : memref<1x1x80xi32, #tpu.memory_space<hbm>> -> memref<80xi32, #tpu.memory_space<hbm>>
      %dma_start3A_195 = arith.constant 0 : i32
      %dma_start3A_196 = tpu.memref_slice %arg3[%add3A, %min3A_191, %dma_start3A_195] : memref<32x125x80xi32, #tpu.memory_space<hbm>> -> memref<1x1x80xi32, #tpu.memory_space<hbm>>
      %dma_start3A_197 = tpu.memref_squeeze %dma_start3A_196 : memref<1x1x80xi32, #tpu.memory_space<hbm>> -> memref<80xi32, #tpu.memory_space<hbm>>
      tpu.enqueue_dma source(%dma_start3A_197 : memref<80xi32, #tpu.memory_space<hbm>>) target(%arg6 : memref<80xi32, #tpu.memory_space<vmem>>) target_semaphore(%arg16 : memref<!tpu.dma_semaphore, #tpu.memory_space<semaphore_mem>>)
      %dma_wait3A_198 = arith.constant 0 : i32
      %dma_wait3A_199 = arith.constant 0 : i32
      %dma_wait3A_200 = tpu.memref_slice %arg4[%add3A, %dma_wait3A_198, %dma_wait3A_199] : memref<32x125x80xi32, #tpu.memory_space<hbm>> -> memref<1x1x80xi32, #tpu.memory_space<hbm>>
      %dma_wait3A_201 = tpu.memref_squeeze %dma_wait3A_200 : memref<1x1x80xi32, #tpu.memory_space<hbm>> -> memref<80xi32, #tpu.memory_space<hbm>>
      %dma_wait3A_202 = arith.constant 0 : i32
      %dma_wait3A_203 = tpu.memref_slice %arg4[%add3A, %dma_wait3A_198, %dma_wait3A_202] : memref<32x125x80xi32, #tpu.memory_space<hbm>> -> memref<1x1x80xi32, #tpu.memory_space<hbm>>
      %dma_wait3A_204 = tpu.memref_squeeze %dma_wait3A_203 : memref<1x1x80xi32, #tpu.memory_space<hbm>> -> memref<80xi32, #tpu.memory_space<hbm>>
      tpu.wait_dma2 semaphore(%arg18 : memref<!tpu.dma_semaphore, #tpu.memory_space<semaphore_mem>>) src(%dma_wait3A_204 : memref<80xi32, #tpu.memory_space<hbm>>) dst(%arg8 : memref<80xi32, #tpu.memory_space<vmem>>)
      %dma_start3A_205 = arith.constant 0 : i32
      %dma_start3A_206 = arith.constant 0 : i32
      %dma_start3A_207 = tpu.memref_slice %arg2[%dma_start3A_205, %dma_start3A_206] : memref<10000x128xf32, #tpu.memory_space<hbm>> -> memref<10000x128xf32, #tpu.memory_space<hbm>>
      tpu.enqueue_indirect_dma source(%dma_start3A_207 : memref<10000x128xf32, #tpu.memory_space<hbm>>) target(%arg14 : memref<80x128xf32, #tpu.memory_space<vmem>>) offsets(%arg8 : memref<80xi32, #tpu.memory_space<vmem>>) semaphore(%arg24 : memref<!tpu.dma_semaphore, #tpu.memory_space<semaphore_mem>>)
      %mul3A_208 = arith.constant 3 : i32
      %mul3A_209 = arith.muli %mul3A_208, %scan3A_155 : i32
      %add3A_210 = arith.constant 1 : i32
      %add3A_211 = arith.addi %mul3A_209, %add3A_210 : i32
      %dma_wait3A_212 = arith.constant 0 : i32
      %dma_wait3A_213 = arith.constant 0 : i32
      %dma_wait3A_214 = tpu.memref_slice %arg2[%dma_wait3A_212, %dma_wait3A_213] : memref<10000x128xf32, #tpu.memory_space<hbm>> -> memref<10000x128xf32, #tpu.memory_space<hbm>>
      tpu.wait_indirect_dma semaphore(%arg23 : memref<!tpu.dma_semaphore, #tpu.memory_space<semaphore_mem>>) src(%dma_wait3A_214 : memref<10000x128xf32, #tpu.memory_space<hbm>>) dst(%arg13 : memref<80x128xf32, #tpu.memory_space<vmem>>)
      %dma_wait3A_215 = arith.constant 0 : i32
      %dma_wait3A_216 = arith.constant 0 : i32
      %dma_wait3A_217 = tpu.memref_slice %arg4[%add3A, %dma_wait3A_215, %dma_wait3A_216] : memref<32x125x80xi32, #tpu.memory_space<hbm>> -> memref<1x1x80xi32, #tpu.memory_space<hbm>>
      %dma_wait3A_218 = tpu.memref_squeeze %dma_wait3A_217 : memref<1x1x80xi32, #tpu.memory_space<hbm>> -> memref<80xi32, #tpu.memory_space<hbm>>
      %dma_wait3A_219 = arith.constant 0 : i32
      %dma_wait3A_220 = tpu.memref_slice %arg4[%add3A, %dma_wait3A_215, %dma_wait3A_219] : memref<32x125x80xi32, #tpu.memory_space<hbm>> -> memref<1x1x80xi32, #tpu.memory_space<hbm>>
      %dma_wait3A_221 = tpu.memref_squeeze %dma_wait3A_220 : memref<1x1x80xi32, #tpu.memory_space<hbm>> -> memref<80xi32, #tpu.memory_space<hbm>>
      tpu.wait_dma2 semaphore(%arg20 : memref<!tpu.dma_semaphore, #tpu.memory_space<semaphore_mem>>) src(%dma_wait3A_221 : memref<80xi32, #tpu.memory_space<hbm>>) dst(%arg10 : memref<80xi32, #tpu.memory_space<vmem>>)
      %dma_start3A_222 = arith.constant 0 : i32
      %dma_start3A_223 = arith.constant 0 : i32
      %dma_start3A_224 = tpu.memref_slice %arg15[%dma_start3A_222, %dma_start3A_223] : memref<10000x128xf32, #tpu.memory_space<vmem_shared>> -> memref<10000x128xf32, #tpu.memory_space<vmem_shared>>
      tpu.enqueue_indirect_dma source(%arg13 : memref<80x128xf32, #tpu.memory_space<vmem>>) target(%dma_start3A_224 : memref<10000x128xf32, #tpu.memory_space<vmem_shared>>) offsets(%arg10 : memref<80xi32, #tpu.memory_space<vmem>>) semaphore(%arg26 : memref<!tpu.dma_semaphore, #tpu.memory_space<semaphore_mem>>) {add = true}
      %dma_wait3A_225 = arith.constant 0 : i32
      %dma_wait3A_226 = arith.constant 0 : i32
      %dma_wait3A_227 = tpu.memref_slice %arg15[%dma_wait3A_225, %dma_wait3A_226] : memref<10000x128xf32, #tpu.memory_space<vmem_shared>> -> memref<80x128xf32, #tpu.memory_space<vmem_shared>>
      %dma_wait3A_228 = arith.constant 0 : i32
      %dma_wait3A_229 = arith.constant 0 : i32
      %dma_wait3A_230 = tpu.memref_slice %arg15[%dma_wait3A_228, %dma_wait3A_229] : memref<10000x128xf32, #tpu.memory_space<vmem_shared>> -> memref<80x128xf32, #tpu.memory_space<vmem_shared>>
      tpu.wait_dma2 semaphore(%arg25 : memref<!tpu.dma_semaphore, #tpu.memory_space<semaphore_mem>>) src(%arg12 : memref<80x128xf32, #tpu.memory_space<vmem>>) dst(%dma_wait3A_230 : memref<80x128xf32, #tpu.memory_space<vmem_shared>>)
      %add3A_231 = arith.constant 2 : i32
      %add3A_232 = arith.addi %add3A_211, %add3A_231 : i32
      %dma_start3A_233 = arith.constant 0 : i32
      %dma_start3A_234 = tpu.memref_slice %arg4[%add3A, %add3A_232, %dma_start3A_233] : memref<32x125x80xi32, #tpu.memory_space<hbm>> -> memref<1x1x80xi32, #tpu.memory_space<hbm>>
      %dma_start3A_235 = tpu.memref_squeeze %dma_start3A_234 : memref<1x1x80xi32, #tpu.memory_space<hbm>> -> memref<80xi32, #tpu.memory_space<hbm>>
      %dma_start3A_236 = arith.constant 0 : i32
      %dma_start3A_237 = tpu.memref_slice %arg4[%add3A, %add3A_232, %dma_start3A_236] : memref<32x125x80xi32, #tpu.memory_space<hbm>> -> memref<1x1x80xi32, #tpu.memory_space<hbm>>
      %dma_start3A_238 = tpu.memref_squeeze %dma_start3A_237 : memref<1x1x80xi32, #tpu.memory_space<hbm>> -> memref<80xi32, #tpu.memory_space<hbm>>
      tpu.enqueue_dma source(%dma_start3A_238 : memref<80xi32, #tpu.memory_space<hbm>>) target(%arg9 : memref<80xi32, #tpu.memory_space<vmem>>) target_semaphore(%arg19 : memref<!tpu.dma_semaphore, #tpu.memory_space<semaphore_mem>>)
      %add3A_239 = arith.constant 3 : i32
      %add3A_240 = arith.addi %add3A_211, %add3A_239 : i32
      %min3A_241 = arith.constant 124 : i32
      %min3A_242 = arith.minsi %add3A_240, %min3A_241 : i32
      %dma_start3A_243 = arith.constant 0 : i32
      %dma_start3A_244 = tpu.memref_slice %arg3[%add3A, %min3A_242, %dma_start3A_243] : memref<32x125x80xi32, #tpu.memory_space<hbm>> -> memref<1x1x80xi32, #tpu.memory_space<hbm>>
      %dma_start3A_245 = tpu.memref_squeeze %dma_start3A_244 : memref<1x1x80xi32, #tpu.memory_space<hbm>> -> memref<80xi32, #tpu.memory_space<hbm>>
      %dma_start3A_246 = arith.constant 0 : i32
      %dma_start3A_247 = tpu.memref_slice %arg3[%add3A, %min3A_242, %dma_start3A_246] : memref<32x125x80xi32, #tpu.memory_space<hbm>> -> memref<1x1x80xi32, #tpu.memory_space<hbm>>
      %dma_start3A_248 = tpu.memref_squeeze %dma_start3A_247 : memref<1x1x80xi32, #tpu.memory_space<hbm>> -> memref<80xi32, #tpu.memory_space<hbm>>
      tpu.enqueue_dma source(%dma_start3A_248 : memref<80xi32, #tpu.memory_space<hbm>>) target(%arg7 : memref<80xi32, #tpu.memory_space<vmem>>) target_semaphore(%arg17 : memref<!tpu.dma_semaphore, #tpu.memory_space<semaphore_mem>>)
      %dma_wait3A_249 = arith.constant 0 : i32
      %dma_wait3A_250 = arith.constant 0 : i32
      %dma_wait3A_251 = tpu.memref_slice %arg4[%add3A, %dma_wait3A_249, %dma_wait3A_250] : memref<32x125x80xi32, #tpu.memory_space<hbm>> -> memref<1x1x80xi32, #tpu.memory_space<hbm>>
      %dma_wait3A_252 = tpu.memref_squeeze %dma_wait3A_251 : memref<1x1x80xi32, #tpu.memory_space<hbm>> -> memref<80xi32, #tpu.memory_space<hbm>>
      %dma_wait3A_253 = arith.constant 0 : i32
      %dma_wait3A_254 = tpu.memref_slice %arg4[%add3A, %dma_wait3A_249, %dma_wait3A_253] : memref<32x125x80xi32, #tpu.memory_space<hbm>> -> memref<1x1x80xi32, #tpu.memory_space<hbm>>
      %dma_wait3A_255 = tpu.memref_squeeze %dma_wait3A_254 : memref<1x1x80xi32, #tpu.memory_space<hbm>> -> memref<80xi32, #tpu.memory_space<hbm>>
      tpu.wait_dma2 semaphore(%arg16 : memref<!tpu.dma_semaphore, #tpu.memory_space<semaphore_mem>>) src(%dma_wait3A_255 : memref<80xi32, #tpu.memory_space<hbm>>) dst(%arg6 : memref<80xi32, #tpu.memory_space<vmem>>)
      %dma_start3A_256 = arith.constant 0 : i32
      %dma_start3A_257 = arith.constant 0 : i32
      %dma_start3A_258 = tpu.memref_slice %arg2[%dma_start3A_256, %dma_start3A_257] : memref<10000x128xf32, #tpu.memory_space<hbm>> -> memref<10000x128xf32, #tpu.memory_space<hbm>>
      tpu.enqueue_indirect_dma source(%dma_start3A_258 : memref<10000x128xf32, #tpu.memory_space<hbm>>) target(%arg12 : memref<80x128xf32, #tpu.memory_space<vmem>>) offsets(%arg6 : memref<80xi32, #tpu.memory_space<vmem>>) semaphore(%arg22 : memref<!tpu.dma_semaphore, #tpu.memory_space<semaphore_mem>>)
      %mul3A_259 = arith.constant 3 : i32
      %mul3A_260 = arith.muli %mul3A_259, %scan3A_155 : i32
      %add3A_261 = arith.constant 2 : i32
      %add3A_262 = arith.addi %mul3A_260, %add3A_261 : i32
      %dma_wait3A_263 = arith.constant 0 : i32
      %dma_wait3A_264 = arith.constant 0 : i32
      %dma_wait3A_265 = tpu.memref_slice %arg2[%dma_wait3A_263, %dma_wait3A_264] : memref<10000x128xf32, #tpu.memory_space<hbm>> -> memref<10000x128xf32, #tpu.memory_space<hbm>>
      tpu.wait_indirect_dma semaphore(%arg24 : memref<!tpu.dma_semaphore, #tpu.memory_space<semaphore_mem>>) src(%dma_wait3A_265 : memref<10000x128xf32, #tpu.memory_space<hbm>>) dst(%arg14 : memref<80x128xf32, #tpu.memory_space<vmem>>)
      %dma_wait3A_266 = arith.constant 0 : i32
      %dma_wait3A_267 = arith.constant 0 : i32
      %dma_wait3A_268 = tpu.memref_slice %arg4[%add3A, %dma_wait3A_266, %dma_wait3A_267] : memref<32x125x80xi32, #tpu.memory_space<hbm>> -> memref<1x1x80xi32, #tpu.memory_space<hbm>>
      %dma_wait3A_269 = tpu.memref_squeeze %dma_wait3A_268 : memref<1x1x80xi32, #tpu.memory_space<hbm>> -> memref<80xi32, #tpu.memory_space<hbm>>
      %dma_wait3A_270 = arith.constant 0 : i32
      %dma_wait3A_271 = tpu.memref_slice %arg4[%add3A, %dma_wait3A_266, %dma_wait3A_270] : memref<32x125x80xi32, #tpu.memory_space<hbm>> -> memref<1x1x80xi32, #tpu.memory_space<hbm>>
      %dma_wait3A_272 = tpu.memref_squeeze %dma_wait3A_271 : memref<1x1x80xi32, #tpu.memory_space<hbm>> -> memref<80xi32, #tpu.memory_space<hbm>>
      tpu.wait_dma2 semaphore(%arg21 : memref<!tpu.dma_semaphore, #tpu.memory_space<semaphore_mem>>) src(%dma_wait3A_272 : memref<80xi32, #tpu.memory_space<hbm>>) dst(%arg11 : memref<80xi32, #tpu.memory_space<vmem>>)
      %dma_start3A_273 = arith.constant 0 : i32
      %dma_start3A_274 = arith.constant 0 : i32
      %dma_start3A_275 = tpu.memref_slice %arg15[%dma_start3A_273, %dma_start3A_274] : memref<10000x128xf32, #tpu.memory_space<vmem_shared>> -> memref<10000x128xf32, #tpu.memory_space<vmem_shared>>
      tpu.enqueue_indirect_dma source(%arg14 : memref<80x128xf32, #tpu.memory_space<vmem>>) target(%dma_start3A_275 : memref<10000x128xf32, #tpu.memory_space<vmem_shared>>) offsets(%arg11 : memref<80xi32, #tpu.memory_space<vmem>>) semaphore(%arg27 : memref<!tpu.dma_semaphore, #tpu.memory_space<semaphore_mem>>) {add = true}
      %dma_wait3A_276 = arith.constant 0 : i32
      %dma_wait3A_277 = arith.constant 0 : i32
      %dma_wait3A_278 = tpu.memref_slice %arg15[%dma_wait3A_276, %dma_wait3A_277] : memref<10000x128xf32, #tpu.memory_space<vmem_shared>> -> memref<80x128xf32, #tpu.memory_space<vmem_shared>>
      %dma_wait3A_279 = arith.constant 0 : i32
      %dma_wait3A_280 = arith.constant 0 : i32
      %dma_wait3A_281 = tpu.memref_slice %arg15[%dma_wait3A_279, %dma_wait3A_280] : memref<10000x128xf32, #tpu.memory_space<vmem_shared>> -> memref<80x128xf32, #tpu.memory_space<vmem_shared>>
      tpu.wait_dma2 semaphore(%arg26 : memref<!tpu.dma_semaphore, #tpu.memory_space<semaphore_mem>>) src(%arg13 : memref<80x128xf32, #tpu.memory_space<vmem>>) dst(%dma_wait3A_281 : memref<80x128xf32, #tpu.memory_space<vmem_shared>>)
      %add3A_282 = arith.constant 2 : i32
      %add3A_283 = arith.addi %add3A_262, %add3A_282 : i32
      %dma_start3A_284 = arith.constant 0 : i32
      %dma_start3A_285 = tpu.memref_slice %arg4[%add3A, %add3A_283, %dma_start3A_284] : memref<32x125x80xi32, #tpu.memory_space<hbm>> -> memref<1x1x80xi32, #tpu.memory_space<hbm>>
      %dma_start3A_286 = tpu.memref_squeeze %dma_start3A_285 : memref<1x1x80xi32, #tpu.memory_space<hbm>> -> memref<80xi32, #tpu.memory_space<hbm>>
      %dma_start3A_287 = arith.constant 0 : i32
      %dma_start3A_288 = tpu.memref_slice %arg4[%add3A, %add3A_283, %dma_start3A_287] : memref<32x125x80xi32, #tpu.memory_space<hbm>> -> memref<1x1x80xi32, #tpu.memory_space<hbm>>
      %dma_start3A_289 = tpu.memref_squeeze %dma_start3A_288 : memref<1x1x80xi32, #tpu.memory_space<hbm>> -> memref<80xi32, #tpu.memory_space<hbm>>
      tpu.enqueue_dma source(%dma_start3A_289 : memref<80xi32, #tpu.memory_space<hbm>>) target(%arg10 : memref<80xi32, #tpu.memory_space<vmem>>) target_semaphore(%arg20 : memref<!tpu.dma_semaphore, #tpu.memory_space<semaphore_mem>>)
      %add3A_290 = arith.constant 3 : i32
      %add3A_291 = arith.addi %add3A_262, %add3A_290 : i32
      %min3A_292 = arith.constant 124 : i32
      %min3A_293 = arith.minsi %add3A_291, %min3A_292 : i32
      %dma_start3A_294 = arith.constant 0 : i32
      %dma_start3A_295 = tpu.memref_slice %arg3[%add3A, %min3A_293, %dma_start3A_294] : memref<32x125x80xi32, #tpu.memory_space<hbm>> -> memref<1x1x80xi32, #tpu.memory_space<hbm>>
      %dma_start3A_296 = tpu.memref_squeeze %dma_start3A_295 : memref<1x1x80xi32, #tpu.memory_space<hbm>> -> memref<80xi32, #tpu.memory_space<hbm>>
      %dma_start3A_297 = arith.constant 0 : i32
      %dma_start3A_298 = tpu.memref_slice %arg3[%add3A, %min3A_293, %dma_start3A_297] : memref<32x125x80xi32, #tpu.memory_space<hbm>> -> memref<1x1x80xi32, #tpu.memory_space<hbm>>
      %dma_start3A_299 = tpu.memref_squeeze %dma_start3A_298 : memref<1x1x80xi32, #tpu.memory_space<hbm>> -> memref<80xi32, #tpu.memory_space<hbm>>
      tpu.enqueue_dma source(%dma_start3A_299 : memref<80xi32, #tpu.memory_space<hbm>>) target(%arg8 : memref<80xi32, #tpu.memory_space<vmem>>) target_semaphore(%arg18 : memref<!tpu.dma_semaphore, #tpu.memory_space<semaphore_mem>>)
      %dma_wait3A_300 = arith.constant 0 : i32
      %dma_wait3A_301 = arith.constant 0 : i32
      %dma_wait3A_302 = tpu.memref_slice %arg4[%add3A, %dma_wait3A_300, %dma_wait3A_301] : memref<32x125x80xi32, #tpu.memory_space<hbm>> -> memref<1x1x80xi32, #tpu.memory_space<hbm>>
      %dma_wait3A_303 = tpu.memref_squeeze %dma_wait3A_302 : memref<1x1x80xi32, #tpu.memory_space<hbm>> -> memref<80xi32, #tpu.memory_space<hbm>>
      %dma_wait3A_304 = arith.constant 0 : i32
      %dma_wait3A_305 = tpu.memref_slice %arg4[%add3A, %dma_wait3A_300, %dma_wait3A_304] : memref<32x125x80xi32, #tpu.memory_space<hbm>> -> memref<1x1x80xi32, #tpu.memory_space<hbm>>
      %dma_wait3A_306 = tpu.memref_squeeze %dma_wait3A_305 : memref<1x1x80xi32, #tpu.memory_space<hbm>> -> memref<80xi32, #tpu.memory_space<hbm>>
      tpu.wait_dma2 semaphore(%arg17 : memref<!tpu.dma_semaphore, #tpu.memory_space<semaphore_mem>>) src(%dma_wait3A_306 : memref<80xi32, #tpu.memory_space<hbm>>) dst(%arg7 : memref<80xi32, #tpu.memory_space<vmem>>)
      %dma_start3A_307 = arith.constant 0 : i32
      %dma_start3A_308 = arith.constant 0 : i32
      %dma_start3A_309 = tpu.memref_slice %arg2[%dma_start3A_307, %dma_start3A_308] : memref<10000x128xf32, #tpu.memory_space<hbm>> -> memref<10000x128xf32, #tpu.memory_space<hbm>>
      tpu.enqueue_indirect_dma source(%dma_start3A_309 : memref<10000x128xf32, #tpu.memory_space<hbm>>) target(%arg13 : memref<80x128xf32, #tpu.memory_space<vmem>>) offsets(%arg7 : memref<80xi32, #tpu.memory_space<vmem>>) semaphore(%arg23 : memref<!tpu.dma_semaphore, #tpu.memory_space<semaphore_mem>>)
      %scan3A_310 = arith.constant 0 : i32
      scf.yield %scan3A_310 : i32
    }
    %scan3A_99 = arith.constant 41 : i32
    %dma_wait3A_100 = arith.constant 0 : i32
    %dma_wait3A_101 = arith.constant 0 : i32
    %dma_wait3A_102 = tpu.memref_slice %arg2[%dma_wait3A_100, %dma_wait3A_101] : memref<10000x128xf32, #tpu.memory_space<hbm>> -> memref<10000x128xf32, #tpu.memory_space<hbm>>
    tpu.wait_indirect_dma semaphore(%arg22 : memref<!tpu.dma_semaphore, #tpu.memory_space<semaphore_mem>>) src(%dma_wait3A_102 : memref<10000x128xf32, #tpu.memory_space<hbm>>) dst(%arg12 : memref<80x128xf32, #tpu.memory_space<vmem>>)
    %dma_wait3A_103 = arith.constant 0 : i32
    %dma_wait3A_104 = arith.constant 0 : i32
    %dma_wait3A_105 = tpu.memref_slice %arg4[%add3A, %dma_wait3A_103, %dma_wait3A_104] : memref<32x125x80xi32, #tpu.memory_space<hbm>> -> memref<1x1x80xi32, #tpu.memory_space<hbm>>
    %dma_wait3A_106 = tpu.memref_squeeze %dma_wait3A_105 : memref<1x1x80xi32, #tpu.memory_space<hbm>> -> memref<80xi32, #tpu.memory_space<hbm>>
    %dma_wait3A_107 = arith.constant 0 : i32
    %dma_wait3A_108 = tpu.memref_slice %arg4[%add3A, %dma_wait3A_103, %dma_wait3A_107] : memref<32x125x80xi32, #tpu.memory_space<hbm>> -> memref<1x1x80xi32, #tpu.memory_space<hbm>>
    %dma_wait3A_109 = tpu.memref_squeeze %dma_wait3A_108 : memref<1x1x80xi32, #tpu.memory_space<hbm>> -> memref<80xi32, #tpu.memory_space<hbm>>
    tpu.wait_dma2 semaphore(%arg19 : memref<!tpu.dma_semaphore, #tpu.memory_space<semaphore_mem>>) src(%dma_wait3A_109 : memref<80xi32, #tpu.memory_space<hbm>>) dst(%arg9 : memref<80xi32, #tpu.memory_space<vmem>>)
    %dma_start3A_110 = arith.constant 0 : i32
    %dma_start3A_111 = arith.constant 0 : i32
    %dma_start3A_112 = tpu.memref_slice %arg15[%dma_start3A_110, %dma_start3A_111] : memref<10000x128xf32, #tpu.memory_space<vmem_shared>> -> memref<10000x128xf32, #tpu.memory_space<vmem_shared>>
    tpu.enqueue_indirect_dma source(%arg12 : memref<80x128xf32, #tpu.memory_space<vmem>>) target(%dma_start3A_112 : memref<10000x128xf32, #tpu.memory_space<vmem_shared>>) offsets(%arg9 : memref<80xi32, #tpu.memory_space<vmem>>) semaphore(%arg25 : memref<!tpu.dma_semaphore, #tpu.memory_space<semaphore_mem>>) {add = true}
    %dma_wait3A_113 = arith.constant 0 : i32
    %dma_wait3A_114 = arith.constant 0 : i32
    %dma_wait3A_115 = tpu.memref_slice %arg15[%dma_wait3A_113, %dma_wait3A_114] : memref<10000x128xf32, #tpu.memory_space<vmem_shared>> -> memref<80x128xf32, #tpu.memory_space<vmem_shared>>
    %dma_wait3A_116 = arith.constant 0 : i32
    %dma_wait3A_117 = arith.constant 0 : i32
    %dma_wait3A_118 = tpu.memref_slice %arg15[%dma_wait3A_116, %dma_wait3A_117] : memref<10000x128xf32, #tpu.memory_space<vmem_shared>> -> memref<80x128xf32, #tpu.memory_space<vmem_shared>>
    tpu.wait_dma2 semaphore(%arg27 : memref<!tpu.dma_semaphore, #tpu.memory_space<semaphore_mem>>) src(%arg14 : memref<80x128xf32, #tpu.memory_space<vmem>>) dst(%dma_wait3A_118 : memref<80x128xf32, #tpu.memory_space<vmem_shared>>)
    %dma_wait3A_119 = arith.constant 0 : i32
    %dma_wait3A_120 = arith.constant 0 : i32
    %dma_wait3A_121 = tpu.memref_slice %arg2[%dma_wait3A_119, %dma_wait3A_120] : memref<10000x128xf32, #tpu.memory_space<hbm>> -> memref<10000x128xf32, #tpu.memory_space<hbm>>
    tpu.wait_indirect_dma semaphore(%arg23 : memref<!tpu.dma_semaphore, #tpu.memory_space<semaphore_mem>>) src(%dma_wait3A_121 : memref<10000x128xf32, #tpu.memory_space<hbm>>) dst(%arg13 : memref<80x128xf32, #tpu.memory_space<vmem>>)
    %dma_wait3A_122 = arith.constant 0 : i32
    %dma_wait3A_123 = arith.constant 0 : i32
    %dma_wait3A_124 = tpu.memref_slice %arg4[%add3A, %dma_wait3A_122, %dma_wait3A_123] : memref<32x125x80xi32, #tpu.memory_space<hbm>> -> memref<1x1x80xi32, #tpu.memory_space<hbm>>
    %dma_wait3A_125 = tpu.memref_squeeze %dma_wait3A_124 : memref<1x1x80xi32, #tpu.memory_space<hbm>> -> memref<80xi32, #tpu.memory_space<hbm>>
    %dma_wait3A_126 = arith.constant 0 : i32
    %dma_wait3A_127 = tpu.memref_slice %arg4[%add3A, %dma_wait3A_122, %dma_wait3A_126] : memref<32x125x80xi32, #tpu.memory_space<hbm>> -> memref<1x1x80xi32, #tpu.memory_space<hbm>>
    %dma_wait3A_128 = tpu.memref_squeeze %dma_wait3A_127 : memref<1x1x80xi32, #tpu.memory_space<hbm>> -> memref<80xi32, #tpu.memory_space<hbm>>
    tpu.wait_dma2 semaphore(%arg20 : memref<!tpu.dma_semaphore, #tpu.memory_space<semaphore_mem>>) src(%dma_wait3A_128 : memref<80xi32, #tpu.memory_space<hbm>>) dst(%arg10 : memref<80xi32, #tpu.memory_space<vmem>>)
    %dma_start3A_129 = arith.constant 0 : i32
    %dma_start3A_130 = arith.constant 0 : i32
    %dma_start3A_131 = tpu.memref_slice %arg15[%dma_start3A_129, %dma_start3A_130] : memref<10000x128xf32, #tpu.memory_space<vmem_shared>> -> memref<10000x128xf32, #tpu.memory_space<vmem_shared>>
    tpu.enqueue_indirect_dma source(%arg13 : memref<80x128xf32, #tpu.memory_space<vmem>>) target(%dma_start3A_131 : memref<10000x128xf32, #tpu.memory_space<vmem_shared>>) offsets(%arg10 : memref<80xi32, #tpu.memory_space<vmem>>) semaphore(%arg26 : memref<!tpu.dma_semaphore, #tpu.memory_space<semaphore_mem>>) {add = true}
    %dma_wait3A_132 = arith.constant 0 : i32
    %dma_wait3A_133 = arith.constant 0 : i32
    %dma_wait3A_134 = tpu.memref_slice %arg15[%dma_wait3A_132, %dma_wait3A_133] : memref<10000x128xf32, #tpu.memory_space<vmem_shared>> -> memref<80x128xf32, #tpu.memory_space<vmem_shared>>
    %dma_wait3A_135 = arith.constant 0 : i32
    %dma_wait3A_136 = arith.constant 0 : i32
    %dma_wait3A_137 = tpu.memref_slice %arg15[%dma_wait3A_135, %dma_wait3A_136] : memref<10000x128xf32, #tpu.memory_space<vmem_shared>> -> memref<80x128xf32, #tpu.memory_space<vmem_shared>>
    tpu.wait_dma2 semaphore(%arg25 : memref<!tpu.dma_semaphore, #tpu.memory_space<semaphore_mem>>) src(%arg12 : memref<80x128xf32, #tpu.memory_space<vmem>>) dst(%dma_wait3A_137 : memref<80x128xf32, #tpu.memory_space<vmem_shared>>)
    %dma_wait3A_138 = arith.constant 0 : i32
    %dma_wait3A_139 = arith.constant 0 : i32
    %dma_wait3A_140 = tpu.memref_slice %arg15[%dma_wait3A_138, %dma_wait3A_139] : memref<10000x128xf32, #tpu.memory_space<vmem_shared>> -> memref<80x128xf32, #tpu.memory_space<vmem_shared>>
    %dma_wait3A_141 = arith.constant 0 : i32
    %dma_wait3A_142 = arith.constant 0 : i32
    %dma_wait3A_143 = tpu.memref_slice %arg15[%dma_wait3A_141, %dma_wait3A_142] : memref<10000x128xf32, #tpu.memory_space<vmem_shared>> -> memref<80x128xf32, #tpu.memory_space<vmem_shared>>
    tpu.wait_dma2 semaphore(%arg26 : memref<!tpu.dma_semaphore, #tpu.memory_space<semaphore_mem>>) src(%arg13 : memref<80x128xf32, #tpu.memory_space<vmem>>) dst(%dma_wait3A_143 : memref<80x128xf32, #tpu.memory_space<vmem_shared>>)
    %dma_wait3A_144 = arith.constant 0 : i32
    %dma_wait3A_145 = arith.constant 0 : i32
    %dma_wait3A_146 = tpu.memref_slice %arg4[%add3A, %dma_wait3A_144, %dma_wait3A_145] : memref<32x125x80xi32, #tpu.memory_space<hbm>> -> memref<1x1x80xi32, #tpu.memory_space<hbm>>
    %dma_wait3A_147 = tpu.memref_squeeze %dma_wait3A_146 : memref<1x1x80xi32, #tpu.memory_space<hbm>> -> memref<80xi32, #tpu.memory_space<hbm>>
    %dma_wait3A_148 = arith.constant 0 : i32
    %dma_wait3A_149 = tpu.memref_slice %arg4[%add3A, %dma_wait3A_144, %dma_wait3A_148] : memref<32x125x80xi32, #tpu.memory_space<hbm>> -> memref<1x1x80xi32, #tpu.memory_space<hbm>>
    %dma_wait3A_150 = tpu.memref_squeeze %dma_wait3A_149 : memref<1x1x80xi32, #tpu.memory_space<hbm>> -> memref<80xi32, #tpu.memory_space<hbm>>
    tpu.wait_dma2 semaphore(%arg18 : memref<!tpu.dma_semaphore, #tpu.memory_space<semaphore_mem>>) src(%dma_wait3A_150 : memref<80xi32, #tpu.memory_space<hbm>>) dst(%arg8 : memref<80xi32, #tpu.memory_space<vmem>>)
    %barrier3A_151 = arith.constant 0 : index
    tpu.barrier barrier_id(%barrier3A_151)
    %mul3A_152 = arith.constant 632 : i32
    %mul3A_153 = arith.muli %arg1, %mul3A_152 : i32
    %min3A = arith.constant 9368 : i32
    %min3A_154 = arith.minsi %mul3A_153, %min3A : i32
    "tpu.region"() ({
      %run_scoped3A_155 = tpu.sem_alloc : memref<!tpu.dma_semaphore, #tpu.memory_space<semaphore_mem>>
      %dma_start3A_156 = arith.constant 0 : i32
      %dma_start3A_157 = tpu.memref_slice %arg5[%arg0, %min3A_154, %dma_start3A_156] : memref<2x10000x128xf32, #tpu.memory_space<hbm>> -> memref<1x632x128xf32, #tpu.memory_space<hbm>>
      %dma_start3A_158 = tpu.memref_squeeze %dma_start3A_157 : memref<1x632x128xf32, #tpu.memory_space<hbm>> -> memref<632x128xf32, #tpu.memory_space<hbm>>
      %dma_start3A_159 = arith.constant 0 : i32
      %dma_start3A_160 = tpu.memref_slice %arg15[%min3A_154, %dma_start3A_159] : memref<10000x128xf32, #tpu.memory_space<vmem_shared>> -> memref<632x128xf32, #tpu.memory_space<vmem_shared>>
      tpu.enqueue_dma source(%dma_start3A_160 : memref<632x128xf32, #tpu.memory_space<vmem_shared>>) target(%dma_start3A_158 : memref<632x128xf32, #tpu.memory_space<hbm>>) target_semaphore(%run_scoped3A_155 : memref<!tpu.dma_semaphore, #tpu.memory_space<semaphore_mem>>)
      %dma_wait3A_161 = arith.constant 0 : i32
      %dma_wait3A_162 = tpu.memref_slice %arg5[%arg0, %min3A_154, %dma_wait3A_161] : memref<2x10000x128xf32, #tpu.memory_space<hbm>> -> memref<1x632x128xf32, #tpu.memory_space<hbm>>
      %dma_wait3A_163 = tpu.memref_squeeze %dma_wait3A_162 : memref<1x632x128xf32, #tpu.memory_space<hbm>> -> memref<632x128xf32, #tpu.memory_space<hbm>>
      %dma_wait3A_164 = arith.constant 0 : i32
      %dma_wait3A_165 = tpu.memref_slice %arg15[%min3A_154, %dma_wait3A_164] : memref<10000x128xf32, #tpu.memory_space<vmem_shared>> -> memref<632x128xf32, #tpu.memory_space<vmem_shared>>
      tpu.wait_dma2 semaphore(%run_scoped3A_155 : memref<!tpu.dma_semaphore, #tpu.memory_space<semaphore_mem>>) src(%dma_wait3A_165 : memref<632x128xf32, #tpu.memory_space<vmem_shared>>) dst(%dma_wait3A_163 : memref<632x128xf32, #tpu.memory_space<hbm>>)
      tpu.yield
    }) : () -> ()
    return
  }
}

#map = affine_map<(d0, d1) -> (0, 0, 0)>
module attributes {stable_mosaic.version = 14 : i64} {
  func.func @_cnt_body(%arg0: i32, %arg1: i32, %arg2: memref<32x125x80xi32, #tpu.memory_space<hbm>>, %arg3: memref<2x10000x128xf32, #tpu.memory_space<hbm>>, %arg4: memref<125x80xi32, #tpu.memory_space<vmem>>, %arg5: memref<80x128xf32, #tpu.memory_space<vmem>>, %arg6: memref<80x128xf32, #tpu.memory_space<vmem>>, %arg7: memref<10000x128xf32, #tpu.memory_space<vmem_shared>>, %arg8: memref<!tpu.dma_semaphore, #tpu.memory_space<semaphore_mem>>) attributes {dimension_semantics = [#tpu.dimension_semantics<core_parallel>, #tpu.dimension_semantics<subcore_parallel>], iteration_bounds = array<i64: 2, 16>, scalar_prefetch = 0 : i64, scratch_operands = 5 : i64, tpu.core_type = #tpu.core_type<sc_vector_subcore>, window_params = [{transform_indices = #map}, {transform_indices = #map}]} {
    %mul3A = arith.constant 16 : i32
    %mul3A_0 = arith.muli %arg0, %mul3A : i32
    %add3A = arith.addi %mul3A_0, %arg1 : i32
    %scan3A = arith.constant 0 : i32
    %scan3A_1 = arith.constant 0 : i32
    %scan3A_2 = arith.constant 80 : i32
    %scan3A_3 = arith.addi %scan3A_1, %scan3A_2 : i32
    %scan3A_4 = arith.constant 1 : i32
    %scan3A_5 = scf.for %scan3A_91 = %scan3A_1 to %scan3A_3 step %scan3A_4 iter_args(%scan3A_92 = %scan3A) -> (i32)  : i32 {
      %broadcast_in_dim3A = arith.constant 0.000000e+00 : f32
      %broadcast_in_dim3A_93 = vector.broadcast %broadcast_in_dim3A : f32 to vector<16xf32>
      %swap3A = arith.index_cast %scan3A_91 : i32 to index
      %swap3A_94 = arith.constant 0 : index
      %swap3A_95 = tpu.vector_load %arg6[%swap3A, %swap3A_94] {strides = array<i32>} : memref<80x128xf32, #tpu.memory_space<vmem>>, vector<1x16xf32>,
      %swap3A_96 = vector.shape_cast %swap3A_95 : vector<1x16xf32> to vector<16xf32>
      %swap3A_97 = vector.shape_cast %broadcast_in_dim3A_93 : vector<16xf32> to vector<1x16xf32>
      tpu.vector_store %arg6[%swap3A, %swap3A_94], %swap3A_97 {strides = array<i32>} : memref<80x128xf32, #tpu.memory_space<vmem>>, vector<1x16xf32>,
      %broadcast_in_dim3A_98 = arith.constant 0.000000e+00 : f32
      %broadcast_in_dim3A_99 = vector.broadcast %broadcast_in_dim3A_98 : f32 to vector<16xf32>
      %swap3A_100 = arith.index_cast %scan3A_91 : i32 to index
      %swap3A_101 = arith.constant 16 : index
      %swap3A_102 = tpu.vector_load %arg6[%swap3A_100, %swap3A_101] {strides = array<i32>} : memref<80x128xf32, #tpu.memory_space<vmem>>, vector<1x16xf32>,
      %swap3A_103 = vector.shape_cast %swap3A_102 : vector<1x16xf32> to vector<16xf32>
      %swap3A_104 = vector.shape_cast %broadcast_in_dim3A_99 : vector<16xf32> to vector<1x16xf32>
      tpu.vector_store %arg6[%swap3A_100, %swap3A_101], %swap3A_104 {strides = array<i32>} : memref<80x128xf32, #tpu.memory_space<vmem>>, vector<1x16xf32>,
      %broadcast_in_dim3A_105 = arith.constant 0.000000e+00 : f32
      %broadcast_in_dim3A_106 = vector.broadcast %broadcast_in_dim3A_105 : f32 to vector<16xf32>
      %swap3A_107 = arith.index_cast %scan3A_91 : i32 to index
      %swap3A_108 = arith.constant 32 : index
      %swap3A_109 = tpu.vector_load %arg6[%swap3A_107, %swap3A_108] {strides = array<i32>} : memref<80x128xf32, #tpu.memory_space<vmem>>, vector<1x16xf32>,
      %swap3A_110 = vector.shape_cast %swap3A_109 : vector<1x16xf32> to vector<16xf32>
      %swap3A_111 = vector.shape_cast %broadcast_in_dim3A_106 : vector<16xf32> to vector<1x16xf32>
      tpu.vector_store %arg6[%swap3A_107, %swap3A_108], %swap3A_111 {strides = array<i32>} : memref<80x128xf32, #tpu.memory_space<vmem>>, vector<1x16xf32>,
      %broadcast_in_dim3A_112 = arith.constant 0.000000e+00 : f32
      %broadcast_in_dim3A_113 = vector.broadcast %broadcast_in_dim3A_112 : f32 to vector<16xf32>
      %swap3A_114 = arith.index_cast %scan3A_91 : i32 to index
      %swap3A_115 = arith.constant 48 : index
      %swap3A_116 = tpu.vector_load %arg6[%swap3A_114, %swap3A_115] {strides = array<i32>} : memref<80x128xf32, #tpu.memory_space<vmem>>, vector<1x16xf32>,
      %swap3A_117 = vector.shape_cast %swap3A_116 : vector<1x16xf32> to vector<16xf32>
      %swap3A_118 = vector.shape_cast %broadcast_in_dim3A_113 : vector<16xf32> to vector<1x16xf32>
      tpu.vector_store %arg6[%swap3A_114, %swap3A_115], %swap3A_118 {strides = array<i32>} : memref<80x128xf32, #tpu.memory_space<vmem>>, vector<1x16xf32>,
      %broadcast_in_dim3A_119 = arith.constant 0.000000e+00 : f32
      %broadcast_in_dim3A_120 = vector.broadcast %broadcast_in_dim3A_119 : f32 to vector<16xf32>
      %swap3A_121 = arith.index_cast %scan3A_91 : i32 to index
      %swap3A_122 = arith.constant 64 : index
      %swap3A_123 = tpu.vector_load %arg6[%swap3A_121, %swap3A_122] {strides = array<i32>} : memref<80x128xf32, #tpu.memory_space<vmem>>, vector<1x16xf32>,
      %swap3A_124 = vector.shape_cast %swap3A_123 : vector<1x16xf32> to vector<16xf32>
      %swap3A_125 = vector.shape_cast %broadcast_in_dim3A_120 : vector<16xf32> to vector<1x16xf32>
      tpu.vector_store %arg6[%swap3A_121, %swap3A_122], %swap3A_125 {strides = array<i32>} : memref<80x128xf32, #tpu.memory_space<vmem>>, vector<1x16xf32>,
      %broadcast_in_dim3A_126 = arith.constant 0.000000e+00 : f32
      %broadcast_in_dim3A_127 = vector.broadcast %broadcast_in_dim3A_126 : f32 to vector<16xf32>
      %swap3A_128 = arith.index_cast %scan3A_91 : i32 to index
      %swap3A_129 = arith.constant 80 : index
      %swap3A_130 = tpu.vector_load %arg6[%swap3A_128, %swap3A_129] {strides = array<i32>} : memref<80x128xf32, #tpu.memory_space<vmem>>, vector<1x16xf32>,
      %swap3A_131 = vector.shape_cast %swap3A_130 : vector<1x16xf32> to vector<16xf32>
      %swap3A_132 = vector.shape_cast %broadcast_in_dim3A_127 : vector<16xf32> to vector<1x16xf32>
      tpu.vector_store %arg6[%swap3A_128, %swap3A_129], %swap3A_132 {strides = array<i32>} : memref<80x128xf32, #tpu.memory_space<vmem>>, vector<1x16xf32>,
      %broadcast_in_dim3A_133 = arith.constant 0.000000e+00 : f32
      %broadcast_in_dim3A_134 = vector.broadcast %broadcast_in_dim3A_133 : f32 to vector<16xf32>
      %swap3A_135 = arith.index_cast %scan3A_91 : i32 to index
      %swap3A_136 = arith.constant 96 : index
      %swap3A_137 = tpu.vector_load %arg6[%swap3A_135, %swap3A_136] {strides = array<i32>} : memref<80x128xf32, #tpu.memory_space<vmem>>, vector<1x16xf32>,
      %swap3A_138 = vector.shape_cast %swap3A_137 : vector<1x16xf32> to vector<16xf32>
      %swap3A_139 = vector.shape_cast %broadcast_in_dim3A_134 : vector<16xf32> to vector<1x16xf32>
      tpu.vector_store %arg6[%swap3A_135, %swap3A_136], %swap3A_139 {strides = array<i32>} : memref<80x128xf32, #tpu.memory_space<vmem>>, vector<1x16xf32>,
      %broadcast_in_dim3A_140 = arith.constant 0.000000e+00 : f32
      %broadcast_in_dim3A_141 = vector.broadcast %broadcast_in_dim3A_140 : f32 to vector<16xf32>
      %swap3A_142 = arith.index_cast %scan3A_91 : i32 to index
      %swap3A_143 = arith.constant 112 : index
      %swap3A_144 = tpu.vector_load %arg6[%swap3A_142, %swap3A_143] {strides = array<i32>} : memref<80x128xf32, #tpu.memory_space<vmem>>, vector<1x16xf32>,
      %swap3A_145 = vector.shape_cast %swap3A_144 : vector<1x16xf32> to vector<16xf32>
      %swap3A_146 = vector.shape_cast %broadcast_in_dim3A_141 : vector<16xf32> to vector<1x16xf32>
      tpu.vector_store %arg6[%swap3A_142, %swap3A_143], %swap3A_146 {strides = array<i32>} : memref<80x128xf32, #tpu.memory_space<vmem>>, vector<1x16xf32>,
      %scan3A_147 = arith.constant 0 : i32
      scf.yield %scan3A_147 : i32
    }
    %scan3A_6 = arith.constant 80 : i32
    %scan3A_7 = arith.constant 0 : i32
    %scan3A_8 = arith.constant 0 : i32
    %scan3A_9 = arith.constant 80 : i32
    %scan3A_10 = arith.addi %scan3A_8, %scan3A_9 : i32
    %scan3A_11 = arith.constant 1 : i32
    %scan3A_12 = scf.for %scan3A_91 = %scan3A_8 to %scan3A_10 step %scan3A_11 iter_args(%scan3A_92 = %scan3A_7) -> (i32)  : i32 {
      %broadcast_in_dim3A = arith.constant 1.000000e+00 : f32
      %broadcast_in_dim3A_93 = vector.broadcast %broadcast_in_dim3A : f32 to vector<16xf32>
      %swap3A = arith.index_cast %scan3A_91 : i32 to index
      %swap3A_94 = arith.constant 0 : index
      %swap3A_95 = tpu.vector_load %arg5[%swap3A, %swap3A_94] {strides = array<i32>} : memref<80x128xf32, #tpu.memory_space<vmem>>, vector<1x16xf32>,
      %swap3A_96 = vector.shape_cast %swap3A_95 : vector<1x16xf32> to vector<16xf32>
      %swap3A_97 = vector.shape_cast %broadcast_in_dim3A_93 : vector<16xf32> to vector<1x16xf32>
      tpu.vector_store %arg5[%swap3A, %swap3A_94], %swap3A_97 {strides = array<i32>} : memref<80x128xf32, #tpu.memory_space<vmem>>, vector<1x16xf32>,
      %broadcast_in_dim3A_98 = arith.constant 1.000000e+00 : f32
      %broadcast_in_dim3A_99 = vector.broadcast %broadcast_in_dim3A_98 : f32 to vector<16xf32>
      %swap3A_100 = arith.index_cast %scan3A_91 : i32 to index
      %swap3A_101 = arith.constant 16 : index
      %swap3A_102 = tpu.vector_load %arg5[%swap3A_100, %swap3A_101] {strides = array<i32>} : memref<80x128xf32, #tpu.memory_space<vmem>>, vector<1x16xf32>,
      %swap3A_103 = vector.shape_cast %swap3A_102 : vector<1x16xf32> to vector<16xf32>
      %swap3A_104 = vector.shape_cast %broadcast_in_dim3A_99 : vector<16xf32> to vector<1x16xf32>
      tpu.vector_store %arg5[%swap3A_100, %swap3A_101], %swap3A_104 {strides = array<i32>} : memref<80x128xf32, #tpu.memory_space<vmem>>, vector<1x16xf32>,
      %broadcast_in_dim3A_105 = arith.constant 1.000000e+00 : f32
      %broadcast_in_dim3A_106 = vector.broadcast %broadcast_in_dim3A_105 : f32 to vector<16xf32>
      %swap3A_107 = arith.index_cast %scan3A_91 : i32 to index
      %swap3A_108 = arith.constant 32 : index
      %swap3A_109 = tpu.vector_load %arg5[%swap3A_107, %swap3A_108] {strides = array<i32>} : memref<80x128xf32, #tpu.memory_space<vmem>>, vector<1x16xf32>,
      %swap3A_110 = vector.shape_cast %swap3A_109 : vector<1x16xf32> to vector<16xf32>
      %swap3A_111 = vector.shape_cast %broadcast_in_dim3A_106 : vector<16xf32> to vector<1x16xf32>
      tpu.vector_store %arg5[%swap3A_107, %swap3A_108], %swap3A_111 {strides = array<i32>} : memref<80x128xf32, #tpu.memory_space<vmem>>, vector<1x16xf32>,
      %broadcast_in_dim3A_112 = arith.constant 1.000000e+00 : f32
      %broadcast_in_dim3A_113 = vector.broadcast %broadcast_in_dim3A_112 : f32 to vector<16xf32>
      %swap3A_114 = arith.index_cast %scan3A_91 : i32 to index
      %swap3A_115 = arith.constant 48 : index
      %swap3A_116 = tpu.vector_load %arg5[%swap3A_114, %swap3A_115] {strides = array<i32>} : memref<80x128xf32, #tpu.memory_space<vmem>>, vector<1x16xf32>,
      %swap3A_117 = vector.shape_cast %swap3A_116 : vector<1x16xf32> to vector<16xf32>
      %swap3A_118 = vector.shape_cast %broadcast_in_dim3A_113 : vector<16xf32> to vector<1x16xf32>
      tpu.vector_store %arg5[%swap3A_114, %swap3A_115], %swap3A_118 {strides = array<i32>} : memref<80x128xf32, #tpu.memory_space<vmem>>, vector<1x16xf32>,
      %broadcast_in_dim3A_119 = arith.constant 1.000000e+00 : f32
      %broadcast_in_dim3A_120 = vector.broadcast %broadcast_in_dim3A_119 : f32 to vector<16xf32>
      %swap3A_121 = arith.index_cast %scan3A_91 : i32 to index
      %swap3A_122 = arith.constant 64 : index
      %swap3A_123 = tpu.vector_load %arg5[%swap3A_121, %swap3A_122] {strides = array<i32>} : memref<80x128xf32, #tpu.memory_space<vmem>>, vector<1x16xf32>,
      %swap3A_124 = vector.shape_cast %swap3A_123 : vector<1x16xf32> to vector<16xf32>
      %swap3A_125 = vector.shape_cast %broadcast_in_dim3A_120 : vector<16xf32> to vector<1x16xf32>
      tpu.vector_store %arg5[%swap3A_121, %swap3A_122], %swap3A_125 {strides = array<i32>} : memref<80x128xf32, #tpu.memory_space<vmem>>, vector<1x16xf32>,
      %broadcast_in_dim3A_126 = arith.constant 1.000000e+00 : f32
      %broadcast_in_dim3A_127 = vector.broadcast %broadcast_in_dim3A_126 : f32 to vector<16xf32>
      %swap3A_128 = arith.index_cast %scan3A_91 : i32 to index
      %swap3A_129 = arith.constant 80 : index
      %swap3A_130 = tpu.vector_load %arg5[%swap3A_128, %swap3A_129] {strides = array<i32>} : memref<80x128xf32, #tpu.memory_space<vmem>>, vector<1x16xf32>,
      %swap3A_131 = vector.shape_cast %swap3A_130 : vector<1x16xf32> to vector<16xf32>
      %swap3A_132 = vector.shape_cast %broadcast_in_dim3A_127 : vector<16xf32> to vector<1x16xf32>
      tpu.vector_store %arg5[%swap3A_128, %swap3A_129], %swap3A_132 {strides = array<i32>} : memref<80x128xf32, #tpu.memory_space<vmem>>, vector<1x16xf32>,
      %broadcast_in_dim3A_133 = arith.constant 1.000000e+00 : f32
      %broadcast_in_dim3A_134 = vector.broadcast %broadcast_in_dim3A_133 : f32 to vector<16xf32>
      %swap3A_135 = arith.index_cast %scan3A_91 : i32 to index
      %swap3A_136 = arith.constant 96 : index
      %swap3A_137 = tpu.vector_load %arg5[%swap3A_135, %swap3A_136] {strides = array<i32>} : memref<80x128xf32, #tpu.memory_space<vmem>>, vector<1x16xf32>,
      %swap3A_138 = vector.shape_cast %swap3A_137 : vector<1x16xf32> to vector<16xf32>
      %swap3A_139 = vector.shape_cast %broadcast_in_dim3A_134 : vector<16xf32> to vector<1x16xf32>
      tpu.vector_store %arg5[%swap3A_135, %swap3A_136], %swap3A_139 {strides = array<i32>} : memref<80x128xf32, #tpu.memory_space<vmem>>, vector<1x16xf32>,
      %broadcast_in_dim3A_140 = arith.constant 1.000000e+00 : f32
      %broadcast_in_dim3A_141 = vector.broadcast %broadcast_in_dim3A_140 : f32 to vector<16xf32>
      %swap3A_142 = arith.index_cast %scan3A_91 : i32 to index
      %swap3A_143 = arith.constant 112 : index
      %swap3A_144 = tpu.vector_load %arg5[%swap3A_142, %swap3A_143] {strides = array<i32>} : memref<80x128xf32, #tpu.memory_space<vmem>>, vector<1x16xf32>,
      %swap3A_145 = vector.shape_cast %swap3A_144 : vector<1x16xf32> to vector<16xf32>
      %swap3A_146 = vector.shape_cast %broadcast_in_dim3A_141 : vector<16xf32> to vector<1x16xf32>
      tpu.vector_store %arg5[%swap3A_142, %swap3A_143], %swap3A_146 {strides = array<i32>} : memref<80x128xf32, #tpu.memory_space<vmem>>, vector<1x16xf32>,
      %scan3A_147 = arith.constant 0 : i32
      scf.yield %scan3A_147 : i32
    }
    %scan3A_13 = arith.constant 80 : i32
    "tpu.region"() ({
      %run_scoped3A = tpu.sem_alloc : memref<!tpu.dma_semaphore, #tpu.memory_space<semaphore_mem>>
      %dma_start3A_91 = arith.constant 0 : i32
      %dma_start3A_92 = arith.constant 0 : i32
      %dma_start3A_93 = tpu.memref_slice %arg2[%add3A, %dma_start3A_91, %dma_start3A_92] : memref<32x125x80xi32, #tpu.memory_space<hbm>> -> memref<1x125x80xi32, #tpu.memory_space<hbm>>
      %dma_start3A_94 = tpu.memref_squeeze %dma_start3A_93 : memref<1x125x80xi32, #tpu.memory_space<hbm>> -> memref<125x80xi32, #tpu.memory_space<hbm>>
      %dma_start3A_95 = arith.constant 0 : i32
      %dma_start3A_96 = arith.constant 0 : i32
      %dma_start3A_97 = tpu.memref_slice %arg2[%add3A, %dma_start3A_95, %dma_start3A_96] : memref<32x125x80xi32, #tpu.memory_space<hbm>> -> memref<1x125x80xi32, #tpu.memory_space<hbm>>
      %dma_start3A_98 = tpu.memref_squeeze %dma_start3A_97 : memref<1x125x80xi32, #tpu.memory_space<hbm>> -> memref<125x80xi32, #tpu.memory_space<hbm>>
      tpu.enqueue_dma source(%dma_start3A_98 : memref<125x80xi32, #tpu.memory_space<hbm>>) target(%arg4 : memref<125x80xi32, #tpu.memory_space<vmem>>) target_semaphore(%run_scoped3A : memref<!tpu.dma_semaphore, #tpu.memory_space<semaphore_mem>>)
      %dma_wait3A_99 = arith.constant 0 : i32
      %dma_wait3A_100 = arith.constant 0 : i32
      %dma_wait3A_101 = tpu.memref_slice %arg2[%add3A, %dma_wait3A_99, %dma_wait3A_100] : memref<32x125x80xi32, #tpu.memory_space<hbm>> -> memref<1x125x80xi32, #tpu.memory_space<hbm>>
      %dma_wait3A_102 = tpu.memref_squeeze %dma_wait3A_101 : memref<1x125x80xi32, #tpu.memory_space<hbm>> -> memref<125x80xi32, #tpu.memory_space<hbm>>
      %dma_wait3A_103 = arith.constant 0 : i32
      %dma_wait3A_104 = arith.constant 0 : i32
      %dma_wait3A_105 = tpu.memref_slice %arg2[%add3A, %dma_wait3A_103, %dma_wait3A_104] : memref<32x125x80xi32, #tpu.memory_space<hbm>> -> memref<1x125x80xi32, #tpu.memory_space<hbm>>
      %dma_wait3A_106 = tpu.memref_squeeze %dma_wait3A_105 : memref<1x125x80xi32, #tpu.memory_space<hbm>> -> memref<125x80xi32, #tpu.memory_space<hbm>>
      tpu.wait_dma2 semaphore(%run_scoped3A : memref<!tpu.dma_semaphore, #tpu.memory_space<semaphore_mem>>) src(%dma_wait3A_106 : memref<125x80xi32, #tpu.memory_space<hbm>>) dst(%arg4 : memref<125x80xi32, #tpu.memory_space<vmem>>)
      tpu.yield
    }) : () -> ()
    %mul3A_14 = arith.constant 8 : i32
    %mul3A_15 = arith.muli %arg1, %mul3A_14 : i32
    %add3A_16 = arith.constant 1 : i32
    %add3A_17 = arith.addi %arg1, %add3A_16 : i32
    %mul3A_18 = arith.constant 8 : i32
    %mul3A_19 = arith.muli %add3A_17, %mul3A_18 : i32
    %while3A = arith.constant 0 : i32
    %while3A_20 = arith.subi %mul3A_19, %mul3A_15 : i32
    %while3A_21 = arith.addi %mul3A_15, %while3A_20 : i32
    %while3A_22 = arith.constant 1 : i32
    %while3A_23 = arith.divsi %while3A_20, %while3A_22 : i32
    %while3A_24 = arith.muli %while3A_23, %while3A_22 : i32
    %while3A_25 = arith.addi %mul3A_15, %while3A_24 : i32
    %while3A_26 = arith.constant 1 : i32
    %while3A_27 = scf.for %while3A_91 = %mul3A_15 to %while3A_25 step %while3A_26 iter_args(%while3A_92 = %while3A) -> (i32)  : i32 {
      %mul3A_93 = arith.constant 80 : i32
      %mul3A_94 = arith.muli %while3A_91, %mul3A_93 : i32
      %min3A_95 = arith.constant 9920 : i32
      %min3A_96 = arith.minsi %mul3A_94, %min3A_95 : i32
      "tpu.region"() ({
        %run_scoped3A = tpu.sem_alloc : memref<!tpu.dma_semaphore, #tpu.memory_space<semaphore_mem>>
        %dma_start3A_98 = arith.constant 0 : i32
        %dma_start3A_99 = tpu.memref_slice %arg7[%min3A_96, %dma_start3A_98] : memref<10000x128xf32, #tpu.memory_space<vmem_shared>> -> memref<80x128xf32, #tpu.memory_space<vmem_shared>>
        %dma_start3A_100 = arith.constant 0 : i32
        %dma_start3A_101 = tpu.memref_slice %arg7[%min3A_96, %dma_start3A_100] : memref<10000x128xf32, #tpu.memory_space<vmem_shared>> -> memref<80x128xf32, #tpu.memory_space<vmem_shared>>
        tpu.enqueue_dma source(%arg6 : memref<80x128xf32, #tpu.memory_space<vmem>>) target(%dma_start3A_101 : memref<80x128xf32, #tpu.memory_space<vmem_shared>>) target_semaphore(%run_scoped3A : memref<!tpu.dma_semaphore, #tpu.memory_space<semaphore_mem>>)
        %dma_wait3A_102 = arith.constant 0 : i32
        %dma_wait3A_103 = tpu.memref_slice %arg7[%min3A_96, %dma_wait3A_102] : memref<10000x128xf32, #tpu.memory_space<vmem_shared>> -> memref<80x128xf32, #tpu.memory_space<vmem_shared>>
        %dma_wait3A_104 = arith.constant 0 : i32
        %dma_wait3A_105 = tpu.memref_slice %arg7[%min3A_96, %dma_wait3A_104] : memref<10000x128xf32, #tpu.memory_space<vmem_shared>> -> memref<80x128xf32, #tpu.memory_space<vmem_shared>>
        tpu.wait_dma2 semaphore(%run_scoped3A : memref<!tpu.dma_semaphore, #tpu.memory_space<semaphore_mem>>) src(%arg6 : memref<80x128xf32, #tpu.memory_space<vmem>>) dst(%dma_wait3A_105 : memref<80x128xf32, #tpu.memory_space<vmem_shared>>)
        tpu.yield
      }) : () -> ()
      %while3A_97 = arith.constant 0 : i32
      scf.yield %while3A_97 : i32
    }
    %while3A_28 = arith.constant 1 : i32
    %while3A_29 = scf.for %while3A_91 = %while3A_25 to %while3A_21 step %while3A_28 iter_args(%while3A_92 = %while3A_27) -> (i32)  : i32 {
      %mul3A_93 = arith.constant 80 : i32
      %mul3A_94 = arith.muli %while3A_91, %mul3A_93 : i32
      %min3A_95 = arith.constant 9920 : i32
      %min3A_96 = arith.minsi %mul3A_94, %min3A_95 : i32
      "tpu.region"() ({
        %run_scoped3A = tpu.sem_alloc : memref<!tpu.dma_semaphore, #tpu.memory_space<semaphore_mem>>
        %dma_start3A_98 = arith.constant 0 : i32
        %dma_start3A_99 = tpu.memref_slice %arg7[%min3A_96, %dma_start3A_98] : memref<10000x128xf32, #tpu.memory_space<vmem_shared>> -> memref<80x128xf32, #tpu.memory_space<vmem_shared>>
        %dma_start3A_100 = arith.constant 0 : i32
        %dma_start3A_101 = tpu.memref_slice %arg7[%min3A_96, %dma_start3A_100] : memref<10000x128xf32, #tpu.memory_space<vmem_shared>> -> memref<80x128xf32, #tpu.memory_space<vmem_shared>>
        tpu.enqueue_dma source(%arg6 : memref<80x128xf32, #tpu.memory_space<vmem>>) target(%dma_start3A_101 : memref<80x128xf32, #tpu.memory_space<vmem_shared>>) target_semaphore(%run_scoped3A : memref<!tpu.dma_semaphore, #tpu.memory_space<semaphore_mem>>)
        %dma_wait3A_102 = arith.constant 0 : i32
        %dma_wait3A_103 = tpu.memref_slice %arg7[%min3A_96, %dma_wait3A_102] : memref<10000x128xf32, #tpu.memory_space<vmem_shared>> -> memref<80x128xf32, #tpu.memory_space<vmem_shared>>
        %dma_wait3A_104 = arith.constant 0 : i32
        %dma_wait3A_105 = tpu.memref_slice %arg7[%min3A_96, %dma_wait3A_104] : memref<10000x128xf32, #tpu.memory_space<vmem_shared>> -> memref<80x128xf32, #tpu.memory_space<vmem_shared>>
        tpu.wait_dma2 semaphore(%run_scoped3A : memref<!tpu.dma_semaphore, #tpu.memory_space<semaphore_mem>>) src(%arg6 : memref<80x128xf32, #tpu.memory_space<vmem>>) dst(%dma_wait3A_105 : memref<80x128xf32, #tpu.memory_space<vmem_shared>>)
        tpu.yield
      }) : () -> ()
      %while3A_97 = arith.constant 0 : i32
      scf.yield %while3A_97 : i32
    }
    %barrier3A = arith.constant 0 : index
    tpu.barrier barrier_id(%barrier3A)
    %dma_start3A = arith.constant 0 : i32
    %dma_start3A_30 = arith.constant 0 : i32
    %dma_start3A_31 = tpu.memref_slice %arg4[%dma_start3A, %dma_start3A_30] : memref<125x80xi32, #tpu.memory_space<vmem>> -> memref<1x80xi32, #tpu.memory_space<vmem>>
    %dma_start3A_32 = tpu.memref_squeeze %dma_start3A_31 : memref<1x80xi32, #tpu.memory_space<vmem>> -> memref<80xi32, #tpu.memory_space<vmem>>
    %dma_start3A_33 = arith.constant 0 : i32
    %dma_start3A_34 = arith.constant 0 : i32
    %dma_start3A_35 = tpu.memref_slice %arg7[%dma_start3A_33, %dma_start3A_34] : memref<10000x128xf32, #tpu.memory_space<vmem_shared>> -> memref<10000x128xf32, #tpu.memory_space<vmem_shared>>
    tpu.enqueue_indirect_dma source(%arg5 : memref<80x128xf32, #tpu.memory_space<vmem>>) target(%dma_start3A_35 : memref<10000x128xf32, #tpu.memory_space<vmem_shared>>) offsets(%dma_start3A_32 : memref<80xi32, #tpu.memory_space<vmem>>) semaphore(%arg8 : memref<!tpu.dma_semaphore, #tpu.memory_space<semaphore_mem>>) {add = true}
    %dma_start3A_36 = arith.constant 1 : i32
    %dma_start3A_37 = arith.constant 0 : i32
    %dma_start3A_38 = tpu.memref_slice %arg4[%dma_start3A_36, %dma_start3A_37] : memref<125x80xi32, #tpu.memory_space<vmem>> -> memref<1x80xi32, #tpu.memory_space<vmem>>
    %dma_start3A_39 = tpu.memref_squeeze %dma_start3A_38 : memref<1x80xi32, #tpu.memory_space<vmem>> -> memref<80xi32, #tpu.memory_space<vmem>>
    %dma_start3A_40 = arith.constant 0 : i32
    %dma_start3A_41 = arith.constant 0 : i32
    %dma_start3A_42 = tpu.memref_slice %arg7[%dma_start3A_40, %dma_start3A_41] : memref<10000x128xf32, #tpu.memory_space<vmem_shared>> -> memref<10000x128xf32, #tpu.memory_space<vmem_shared>>
    tpu.enqueue_indirect_dma source(%arg5 : memref<80x128xf32, #tpu.memory_space<vmem>>) target(%dma_start3A_42 : memref<10000x128xf32, #tpu.memory_space<vmem_shared>>) offsets(%dma_start3A_39 : memref<80xi32, #tpu.memory_space<vmem>>) semaphore(%arg8 : memref<!tpu.dma_semaphore, #tpu.memory_space<semaphore_mem>>) {add = true}
    %dma_start3A_43 = arith.constant 2 : i32
    %dma_start3A_44 = arith.constant 0 : i32
    %dma_start3A_45 = tpu.memref_slice %arg4[%dma_start3A_43, %dma_start3A_44] : memref<125x80xi32, #tpu.memory_space<vmem>> -> memref<1x80xi32, #tpu.memory_space<vmem>>
    %dma_start3A_46 = tpu.memref_squeeze %dma_start3A_45 : memref<1x80xi32, #tpu.memory_space<vmem>> -> memref<80xi32, #tpu.memory_space<vmem>>
    %dma_start3A_47 = arith.constant 0 : i32
    %dma_start3A_48 = arith.constant 0 : i32
    %dma_start3A_49 = tpu.memref_slice %arg7[%dma_start3A_47, %dma_start3A_48] : memref<10000x128xf32, #tpu.memory_space<vmem_shared>> -> memref<10000x128xf32, #tpu.memory_space<vmem_shared>>
    tpu.enqueue_indirect_dma source(%arg5 : memref<80x128xf32, #tpu.memory_space<vmem>>) target(%dma_start3A_49 : memref<10000x128xf32, #tpu.memory_space<vmem_shared>>) offsets(%dma_start3A_46 : memref<80xi32, #tpu.memory_space<vmem>>) semaphore(%arg8 : memref<!tpu.dma_semaphore, #tpu.memory_space<semaphore_mem>>) {add = true}
    %dma_start3A_50 = arith.constant 3 : i32
    %dma_start3A_51 = arith.constant 0 : i32
    %dma_start3A_52 = tpu.memref_slice %arg4[%dma_start3A_50, %dma_start3A_51] : memref<125x80xi32, #tpu.memory_space<vmem>> -> memref<1x80xi32, #tpu.memory_space<vmem>>
    %dma_start3A_53 = tpu.memref_squeeze %dma_start3A_52 : memref<1x80xi32, #tpu.memory_space<vmem>> -> memref<80xi32, #tpu.memory_space<vmem>>
    %dma_start3A_54 = arith.constant 0 : i32
    %dma_start3A_55 = arith.constant 0 : i32
    %dma_start3A_56 = tpu.memref_slice %arg7[%dma_start3A_54, %dma_start3A_55] : memref<10000x128xf32, #tpu.memory_space<vmem_shared>> -> memref<10000x128xf32, #tpu.memory_space<vmem_shared>>
    tpu.enqueue_indirect_dma source(%arg5 : memref<80x128xf32, #tpu.memory_space<vmem>>) target(%dma_start3A_56 : memref<10000x128xf32, #tpu.memory_space<vmem_shared>>) offsets(%dma_start3A_53 : memref<80xi32, #tpu.memory_space<vmem>>) semaphore(%arg8 : memref<!tpu.dma_semaphore, #tpu.memory_space<semaphore_mem>>) {add = true}
    %scan3A_57 = arith.constant 0 : i32
    %scan3A_58 = arith.constant 4 : i32
    %scan3A_59 = arith.constant 121 : i32
    %scan3A_60 = arith.addi %scan3A_58, %scan3A_59 : i32
    %scan3A_61 = arith.constant 1 : i32
    %scan3A_62 = scf.for %scan3A_91 = %scan3A_58 to %scan3A_60 step %scan3A_61 iter_args(%scan3A_92 = %scan3A_57) -> (i32)  : i32 {
      %dma_start3A_93 = arith.constant 0 : i32
      %dma_start3A_94 = tpu.memref_slice %arg4[%scan3A_91, %dma_start3A_93] : memref<125x80xi32, #tpu.memory_space<vmem>> -> memref<1x80xi32, #tpu.memory_space<vmem>>
      %dma_start3A_95 = tpu.memref_squeeze %dma_start3A_94 : memref<1x80xi32, #tpu.memory_space<vmem>> -> memref<80xi32, #tpu.memory_space<vmem>>
      %dma_start3A_96 = arith.constant 0 : i32
      %dma_start3A_97 = arith.constant 0 : i32
      %dma_start3A_98 = tpu.memref_slice %arg7[%dma_start3A_96, %dma_start3A_97] : memref<10000x128xf32, #tpu.memory_space<vmem_shared>> -> memref<10000x128xf32, #tpu.memory_space<vmem_shared>>
      tpu.enqueue_indirect_dma source(%arg5 : memref<80x128xf32, #tpu.memory_space<vmem>>) target(%dma_start3A_98 : memref<10000x128xf32, #tpu.memory_space<vmem_shared>>) offsets(%dma_start3A_95 : memref<80xi32, #tpu.memory_space<vmem>>) semaphore(%arg8 : memref<!tpu.dma_semaphore, #tpu.memory_space<semaphore_mem>>) {add = true}
      %dma_wait3A_99 = arith.constant 0 : i32
      %dma_wait3A_100 = arith.constant 0 : i32
      %dma_wait3A_101 = tpu.memref_slice %arg7[%dma_wait3A_99, %dma_wait3A_100] : memref<10000x128xf32, #tpu.memory_space<vmem_shared>> -> memref<80x128xf32, #tpu.memory_space<vmem_shared>>
      %dma_wait3A_102 = arith.constant 0 : i32
      %dma_wait3A_103 = arith.constant 0 : i32
      %dma_wait3A_104 = tpu.memref_slice %arg7[%dma_wait3A_102, %dma_wait3A_103] : memref<10000x128xf32, #tpu.memory_space<vmem_shared>> -> memref<80x128xf32, #tpu.memory_space<vmem_shared>>
      tpu.wait_dma2 semaphore(%arg8 : memref<!tpu.dma_semaphore, #tpu.memory_space<semaphore_mem>>) src(%arg5 : memref<80x128xf32, #tpu.memory_space<vmem>>) dst(%dma_wait3A_104 : memref<80x128xf32, #tpu.memory_space<vmem_shared>>)
      %scan3A_105 = arith.constant 0 : i32
      scf.yield %scan3A_105 : i32
    }
    %scan3A_63 = arith.constant 121 : i32
    %dma_wait3A = arith.constant 0 : i32
    %dma_wait3A_64 = arith.constant 0 : i32
    %dma_wait3A_65 = tpu.memref_slice %arg7[%dma_wait3A, %dma_wait3A_64] : memref<10000x128xf32, #tpu.memory_space<vmem_shared>> -> memref<80x128xf32, #tpu.memory_space<vmem_shared>>
    %dma_wait3A_66 = arith.constant 0 : i32
    %dma_wait3A_67 = arith.constant 0 : i32
    %dma_wait3A_68 = tpu.memref_slice %arg7[%dma_wait3A_66, %dma_wait3A_67] : memref<10000x128xf32, #tpu.memory_space<vmem_shared>> -> memref<80x128xf32, #tpu.memory_space<vmem_shared>>
    tpu.wait_dma2 semaphore(%arg8 : memref<!tpu.dma_semaphore, #tpu.memory_space<semaphore_mem>>) src(%arg5 : memref<80x128xf32, #tpu.memory_space<vmem>>) dst(%dma_wait3A_68 : memref<80x128xf32, #tpu.memory_space<vmem_shared>>)
    %dma_wait3A_69 = arith.constant 0 : i32
    %dma_wait3A_70 = arith.constant 0 : i32
    %dma_wait3A_71 = tpu.memref_slice %arg7[%dma_wait3A_69, %dma_wait3A_70] : memref<10000x128xf32, #tpu.memory_space<vmem_shared>> -> memref<80x128xf32, #tpu.memory_space<vmem_shared>>
    %dma_wait3A_72 = arith.constant 0 : i32
    %dma_wait3A_73 = arith.constant 0 : i32
    %dma_wait3A_74 = tpu.memref_slice %arg7[%dma_wait3A_72, %dma_wait3A_73] : memref<10000x128xf32, #tpu.memory_space<vmem_shared>> -> memref<80x128xf32, #tpu.memory_space<vmem_shared>>
    tpu.wait_dma2 semaphore(%arg8 : memref<!tpu.dma_semaphore, #tpu.memory_space<semaphore_mem>>) src(%arg5 : memref<80x128xf32, #tpu.memory_space<vmem>>) dst(%dma_wait3A_74 : memref<80x128xf32, #tpu.memory_space<vmem_shared>>)
    %dma_wait3A_75 = arith.constant 0 : i32
    %dma_wait3A_76 = arith.constant 0 : i32
    %dma_wait3A_77 = tpu.memref_slice %arg7[%dma_wait3A_75, %dma_wait3A_76] : memref<10000x128xf32, #tpu.memory_space<vmem_shared>> -> memref<80x128xf32, #tpu.memory_space<vmem_shared>>
    %dma_wait3A_78 = arith.constant 0 : i32
    %dma_wait3A_79 = arith.constant 0 : i32
    %dma_wait3A_80 = tpu.memref_slice %arg7[%dma_wait3A_78, %dma_wait3A_79] : memref<10000x128xf32, #tpu.memory_space<vmem_shared>> -> memref<80x128xf32, #tpu.memory_space<vmem_shared>>
    tpu.wait_dma2 semaphore(%arg8 : memref<!tpu.dma_semaphore, #tpu.memory_space<semaphore_mem>>) src(%arg5 : memref<80x128xf32, #tpu.memory_space<vmem>>) dst(%dma_wait3A_80 : memref<80x128xf32, #tpu.memory_space<vmem_shared>>)
    %dma_wait3A_81 = arith.constant 0 : i32
    %dma_wait3A_82 = arith.constant 0 : i32
    %dma_wait3A_83 = tpu.memref_slice %arg7[%dma_wait3A_81, %dma_wait3A_82] : memref<10000x128xf32, #tpu.memory_space<vmem_shared>> -> memref<80x128xf32, #tpu.memory_space<vmem_shared>>
    %dma_wait3A_84 = arith.constant 0 : i32
    %dma_wait3A_85 = arith.constant 0 : i32
    %dma_wait3A_86 = tpu.memref_slice %arg7[%dma_wait3A_84, %dma_wait3A_85] : memref<10000x128xf32, #tpu.memory_space<vmem_shared>> -> memref<80x128xf32, #tpu.memory_space<vmem_shared>>
    tpu.wait_dma2 semaphore(%arg8 : memref<!tpu.dma_semaphore, #tpu.memory_space<semaphore_mem>>) src(%arg5 : memref<80x128xf32, #tpu.memory_space<vmem>>) dst(%dma_wait3A_86 : memref<80x128xf32, #tpu.memory_space<vmem_shared>>)
    %barrier3A_87 = arith.constant 0 : index
    tpu.barrier barrier_id(%barrier3A_87)
    %mul3A_88 = arith.constant 632 : i32
    %mul3A_89 = arith.muli %arg1, %mul3A_88 : i32
    %min3A = arith.constant 9368 : i32
    %min3A_90 = arith.minsi %mul3A_89, %min3A : i32
    "tpu.region"() ({
      %run_scoped3A = tpu.sem_alloc : memref<!tpu.dma_semaphore, #tpu.memory_space<semaphore_mem>>
      %dma_start3A_91 = arith.constant 0 : i32
      %dma_start3A_92 = tpu.memref_slice %arg3[%arg0, %min3A_90, %dma_start3A_91] : memref<2x10000x128xf32, #tpu.memory_space<hbm>> -> memref<1x632x128xf32, #tpu.memory_space<hbm>>
      %dma_start3A_93 = tpu.memref_squeeze %dma_start3A_92 : memref<1x632x128xf32, #tpu.memory_space<hbm>> -> memref<632x128xf32, #tpu.memory_space<hbm>>
      %dma_start3A_94 = arith.constant 0 : i32
      %dma_start3A_95 = tpu.memref_slice %arg7[%min3A_90, %dma_start3A_94] : memref<10000x128xf32, #tpu.memory_space<vmem_shared>> -> memref<632x128xf32, #tpu.memory_space<vmem_shared>>
      tpu.enqueue_dma source(%dma_start3A_95 : memref<632x128xf32, #tpu.memory_space<vmem_shared>>) target(%dma_start3A_93 : memref<632x128xf32, #tpu.memory_space<hbm>>) target_semaphore(%run_scoped3A : memref<!tpu.dma_semaphore, #tpu.memory_space<semaphore_mem>>)
      %dma_wait3A_96 = arith.constant 0 : i32
      %dma_wait3A_97 = tpu.memref_slice %arg3[%arg0, %min3A_90, %dma_wait3A_96] : memref<2x10000x128xf32, #tpu.memory_space<hbm>> -> memref<1x632x128xf32, #tpu.memory_space<hbm>>
      %dma_wait3A_98 = tpu.memref_squeeze %dma_wait3A_97 : memref<1x632x128xf32, #tpu.memory_space<hbm>> -> memref<632x128xf32, #tpu.memory_space<hbm>>
      %dma_wait3A_99 = arith.constant 0 : i32
      %dma_wait3A_100 = tpu.memref_slice %arg7[%min3A_90, %dma_wait3A_99] : memref<10000x128xf32, #tpu.memory_space<vmem_shared>> -> memref<632x128xf32, #tpu.memory_space<vmem_shared>>
      tpu.wait_dma2 semaphore(%run_scoped3A : memref<!tpu.dma_semaphore, #tpu.memory_space<semaphore_mem>>) src(%dma_wait3A_100 : memref<632x128xf32, #tpu.memory_space<vmem_shared>>) dst(%dma_wait3A_98 : memref<632x128xf32, #tpu.memory_space<hbm>>)
      tpu.yield
    }) : () -> ()
    return
  }
}

module attributes {stable_mosaic.version = 14 : i64} {
  func.func @_tc1_body(%arg0: memref<2x10000x128xf32, #tpu.memory_space<vmem>>, %arg1: memref<2x10000x128xf32, #tpu.memory_space<vmem>>, %arg2: memref<10000x128xf32, #tpu.memory_space<vmem>>, %arg3: memref<128x128xf32, #tpu.memory_space<vmem>>, %arg4: memref<1x128xf32, #tpu.memory_space<vmem>>, %arg5: memref<128x128xf32, #tpu.memory_space<vmem>>, %arg6: memref<1x128xf32, #tpu.memory_space<vmem>>, %arg7: memref<1x128xf32, #tpu.memory_space<vmem>>, %arg8: memref<10000x128xf32, #tpu.memory_space<vmem>>) attributes {dimension_semantics = [], scalar_prefetch = 0 : i64, scratch_operands = 0 : i64, tpu.core_type = #tpu.core_type<tc>} {
    %get3A = arith.constant 0 : index
    %get3A_0 = arith.constant 0 : index
    %get3A_1 = arith.constant 0 : index
    %get3A_2 = vector.load %arg0[%get3A, %get3A_0, %get3A_1] : memref<2x10000x128xf32, #tpu.memory_space<vmem>>, vector<1x10000x128xf32>
    %get3A_3 = vector.shape_cast %get3A_2 : vector<1x10000x128xf32> to vector<10000x128xf32>
    %get3A_4 = arith.constant 1 : index
    %get3A_5 = arith.constant 0 : index
    %get3A_6 = arith.constant 0 : index
    %get3A_7 = vector.load %arg0[%get3A_4, %get3A_5, %get3A_6] : memref<2x10000x128xf32, #tpu.memory_space<vmem>>, vector<1x10000x128xf32>
    %get3A_8 = vector.shape_cast %get3A_7 : vector<1x10000x128xf32> to vector<10000x128xf32>
    %add3A = arith.addf %get3A_3, %get3A_8 : vector<10000x128xf32>
    %get3A_9 = arith.constant 0 : index
    %get3A_10 = arith.constant 0 : index
    %get3A_11 = arith.constant 0 : index
    %get3A_12 = vector.load %arg1[%get3A_9, %get3A_10, %get3A_11] : memref<2x10000x128xf32, #tpu.memory_space<vmem>>, vector<1x10000x128xf32>
    %get3A_13 = vector.shape_cast %get3A_12 : vector<1x10000x128xf32> to vector<10000x128xf32>
    %get3A_14 = arith.constant 1 : index
    %get3A_15 = arith.constant 0 : index
    %get3A_16 = arith.constant 0 : index
    %get3A_17 = vector.load %arg1[%get3A_14, %get3A_15, %get3A_16] : memref<2x10000x128xf32, #tpu.memory_space<vmem>>, vector<1x10000x128xf32>
    %get3A_18 = vector.shape_cast %get3A_17 : vector<1x10000x128xf32> to vector<10000x128xf32>
    %add3A_19 = arith.addf %get3A_13, %get3A_18 : vector<10000x128xf32>
    %slice3A = vector.extract_strided_slice %add3A_19 {offsets = [0, 0], sizes = [10000, 1], strides = [1, 1]} : vector<10000x128xf32> to vector<10000x1xf32>
    %max3A = arith.constant 1.000000e+00 : f32
    %max3A_20 = vector.broadcast %max3A : f32 to vector<10000x1xf32>
    %max3A_21 = arith.maximumf %slice3A, %max3A_20 : vector<10000x1xf32>
    %div3A = vector.broadcast %max3A_21 : vector<10000x1xf32> to vector<10000x128xf32>
    %div3A_22 = arith.divf %add3A, %div3A : vector<10000x128xf32>
    %get3A_23 = arith.constant 0 : index
    %get3A_24 = arith.constant 0 : index
    %get3A_25 = vector.load %arg3[%get3A_23, %get3A_24] : memref<128x128xf32, #tpu.memory_space<vmem>>, vector<128x128xf32>
    %dot_general3A = arith.constant dense<0.000000e+00> : vector<10000x128xf32>
    %dot_general3A_26 = tpu.matmul %div3A_22, %get3A_25, %dot_general3A {dimension_numbers = #tpu.dot_dimension_numbers<[1], [0], [0], [1], [0, 0, 1, 1], [], []>, transpose_lhs_hint = false} : vector<10000x128xf32>, vector<128x128xf32>, vector<10000x128xf32> -> vector<10000x128xf32>
    %get3A_27 = arith.constant 0 : index
    %get3A_28 = arith.constant 0 : index
    %get3A_29 = vector.load %arg2[%get3A_27, %get3A_28] : memref<10000x128xf32, #tpu.memory_space<vmem>>, vector<10000x128xf32>
    %get3A_30 = arith.constant 0 : index
    %get3A_31 = arith.constant 0 : index
    %get3A_32 = vector.load %arg5[%get3A_30, %get3A_31] : memref<128x128xf32, #tpu.memory_space<vmem>>, vector<128x128xf32>
    %dot_general3A_33 = arith.constant dense<0.000000e+00> : vector<10000x128xf32>
    %dot_general3A_34 = tpu.matmul %get3A_29, %get3A_32, %dot_general3A_33 {dimension_numbers = #tpu.dot_dimension_numbers<[1], [0], [0], [1], [0, 0, 1, 1], [], []>, transpose_lhs_hint = false} : vector<10000x128xf32>, vector<128x128xf32>, vector<10000x128xf32> -> vector<10000x128xf32>
    %add3A_35 = arith.addf %dot_general3A_26, %dot_general3A_34 : vector<10000x128xf32>
    %get3A_36 = arith.constant 0 : index
    %get3A_37 = arith.constant 0 : index
    %get3A_38 = vector.load %arg4[%get3A_36, %get3A_37] : memref<1x128xf32, #tpu.memory_space<vmem>>, vector<1x128xf32>
    %add3A_39 = vector.broadcast %get3A_38 : vector<1x128xf32> to vector<10000x128xf32>
    %add3A_40 = arith.addf %add3A_35, %add3A_39 : vector<10000x128xf32>
    %mul3A = arith.mulf %add3A_40, %add3A_40 : vector<10000x128xf32>
    %reduce_sum3A = arith.constant dense<0.000000e+00> : vector<10000xf32>
    %reduce_sum3A_41 = vector.multi_reduction <add>, %mul3A, %reduce_sum3A [1] : vector<10000x128xf32> to vector<10000xf32>
    %broadcast_in_dim3A = vector.shape_cast %reduce_sum3A_41 : vector<10000xf32> to vector<10000x1xf32>
    %sqrt3A = math.sqrt %broadcast_in_dim3A : vector<10000x1xf32>
    %max3A_42 = arith.constant 9.99999996E-13 : f32
    %max3A_43 = vector.broadcast %max3A_42 : f32 to vector<10000x1xf32>
    %max3A_44 = arith.maximumf %sqrt3A, %max3A_43 : vector<10000x1xf32>
    %div3A_45 = vector.broadcast %max3A_44 : vector<10000x1xf32> to vector<10000x128xf32>
    %div3A_46 = arith.divf %add3A_40, %div3A_45 : vector<10000x128xf32>
    %max3A_47 = arith.constant 0.000000e+00 : f32
    %max3A_48 = vector.broadcast %max3A_47 : f32 to vector<10000x128xf32>
    %max3A_49 = arith.maximumf %div3A_46, %max3A_48 : vector<10000x128xf32>
    %reduce_sum3A_50 = arith.constant dense<0.000000e+00> : vector<128xf32>
    %reduce_sum3A_51 = vector.multi_reduction <add>, %max3A_49, %reduce_sum3A_50 [0] : vector<10000x128xf32> to vector<128xf32>
    %broadcast_in_dim3A_52 = vector.shape_cast %reduce_sum3A_51 : vector<128xf32> to vector<1x128xf32>
    %div3A_53 = arith.constant 1.000000e+04 : f32
    %div3A_54 = vector.broadcast %div3A_53 : f32 to vector<1x128xf32>
    %div3A_55 = arith.divf %broadcast_in_dim3A_52, %div3A_54 : vector<1x128xf32>
    %sub3A = vector.broadcast %div3A_55 : vector<1x128xf32> to vector<10000x128xf32>
    %sub3A_56 = arith.subf %max3A_49, %sub3A : vector<10000x128xf32>
    %square3A = arith.mulf %sub3A_56, %sub3A_56 : vector<10000x128xf32>
    %reduce_sum3A_57 = arith.constant dense<0.000000e+00> : vector<128xf32>
    %reduce_sum3A_58 = vector.multi_reduction <add>, %square3A, %reduce_sum3A_57 [0] : vector<10000x128xf32> to vector<128xf32>
    %broadcast_in_dim3A_59 = vector.shape_cast %reduce_sum3A_58 : vector<128xf32> to vector<1x128xf32>
    %div3A_60 = arith.constant 1.000000e+04 : f32
    %div3A_61 = vector.broadcast %div3A_60 : f32 to vector<1x128xf32>
    %div3A_62 = arith.divf %broadcast_in_dim3A_59, %div3A_61 : vector<1x128xf32>
    %sub3A_63 = vector.broadcast %div3A_55 : vector<1x128xf32> to vector<10000x128xf32>
    %sub3A_64 = arith.subf %max3A_49, %sub3A_63 : vector<10000x128xf32>
    %get3A_65 = arith.constant 0 : index
    %get3A_66 = arith.constant 0 : index
    %get3A_67 = vector.load %arg6[%get3A_65, %get3A_66] : memref<1x128xf32, #tpu.memory_space<vmem>>, vector<1x128xf32>
    %add3A_68 = arith.constant 9.99999974E-6 : f32
    %add3A_69 = vector.broadcast %add3A_68 : f32 to vector<1x128xf32>
    %add3A_70 = arith.addf %div3A_62, %add3A_69 : vector<1x128xf32>
    %sqrt3A_71 = math.sqrt %add3A_70 : vector<1x128xf32>
    %div3A_72 = arith.divf %get3A_67, %sqrt3A_71 : vector<1x128xf32>
    %mul3A_73 = vector.broadcast %div3A_72 : vector<1x128xf32> to vector<10000x128xf32>
    %mul3A_74 = arith.mulf %sub3A_64, %mul3A_73 : vector<10000x128xf32>
    %get3A_75 = arith.constant 0 : index
    %get3A_76 = arith.constant 0 : index
    %get3A_77 = vector.load %arg7[%get3A_75, %get3A_76] : memref<1x128xf32, #tpu.memory_space<vmem>>, vector<1x128xf32>
    %add3A_78 = vector.broadcast %get3A_77 : vector<1x128xf32> to vector<10000x128xf32>
    %add3A_79 = arith.addf %mul3A_74, %add3A_78 : vector<10000x128xf32>
    %swap3A = arith.constant 0 : index
    %swap3A_80 = arith.constant 0 : index
    %swap3A_81 = vector.load %arg8[%swap3A, %swap3A_80] : memref<10000x128xf32, #tpu.memory_space<vmem>>, vector<10000x128xf32>
    tpu.vector_store %arg8[%swap3A, %swap3A_80], %add3A_79 {strides = array<i32>} : memref<10000x128xf32, #tpu.memory_space<vmem>>, vector<10000x128xf32>,
    return
  }
}

module attributes {stable_mosaic.version = 14 : i64} {
  func.func @_tc2_body(%arg0: memref<2x10000x128xf32, #tpu.memory_space<vmem>>, %arg1: memref<2x10000x128xf32, #tpu.memory_space<vmem>>, %arg2: memref<10000x128xf32, #tpu.memory_space<vmem>>, %arg3: memref<128x128xf32, #tpu.memory_space<vmem>>, %arg4: memref<1x128xf32, #tpu.memory_space<vmem>>, %arg5: memref<128x128xf32, #tpu.memory_space<vmem>>, %arg6: memref<128x64xf32, #tpu.memory_space<vmem>>, %arg7: memref<1x64xf32, #tpu.memory_space<vmem>>, %arg8: memref<10000x64xf32, #tpu.memory_space<vmem>>) attributes {dimension_semantics = [], scalar_prefetch = 0 : i64, scratch_operands = 0 : i64, tpu.core_type = #tpu.core_type<tc>} {
    %get3A = arith.constant 0 : index
    %get3A_0 = arith.constant 0 : index
    %get3A_1 = arith.constant 0 : index
    %get3A_2 = vector.load %arg0[%get3A, %get3A_0, %get3A_1] : memref<2x10000x128xf32, #tpu.memory_space<vmem>>, vector<1x10000x128xf32>
    %get3A_3 = vector.shape_cast %get3A_2 : vector<1x10000x128xf32> to vector<10000x128xf32>
    %get3A_4 = arith.constant 1 : index
    %get3A_5 = arith.constant 0 : index
    %get3A_6 = arith.constant 0 : index
    %get3A_7 = vector.load %arg0[%get3A_4, %get3A_5, %get3A_6] : memref<2x10000x128xf32, #tpu.memory_space<vmem>>, vector<1x10000x128xf32>
    %get3A_8 = vector.shape_cast %get3A_7 : vector<1x10000x128xf32> to vector<10000x128xf32>
    %add3A = arith.addf %get3A_3, %get3A_8 : vector<10000x128xf32>
    %get3A_9 = arith.constant 0 : index
    %get3A_10 = arith.constant 0 : index
    %get3A_11 = arith.constant 0 : index
    %get3A_12 = vector.load %arg1[%get3A_9, %get3A_10, %get3A_11] : memref<2x10000x128xf32, #tpu.memory_space<vmem>>, vector<1x10000x128xf32>
    %get3A_13 = vector.shape_cast %get3A_12 : vector<1x10000x128xf32> to vector<10000x128xf32>
    %get3A_14 = arith.constant 1 : index
    %get3A_15 = arith.constant 0 : index
    %get3A_16 = arith.constant 0 : index
    %get3A_17 = vector.load %arg1[%get3A_14, %get3A_15, %get3A_16] : memref<2x10000x128xf32, #tpu.memory_space<vmem>>, vector<1x10000x128xf32>
    %get3A_18 = vector.shape_cast %get3A_17 : vector<1x10000x128xf32> to vector<10000x128xf32>
    %add3A_19 = arith.addf %get3A_13, %get3A_18 : vector<10000x128xf32>
    %slice3A = vector.extract_strided_slice %add3A_19 {offsets = [0, 0], sizes = [10000, 1], strides = [1, 1]} : vector<10000x128xf32> to vector<10000x1xf32>
    %max3A = arith.constant 1.000000e+00 : f32
    %max3A_20 = vector.broadcast %max3A : f32 to vector<10000x1xf32>
    %max3A_21 = arith.maximumf %slice3A, %max3A_20 : vector<10000x1xf32>
    %div3A = vector.broadcast %max3A_21 : vector<10000x1xf32> to vector<10000x128xf32>
    %div3A_22 = arith.divf %add3A, %div3A : vector<10000x128xf32>
    %get3A_23 = arith.constant 0 : index
    %get3A_24 = arith.constant 0 : index
    %get3A_25 = vector.load %arg3[%get3A_23, %get3A_24] : memref<128x128xf32, #tpu.memory_space<vmem>>, vector<128x128xf32>
    %dot_general3A = arith.constant dense<0.000000e+00> : vector<10000x128xf32>
    %dot_general3A_26 = tpu.matmul %div3A_22, %get3A_25, %dot_general3A {dimension_numbers = #tpu.dot_dimension_numbers<[1], [0], [0], [1], [0, 0, 1, 1], [], []>, transpose_lhs_hint = false} : vector<10000x128xf32>, vector<128x128xf32>, vector<10000x128xf32> -> vector<10000x128xf32>
    %get3A_27 = arith.constant 0 : index
    %get3A_28 = arith.constant 0 : index
    %get3A_29 = vector.load %arg2[%get3A_27, %get3A_28] : memref<10000x128xf32, #tpu.memory_space<vmem>>, vector<10000x128xf32>
    %get3A_30 = arith.constant 0 : index
    %get3A_31 = arith.constant 0 : index
    %get3A_32 = vector.load %arg5[%get3A_30, %get3A_31] : memref<128x128xf32, #tpu.memory_space<vmem>>, vector<128x128xf32>
    %dot_general3A_33 = arith.constant dense<0.000000e+00> : vector<10000x128xf32>
    %dot_general3A_34 = tpu.matmul %get3A_29, %get3A_32, %dot_general3A_33 {dimension_numbers = #tpu.dot_dimension_numbers<[1], [0], [0], [1], [0, 0, 1, 1], [], []>, transpose_lhs_hint = false} : vector<10000x128xf32>, vector<128x128xf32>, vector<10000x128xf32> -> vector<10000x128xf32>
    %add3A_35 = arith.addf %dot_general3A_26, %dot_general3A_34 : vector<10000x128xf32>
    %get3A_36 = arith.constant 0 : index
    %get3A_37 = arith.constant 0 : index
    %get3A_38 = vector.load %arg4[%get3A_36, %get3A_37] : memref<1x128xf32, #tpu.memory_space<vmem>>, vector<1x128xf32>
    %add3A_39 = vector.broadcast %get3A_38 : vector<1x128xf32> to vector<10000x128xf32>
    %add3A_40 = arith.addf %add3A_35, %add3A_39 : vector<10000x128xf32>
    %mul3A = arith.mulf %add3A_40, %add3A_40 : vector<10000x128xf32>
    %reduce_sum3A = arith.constant dense<0.000000e+00> : vector<10000xf32>
    %reduce_sum3A_41 = vector.multi_reduction <add>, %mul3A, %reduce_sum3A [1] : vector<10000x128xf32> to vector<10000xf32>
    %broadcast_in_dim3A = vector.shape_cast %reduce_sum3A_41 : vector<10000xf32> to vector<10000x1xf32>
    %sqrt3A = math.sqrt %broadcast_in_dim3A : vector<10000x1xf32>
    %max3A_42 = arith.constant 9.99999996E-13 : f32
    %max3A_43 = vector.broadcast %max3A_42 : f32 to vector<10000x1xf32>
    %max3A_44 = arith.maximumf %sqrt3A, %max3A_43 : vector<10000x1xf32>
    %div3A_45 = vector.broadcast %max3A_44 : vector<10000x1xf32> to vector<10000x128xf32>
    %div3A_46 = arith.divf %add3A_40, %div3A_45 : vector<10000x128xf32>
    %get3A_47 = arith.constant 0 : index
    %get3A_48 = arith.constant 0 : index
    %get3A_49 = vector.load %arg6[%get3A_47, %get3A_48] : memref<128x64xf32, #tpu.memory_space<vmem>>, vector<128x64xf32>
    %dot_general3A_50 = arith.constant dense<0.000000e+00> : vector<10000x64xf32>
    %dot_general3A_51 = tpu.matmul %div3A_46, %get3A_49, %dot_general3A_50 {dimension_numbers = #tpu.dot_dimension_numbers<[1], [0], [0], [1], [0, 0, 1, 1], [], []>, transpose_lhs_hint = false} : vector<10000x128xf32>, vector<128x64xf32>, vector<10000x64xf32> -> vector<10000x64xf32>
    %get3A_52 = arith.constant 0 : index
    %get3A_53 = arith.constant 0 : index
    %get3A_54 = vector.load %arg7[%get3A_52, %get3A_53] : memref<1x64xf32, #tpu.memory_space<vmem>>, vector<1x64xf32>
    %add3A_55 = vector.broadcast %get3A_54 : vector<1x64xf32> to vector<10000x64xf32>
    %add3A_56 = arith.addf %dot_general3A_51, %add3A_55 : vector<10000x64xf32>
    %swap3A = arith.constant 0 : index
    %swap3A_57 = arith.constant 0 : index
    %swap3A_58 = vector.load %arg8[%swap3A, %swap3A_57] : memref<10000x64xf32, #tpu.memory_space<vmem>>, vector<10000x64xf32>
    tpu.vector_store %arg8[%swap3A, %swap3A_57], %add3A_56 {strides = array<i32>} : memref<10000x64xf32, #tpu.memory_space<vmem>>, vector<10000x64xf32>,
    return
  }
}

</mosaic_0001>

<sc_bundles>
// kernel: kernel.10.cloned.1.call-start
scs
__scs_entry_jumppad:
0x0: {  	(pc) =	sbr.rel $0x88, $3  }
0x1: {  	(tag) =	ssettag $0x0;
	lr =	simm.s32 $0x1  }
0x2: {  	[smem:$0x3F95] =	sst lr;
	_ =	strace $0xD0000000  }
0x3: {  	_ = 	snop  }
0x4: {  	_ = 	snop  }
0x5: {  	_ = 	snop  }
0x6: {  	_ = 	snop  }
0x7: {  	_ = 	snop  }
__scs_overlays_trampoline_lowered:
0x8: {  	[smem:$0x3FA4] =	sst s0  }
0x9: {  	[smem:$0x3FA5] =	sst s1  }
0xa: {  	[smem:$0x3FA6] =	sst s2  }
0xb: {  	[smem:$0x3FA7] =	sst s3  }
0xc: {  	[smem:$0x3FA8] =	sst s4  }
0xd: {  	[smem:$0x3FA9] =	sst s5  }
0xe: {  	[smem:$0x3FAA] =	sst s6  }
0xf: {  	[smem:$0x3FAB] =	sst s7  }
0x10: {  	[smem:$0x3FAC] =	sst s8  }
0x11: {  	[smem:$0x3FAD] =	sst s9;
	s0 =	simm.s32 @!p0 $0x0  }
0x12: {  	s1 =	sld [smem:$0x3F93];
	s0 =	simm.s32 @p0 $0x1  }
0x13: {  	[smem:$0x3FAE] =	sst s0;
	s0 =	simm.s32 @!p1 $0x0  }
0x14: {  	s2 =	sld [smem:$0x3F92];
	s0 =	simm.s32 @p1 $0x1  }
0x15: {  	[smem:$0x3FAF] =	sst s0;
	s0 =	simm.s32 @!p2 $0x0  }
0x16: {  	s3 =	sld [smem:$0x3FDB];
	s0 =	simm.s32 @p2 $0x1  }
0x17: {  	s4 =	simm.s32 $0x1BF5;
	[smem:$0x3FB1] =	sst s0  }
0x18: {  	s0 =	sld [smem:$0x3F94];
	_ =	swait.ge [sflag:s4], $0x0  }
0x19: {  	s7 =	sld [smem:$0x3F95]  }
0x1a: {  	s8 =	sadd.s32 $0xFFFFE003, lr  }
0x1b: {  	s9 =	sadd.s32 $0xFFFFFEF7, lr;
	s5 =	simm.s32 $0xFFFFFFFF;
	p2 =	slt.u32 s8, $0xFFFFF086  }
0x1c: {  	p1 =	slt.u32 s9, $0xF7A;
	s5 =	simm.s32 @!p2 $0x0  }
0x1d: {  	s5 =	simm.s32 @p1 $0x1;
	p0 =	seq.s32 s7, s2  }
0x1e: {  	s7 =	smul.u32 @!p0 $0xF7A, s2;
	p2 =	seq.s32 @!p0 s5, $0x0  }
0x1f: {  	s9 =	smul.u32 $0xF7A, s1;
	s8 =	simm.s32 @!p0 $0x1BF5;
	p2 =	por !p2, p0  }
0x20: {  	[sflag:s8] =	ssyncset.s32 @!p0 $0xFFFFF086;
	s6 =	sadd.s32 @!p0 s3, s7;
	s7 =	simm.s32 @!p0 $0x108  }
0x21: {  	s3 =	sadd.s32 s3, s9;
	s6 =	sadd.s32 @!p0 $0x88, s6;
	s7 =	simm.s32 @p2 $0x1082  }
0x22: {  	[simem:s7], [sflag:s8] =	dma.local @!p0 [hbm:s6], $0xF7A  }
0x23: {  	s9 =	sor.u32 $0xD0000000, s2;
	s6 =	simm.s32 $0x108;
	_ =	swait.ge @!p0 [sflag:s8], $0x0  }
0x24: {  	s3 =	sadd.s32 $0x88, s3;
	s6 =	simm.s32 @!p1 $0x1082;
	[sflag:s4] =	ssyncset.s32 $0xFFFFF086  }
0x25: {  	[simem:s6], [sflag:s4] =	dma.local [hbm:s3], $0xF7A  }
0x26: {  	[smem:$0x3F95] =	sst s1;
	(tag) =	ssettag s2;
	_ =	strace s9  }
0x27: {  	s1 =	sld [smem:$0x3FA5]  }
0x28: {  	s2 =	sld [smem:$0x3FA6]  }
0x29: {  	s4 =	sld [smem:$0x3FA8]  }
0x2a: {  	p0 =	seq.s32 s5, $0x0;
	s5 =	sld [smem:$0x3FA9]  }
0x2b: {  	s6 =	sld [smem:$0x3FAA]  }
0x2c: {  	s7 =	sld [smem:$0x3FAB]  }
0x2d: {  	s3 =	simm.s32 $0x108;
	s8 =	sld [smem:$0x3FAC]  }
0x2e: {  	s3 =	simm.s32 @!p0 $0x1082;
	s9 =	sld [smem:$0x3FAD]  }
0x2f: {  	lr =	sadd.s32 s0, s3;
	s0 =	sld [smem:$0x3FA4]  }
0x30: {  	s3 =	sld [smem:$0x3FA7]  }
0x31: {  	[smem:$0x3FB0] =	sst s10  }
0x32: {  	s10 =	sld [smem:$0x3FAE];
	_ =	sdelay $0x3  }
0x33: {  	p0 =	seq.s32 s10, $0x1;
	s10 =	sld [smem:$0x3FB0];
	_ =	sdelay $0x3  }
0x34: {  	[smem:$0x3FB0] =	sst s10  }
0x35: {  	s10 =	sld [smem:$0x3FAF];
	_ =	sdelay $0x3  }
0x36: {  	p1 =	seq.s32 s10, $0x1;
	s10 =	sld [smem:$0x3FB0];
	_ =	sdelay $0x3  }
0x37: {  	[smem:$0x3FB0] =	sst s10  }
0x38: {  	s10 =	sld [smem:$0x3FB1]  }
0x39: {  	_ = 	snop;
	(pc) =	sbr.ind lr, $3  }
0x3a: {  	_ = 	snop  }
0x3b: {  	_ = 	snop  }
0x3c: {  	p2 =	seq.s32 s10, $0x1;
	s10 =	sld [smem:$0x3FB0]  }
0x3d: {  	_ =	shalt  }
0x3e: {  	_ =	shalt  }
0x3f: {  	_ =	shalt  }
0x40: {  	_ =	shalt  }
0x41: {  	_ =	shalt  }
0x42: {  	_ =	shalt  }
0x43: {  	_ =	shalt  }
0x44: {  	_ =	shalt  }
0x45: {  	_ =	shalt  }
0x46: {  	_ =	shalt  }
0x47: {  	_ =	shalt  }
0x48: {  	_ =	shalt  }
0x49: {  	_ =	shalt  }
0x4a: {  	_ =	shalt  }
0x4b: {  	_ =	shalt  }
0x4c: {  	_ =	shalt  }
0x4d: {  	_ =	shalt  }
0x4e: {  	_ =	shalt  }
0x4f: {  	_ =	shalt  }
0x50: {  	_ =	shalt  }
0x51: {  	_ =	shalt  }
0x52: {  	_ =	shalt  }
0x53: {  	_ =	shalt  }
0x54: {  	_ =	shalt  }
0x55: {  	_ =	shalt  }
0x56: {  	_ =	shalt  }
0x57: {  	_ =	shalt  }
0x58: {  	_ =	shalt  }
0x59: {  	_ =	shalt  }
0x5a: {  	_ =	shalt  }
0x5b: {  	_ =	shalt  }
0x5c: {  	_ =	shalt  }
0x5d: {  	_ =	shalt  }
0x5e: {  	_ =	shalt  }
0x5f: {  	_ =	shalt  }
0x60: {  	_ =	shalt  }
0x61: {  	_ =	shalt  }
0x62: {  	_ =	shalt  }
0x63: {  	_ =	shalt  }
0x64: {  	_ =	shalt  }
0x65: {  	_ =	shalt  }
0x66: {  	_ =	shalt  }
0x67: {  	_ =	shalt  }
0x68: {  	_ =	shalt  }
0x69: {  	_ =	shalt  }
0x6a: {  	_ =	shalt  }
0x6b: {  	_ =	shalt  }
0x6c: {  	_ =	shalt  }
0x6d: {  	_ =	shalt  }
0x6e: {  	_ =	shalt  }
0x6f: {  	_ =	shalt  }
0x70: {  	_ =	shalt  }
0x71: {  	_ =	shalt  }
0x72: {  	_ =	shalt  }
0x73: {  	_ =	shalt  }
0x74: {  	_ =	shalt  }
0x75: {  	_ =	shalt  }
0x76: {  	_ =	shalt  }
0x77: {  	_ =	shalt  }
0x78: {  	_ =	shalt  }
0x79: {  	_ =	shalt  }
0x7a: {  	_ =	shalt  }
0x7b: {  	_ =	shalt  }
0x7c: {  	_ =	shalt  }
0x7d: {  	_ =	shalt  }
0x7e: {  	_ =	shalt  }
0x7f: {  	_ =	shalt  }
0x80: {  	_ =	shalt  }
0x81: {  	_ =	shalt  }
0x82: {  	_ =	shalt  }
0x83: {  	_ =	shalt  }
0x84: {  	_ =	shalt  }
0x85: {  	_ =	shalt  }
0x86: {  	_ =	shalt  }
0x87: {  	_ =	shalt  }
.Lfunc_end0:
.L_simem_size_0:
called_computation.1_lowered:
.L_overlay_start_0:
0x88: {  	s2 =	sld [smem:$0x3FD9]  }
0x89: {  	s3 =	sld [smem:$0x3FFE];
	_ =	sdelay $0x1  }
0x8a: {  	s1 =	srdreg.scid  }
0x8b: {  	s0 =	sand.u32 $0x1, s1  }
0x8c: {  	s17 =	sshll.u32 s0, $0xA;
	s2 =	sadd.s32 s3, s2  }
0x8d: {  	s2 =	sadd.s32 s2, s17  }
0x8e: {  	[smem:$0x3FBC] =	sst s2  }
0x8f: {  	_ = 	snop  }
0x90: {  	s2 =	sld [smem:$0x3FC9]  }
0x91: {  	s18 =	sld [smem:$0x3FD0];
	(tm) =	ssettm $0x1  }
0x92: {  	s4 =	sld [smem:$0x3FFB];
	_ =	sdelay $0x3  }
0x93: {  	_ =	strace s4  }
0x94: {  	s4 =	sld [smem:$0x3FFC];
	_ =	sdelay $0x3  }
0x95: {  	_ =	strace s4  }
0x96: {  	s4 =	sld [smem:$0x3FFD];
	_ =	sdelay $0x3  }
0x97: {  	_ =	strace s4  }
0x98: {  	_ =	strace $0x8FFFFFFF  }
0x99: {  	s19 =	sld [smem:$0x3FDB];
	_ =	sdelay $0x1  }
0x9a: {  	s5 =	simm.s32 $_scs_section_size  }
0x9b: {  	s6 =	simm.s32 $_size__tile_overlayer_lowered;
	s7 =	simm.s32 $_tile_overlayer_lowered  }
0x9c: {  	s22 =	simm.s32 $0x1BFF;
	s21 =	sshll.u32 s7, $0x1;
	s4 =	sadd.s32 s5, s19  }
0x9d: {  	s8 =	simm.s32 $0x0;
	s20 =	sshll.u32 s6, $0x1;
	s6 =	sadd.s32 s21, s4  }
0x9e: {  	[timem:s8], [sflag:s22] =	dma.local [hbm:s6], s20  }
0x9f: {  	_ =	swait.ge [sflag:s22], s20  }
0xa0: {  	s5 =	ssub.s32 $0x0, s20;
	[sflag:s22] =	ssyncset.done $0x0  }
0xa1: {  	[sflag:s22] =	ssyncadd.s32 s5;
	_ =	sdelay $0x1  }
0xa2: {  	s23 =	simm.s32 $0x1B8B  }
0xa3: {  	_ =	swait.ge [sflag:s23], $0x1  }
0xa4: {  	[sflag:s23] =	ssyncset.done $0x0  }
0xa5: {  	s25 =	simm.s32 $0x1B8E;
	s24 =	sld [smem:$0x3FFE];
	[sflag:s23] =	ssyncadd.s32 $0xFFFFFFFF  }
0xa6: {  	s26 =	simm.s32 $execute0_lowered;
	[smem:$0x3FD2] =	sst s25  }
0xa7: {  	s6 =	sshll.u32 s26, $0x1;
	_ =	strace $0x80000046;
	[dreg:$0x1] =	wrdreg $0xFFFFFFFF  }
0xa8: {  	s28 =	simm.s32 $_size_execute0_lowered;
	s4 =	sadd.s32 s4, s6;
	[dreg:$0x0] =	wrdreg $0x0  }
0xa9: {  	s6 =	sshll.u32 s28, $0x1;
	[dreg:$0x2] =	wrdreg s4  }
0xaa: {  	[dreg:$0x3] =	wrdreg s6  }
0xab: {  	[dreg:$0x4] =	wrdreg $0xC0  }
0xac: {  	_ =	task [dreg:s8], $0x5FFFF  }
0xad: {  	[dreg:$0x1] =	wrdreg $0xFFFFFFFF  }
0xae: {  	[dreg:$0x0] =	wrdreg $0x60  }
0xaf: {  	[dreg:$0x2] =	wrdreg s2  }
0xb0: {  	[dreg:$0x3] =	wrdreg s18  }
0xb1: {  	[dreg:$0x4] =	wrdreg s24  }
0xb2: {  	[dreg:$0x5] =	wrdreg $0x7B000  }
0xb3: {  	[dreg:$0x6] =	wrdreg $0xA  }
0xb4: {  	_ =	task.clear_ibuf [dreg:s8], $0x7FFFF;
	_ =	strace $0x90000046  }
0xb5: {  	s29 =	simm.s32 $0xA;
	_ =	strace $0x80000048  }
0xb6: {  	_ =	swait.ge [sflag:s29], $0x1  }
0xb7: {  	[sflag:s29] =	ssyncadd.s32 $0xFFFFFFFF  }
0xb8: {  	_ =	strace $0x90000048  }
0xb9: {  	_ =	sfence  }
0xba: {  	s30 =	sld [smem:$0x0];
	_ =	sdelay $0x2  }
0xbb: {  	s31 =	sshll.u32 s1, $0xD;
	s1 =	sshrl.u32 s1, $0x2  }
0xbc: {  	s3 =	sand.u32 $0x4000, s31;
	s1 =	sadd.s32 s1, s30  }
0xbd: {  	s0 =	sor.u32 s3, s0;
	s1 =	sshll.u32 s1, $0x11  }
0xbe: {  	s0 =	sor.u32 s1, s0  }
0xbf: {  	s0 =	sadd.s32 $0x8F2B, s0  }
0xc0: {  	[sflag:s0] =	ssyncadd.remote.s32 $0x1  }
0xc1: {  	_ =	sfence.sel $0xFFFF  }
0xc2: {  	[dreg:$0x0] =	wrdreg $0xFFFFFFFF;
	(pc) =	sbr.abs _section_cstart, $3  }
0xc3: {  	[dreg:$0x1] =	wrdreg $0xFFFFFFFF  }
0xc4: {  	_ =	task.clear_ibuf [dreg:s8], $0x2FFFF;
	_ =	strace $0x9FFFFFFF  }
0xc5: {  	(tm) =	ssettm $0x7FFFFFFF  }
tec
execute0_lowered:
.L_overlay_start_1:
0x0: {  	(tag) =	ssettag $0x1  }
0x1: {  	s1 =	rddreg [dreg:$0x0]  }
0x2: {  	s26 =	rddreg [dreg:$0x1]  }
0x3: {  	s0 =	rddreg [dreg:$0x2]  }
0x4: {  	s4 =	rddreg [dreg:$0x3]  }
0x5: {  	s11 =	stileid.u32;
	s2 =	srdreg.scid;
	s5 =	simm.s32 $0x0  }
0x6: {  	s30 =	simm.s32 $0x280;
	s31 =	simm.s32 $0x300;
	s3 =	smul.u32 $0x278, s11  }
0x7: {  	s2 =	sand.u32 $0x1, s2;
	[smem:$0x7FF] =	sst s5;
	s23 =	smul.u32 $0x280, s11  }
0x8: {  	s6 =	sadd.s32 $0x2800, s0;
	s9 =	sshll.u32 s11, $0xE;
	s7 =	smul.u32 $0x138800, s2  }
0x9: {  	_ =	strace $0x80000047;
	s8 =	sshll.u32 s2, $0x12;
	s2 =	ssub.s32 $0x2, s2  }
0xa: {  	s3 =	smin.u32 s3, $0x2498;
	s21 =	sshrl.u32 s2, $0x1;
	s29 =	smin.u32 s23, $0x26C0  }
0xb: {  	s11 =	sor.u32 $0x50, s23;
	s12 =	smin.u32 s23, $0x2620;
	s13 =	smin.u32 s23, $0x25D0  }
0xc: {  	s17 =	smin.u32 s23, $0x2580;
	s18 =	smin.u32 s23, $0x2530;
	s19 =	smin.u32 s23, $0x24E0  }
0xd: {  	s23 =	smin.u32 s23, $0x2490;
	s3 =	sshll.u32 s3, $0x7;
	s2 =	ssub.s32 s2, s21  }
0xe: {  	s7 =	sadd.s32 s7, s3;
	s5 =	sadd.s32 s3, s4;
	s2 =	smax.u32 s2, $0x1  }
0xf: {  	s3 =	sshll.u32 s12, $0x7;
	s12 =	simm.s32 $0x180;
	s10 =	sshrl.u32 s7, $0x3  }
0x10: {  	s7 =	sor.u32 s9, s8;
	[dreg:$0xb] =	wrdreg s2;
	s2 =	smin.u32 s11, $0x26C0  }
0x11: {  	s14 =	sadd.s32 s3, s4;
	s3 =	sshll.u32 s18, $0x7;
	s11 =	simm.s32 $0x2  }
0x12: {  	s18 =	simm.s32 $0x3;
	s0 =	sadd.s32 s10, s0;
	s9 =	sshrl.u32 s7, $0x3  }
0x13: {  	s2 =	sshll.u32 s2, $0x7;
	s20 =	sadd.s32 s3, s4;
	s24 =	sadd.s32 s6, s9  }
0x14: {  	s22 =	sor.u32 $0x10, s9;
	s9 =	sadd.s32 s26, s9;
	[dreg:$0x5] =	wrdreg s24  }
0x15: {  	s10 =	simm.s32 $0x50;
	s0 =	sadd.s32 $0x12800, s0;
	[dreg:$0x6] =	wrdreg s9  }
0x16: {  	s2 =	sadd.s32 s2, s4;
	s25 =	sadd.s32 s26, s22;
	[dreg:$0xa] =	wrdreg s0  }
0x17: {  	s8 =	sadd.s32 s6, s22;
	s28 =	sadd.s32 $0x20, s9;
	[dreg:$0xd] =	wrdreg s2  }
0x18: {  	s2 =	sadd.s32 $0x5000, s14;
	s24 =	sor.u32 $0x200, s7;
	[dreg:$0x7] =	wrdreg s25  }
0x19: {  	s0 =	sshrl.u32 s5, $0x3;
	s14 =	simm.s32 $0x2B00;
	[dreg:$0x8] =	wrdreg s8  }
0x1a: {  	s5 =	simm.s32 $0x50;
	[dreg:$0x9] =	wrdreg s28;
	s8 =	sshll.u32 s29, $0x7  }
0x1b: {  	[dreg:$0xe] =	wrdreg s2;
	s2 =	sshll.u32 s17, $0x7;
	s25 =	sor.u32 $0x180, s7  }
0x1c: {  	s3 =	sshrl.u32 s24, $0x3;
	[dreg:$0x16] =	wrdreg s0;
	s0 =	simm.s32 $0x1  }
0x1d: {  	s17 =	simm.s32 $0xC;
	s9 =	sadd.s32 s8, s4;
	s8 =	sshll.u32 s13, $0x7  }
0x1e: {  	s2 =	sadd.s32 s2, s4;
	s28 =	sadd.s32 s3, s26;
	s13 =	simm.s32 $0x80  }
0x1f: {  	[dreg:$0xc] =	wrdreg s9;
	s15 =	sadd.s32 s8, s4;
	s8 =	sshll.u32 s19, $0x7  }
0x20: {  	s2 =	sadd.s32 $0xA000, s2;
	[dreg:$0x14] =	wrdreg s28;
	s19 =	simm.s32 $0x100  }
0x21: {  	s9 =	simm.s32 $0x7;
	s16 =	sadd.s32 $0x7800, s15;
	[dreg:$0x10] =	wrdreg s2  }
0x22: {  	s21 =	sadd.s32 s8, s4;
	s2 =	sadd.s32 $0xC800, s20;
	s8 =	sshrl.u32 s25, $0x3  }
0x23: {  	s15 =	simm.s32 $0x5300;
	s20 =	simm.s32 $0x8;
	[dreg:$0xf] =	wrdreg s16  }
0x24: {  	s25 =	simm.s32 $0x200;
	[dreg:$0x11] =	wrdreg s2;
	s22 =	sadd.s32 $0xF000, s21  }
0x25: {  	s2 =	sshll.u32 s23, $0x7;
	s29 =	sadd.s32 s8, s26;
	s16 =	simm.s32 $0x4  }
0x26: {  	s21 =	simm.s32 $0x5;
	[dreg:$0x12] =	wrdreg s22;
	s2 =	sadd.s32 s2, s4  }
0x27: {  	s8 =	simm.s32 $0x0;
	[dreg:$0x15] =	wrdreg s29;
	s2 =	sadd.s32 $0x11800, s2  }
0x28: {  	v0 =	vimm.f32 $0.0e+00;
	s22 =	simm.s32 $0xA;
	[dreg:$0x13] =	wrdreg s2;
	s2 =	simm.s32 $0xD  }
.LBB2_1:
0x29: {  	[dreg:$0x17] =	wrdreg s8;
	s3 =	simm.s32 $0x0;
	s8 =	simm.s32 $0x200  }
.LBB2_2:
0x2a: {  	p0 =	sne.s32 s8, $0x9E00;
	[tilespmem:s3+$0x370] =	vst v0  }
0x2b: {  	[tilespmem:s3+$0x300] =	vst v0  }
0x2c: {  	[tilespmem:s3+$0x310] =	vst v0  }
.Ltmp0:
0x2d: {  	[tilespmem:s3+$0x320] =	vst v0;
	(pc) =	sbr.rel @p0 .LBB2_2-.Ltmp0, $4  }
0x2e: {  	[tilespmem:s3+$0x330] =	vst v0  }
0x2f: {  	[tilespmem:s3+$0x340] =	vst v0  }
0x30: {  	[tilespmem:s3+$0x350] =	vst v0  }
0x31: {  	[tilespmem:s3+$0x360] =	vst v0;
	s3 =	sshra.s32 s8, $0x2;
	s8 =	sadd.s32 $0x200, s8  }
0x32: {  	[tilespmem:s3+$0x370] =	vst v0  }
0x33: {  	[tilespmem:s3+$0x300] =	vst v0  }
0x34: {  	[tilespmem:s3+$0x310] =	vst v0  }
0x35: {  	[tilespmem:s3+$0x320] =	vst v0  }
0x36: {  	[tilespmem:s3+$0x330] =	vst v0  }
0x37: {  	[tilespmem:s3+$0x340] =	vst v0  }
0x38: {  	[tilespmem:s3+$0x350] =	vst v0  }
0x39: {  	[tilespmem:s3+$0x360] =	vst v0;
	s3 =	simm.s32 $0x0;
	s8 =	simm.s32 $0x200  }
.LBB2_4:
0x3a: {  	p0 =	sne.s32 s8, $0x9E00;
	[tilespmem:s3+$0x2B70] =	vst v0  }
0x3b: {  	[tilespmem:s3+$0x2B00] =	vst v0  }
0x3c: {  	[tilespmem:s3+$0x2B10] =	vst v0  }
.Ltmp1:
0x3d: {  	[tilespmem:s3+$0x2B20] =	vst v0;
	(pc) =	sbr.rel @p0 .LBB2_4-.Ltmp1, $4  }
0x3e: {  	[tilespmem:s3+$0x2B30] =	vst v0  }
0x3f: {  	[tilespmem:s3+$0x2B40] =	vst v0  }
0x40: {  	[tilespmem:s3+$0x2B50] =	vst v0  }
0x41: {  	[tilespmem:s3+$0x2B60] =	vst v0;
	s3 =	sshra.s32 s8, $0x2;
	s8 =	sadd.s32 $0x200, s8  }
0x42: {  	[tilespmem:s3+$0x2B70] =	vst v0  }
0x43: {  	[tilespmem:s3+$0x2B00] =	vst v0  }
0x44: {  	[tilespmem:s3+$0x2B10] =	vst v0  }
0x45: {  	[tilespmem:s3+$0x2B20] =	vst v0  }
0x46: {  	[tilespmem:s3+$0x2B30] =	vst v0  }
0x47: {  	[tilespmem:s3+$0x2B40] =	vst v0  }
0x48: {  	[tilespmem:s3+$0x2B50] =	vst v0  }
0x49: {  	[tilespmem:s3+$0x2B60] =	vst v0;
	s3 =	simm.s32 $0x0;
	s8 =	simm.s32 $0x200  }
.LBB2_6:
0x4a: {  	p0 =	sne.s32 s8, $0x9E00;
	[tilespmem:s3+$0x5370] =	vst v0  }
0x4b: {  	[tilespmem:s3+$0x5300] =	vst v0  }
0x4c: {  	[tilespmem:s3+$0x5310] =	vst v0  }
.Ltmp2:
0x4d: {  	[tilespmem:s3+$0x5320] =	vst v0;
	(pc) =	sbr.rel @p0 .LBB2_6-.Ltmp2, $4  }
0x4e: {  	[tilespmem:s3+$0x5330] =	vst v0  }
0x4f: {  	[tilespmem:s3+$0x5340] =	vst v0  }
0x50: {  	[tilespmem:s3+$0x5350] =	vst v0  }
0x51: {  	[tilespmem:s3+$0x5360] =	vst v0;
	s3 =	sshra.s32 s8, $0x2;
	s8 =	sadd.s32 $0x200, s8  }
0x52: {  	[tilespmem:s3+$0x5370] =	vst v0  }
0x53: {  	[tilespmem:s3+$0x5300] =	vst v0  }
0x54: {  	[tilespmem:s3+$0x5310] =	vst v0  }
0x55: {  	[tilespmem:s3+$0x5320] =	vst v0  }
0x56: {  	[tilespmem:s3+$0x5330] =	vst v0  }
0x57: {  	[tilespmem:s3+$0x5340] =	vst v0  }
0x58: {  	[tilespmem:s3+$0x5350] =	vst v0  }
0x59: {  	[tilespmem:s3+$0x5360] =	vst v0;
	s24 =	simm.s32 $0x0;
	s3 =	rddreg [dreg:$0x5]  }
0x5a: {  	[tilespmem:s30], [sflag:$0xD] =	stream.linear.gather [hbm4b:s3+s24], $0x80, $0x38;
	[tilespmem:$0x1B380] =	vst v63  }
0x5b: {  	_ =	swait.ge [sflag:s2], $0x80  }
0x5c: {  	[sflag:s2] =	ssyncset.done $0x0  }
0x5d: {  	s8 =	rddreg [dreg:$0xc];
	[sflag:s2] =	ssyncadd.s32 $0xFFFFFF80  }
0x5e: {  	[spmem:s8] =	stream.linear.scatter [tilespmem:s31], [sflag:$0xD], $0x2800, $0x38;
	[tilespmem:$0x1B380] =	vst v63  }
0x5f: {  	_ =	swait.ge [sflag:s2], $0x2800  }
0x60: {  	[sflag:s2] =	ssyncset.done $0x0  }
0x61: {  	s29 =	rddreg [dreg:$0xd];
	[sflag:s2] =	ssyncadd.s32 $0xFFFFD800  }
0x62: {  	[spmem:s29] =	stream.linear.scatter [tilespmem:s31], [sflag:$0xD], $0x2800, $0x38;
	[tilespmem:$0x1B380] =	vst v63  }
0x63: {  	_ =	swait.ge [sflag:s2], $0x2800  }
0x64: {  	[sflag:s2] =	ssyncset.done $0x0  }
0x65: {  	s23 =	rddreg [dreg:$0xe];
	[sflag:s2] =	ssyncadd.s32 $0xFFFFD800  }
0x66: {  	[spmem:s23] =	stream.linear.scatter [tilespmem:s31], [sflag:$0xD], $0x2800, $0x38;
	[tilespmem:$0x1B380] =	vst v63  }
0x67: {  	_ =	swait.ge [sflag:s2], $0x2800  }
0x68: {  	[sflag:s2] =	ssyncset.done $0x0  }
0x69: {  	s29 =	rddreg [dreg:$0xf];
	[sflag:s2] =	ssyncadd.s32 $0xFFFFD800  }
0x6a: {  	[spmem:s29] =	stream.linear.scatter [tilespmem:s31], [sflag:$0xD], $0x2800, $0x38;
	[tilespmem:$0x1B380] =	vst v63  }
0x6b: {  	_ =	swait.ge [sflag:s2], $0x2800  }
0x6c: {  	[sflag:s2] =	ssyncset.done $0x0  }
0x6d: {  	s23 =	rddreg [dreg:$0x10];
	[sflag:s2] =	ssyncadd.s32 $0xFFFFD800  }
0x6e: {  	[spmem:s23] =	stream.linear.scatter [tilespmem:s31], [sflag:$0xD], $0x2800, $0x38;
	[tilespmem:$0x1B380] =	vst v63  }
0x6f: {  	_ =	swait.ge [sflag:s2], $0x2800  }
0x70: {  	[sflag:s2] =	ssyncset.done $0x0  }
0x71: {  	s29 =	rddreg [dreg:$0x11];
	[sflag:s2] =	ssyncadd.s32 $0xFFFFD800  }
0x72: {  	[spmem:s29] =	stream.linear.scatter [tilespmem:s31], [sflag:$0xD], $0x2800, $0x38;
	[tilespmem:$0x1B380] =	vst v63  }
0x73: {  	_ =	swait.ge [sflag:s2], $0x2800  }
0x74: {  	[sflag:s2] =	ssyncset.done $0x0  }
0x75: {  	s23 =	rddreg [dreg:$0x12];
	[sflag:s2] =	ssyncadd.s32 $0xFFFFD800  }
0x76: {  	[spmem:s23] =	stream.linear.scatter [tilespmem:s31], [sflag:$0xD], $0x2800, $0x38;
	[tilespmem:$0x1B380] =	vst v63  }
0x77: {  	_ =	swait.ge [sflag:s2], $0x2800  }
0x78: {  	[sflag:s2] =	ssyncset.done $0x0  }
0x79: {  	s29 =	rddreg [dreg:$0x13];
	[sflag:s2] =	ssyncadd.s32 $0xFFFFD800  }
0x7a: {  	[spmem:s29] =	stream.linear.scatter [tilespmem:s31], [sflag:$0xD], $0x2800, $0x38;
	[tilespmem:$0x1B380] =	vst v63  }
0x7b: {  	_ =	swait.ge [sflag:s2], $0x2800  }
0x7c: {  	[sflag:s2] =	ssyncset.done $0x0  }
0x7d: {  	[sflag:s2] =	ssyncadd.s32 $0xFFFFD800  }
0x7e: {  	[bflag:$0x0] =	sbarrier.arrive $0xFFFF  }
0x7f: {  	s2 =	rddreg [dreg:$0x6]  }
0x80: {  	[tilespmem:s24], [sflag:$0x1] =	stream.linear.gather [hbm4b:s2+s24], $0x80, $0x38;
	[tilespmem:$0x1B380] =	vst v63  }
0x81: {  	_ = 	snop  }
0x82: {  	[tilespmem:s12], [sflag:$0x4] =	stream.linear.gather [hbm4b:s3+s24], $0x80, $0x38;
	[tilespmem:$0x1B380] =	vst v63  }
0x83: {  	s8 =	rddreg [dreg:$0x7]  }
0x84: {  	[tilespmem:s13], [sflag:$0x2] =	stream.linear.gather [hbm4b:s8+s24], $0x80, $0x38;
	[tilespmem:$0x1B380] =	vst v63  }
0x85: {  	s23 =	rddreg [dreg:$0x8];
	s3 =	simm.s32 $0x200  }
0x86: {  	[tilespmem:s3], [sflag:$0x5] =	stream.linear.gather [hbm4b:s23+s24], $0x80, $0x38;
	[tilespmem:$0x1B380] =	vst v63  }
0x87: {  	s29 =	rddreg [dreg:$0x9]  }
0x88: {  	[tilespmem:s19], [sflag:$0x3] =	stream.linear.gather [hbm4b:s29+s24], $0x80, $0x38;
	[tilespmem:$0x1B380] =	vst v63  }
0x89: {  	_ =	swait.ge [sflag:s0], $0x80  }
0x8a: {  	[sflag:s0] =	ssyncset.done $0x0  }
0x8b: {  	[sflag:s0] =	ssyncadd.s32 $0xFFFFFF80  }
0x8c: {  	[tilespmem:s31], [sflag:$0x7] =	stream.indirect.gather [hbm4b:s1+s10], $0x80, s24, s10, $0xb8;
	[tilespmem:$0x1B380] =	vst v63  }
0x8d: {  	_ =	swait.ge [sflag:s11], $0x80  }
0x8e: {  	[sflag:s11] =	ssyncset.done $0x0  }
0x8f: {  	[sflag:s11] =	ssyncadd.s32 $0xFFFFFF80  }
0x90: {  	[tilespmem:s14], [sflag:$0x8] =	stream.indirect.gather [hbm4b:s1+s10], $0x80, s13, s10, $0xb8;
	[tilespmem:$0x1B380] =	vst v63  }
0x91: {  	_ = 	snop  }
0x92: {  	[spmem:s4] =	stream.indirect.scatter.add.f32 [tilespmem:s15], [sflag:$0xC], $0x80, s30, s10, $0xb8;
	[tilespmem:$0x1B380] =	vst v63  }
0x93: {  	_ =	swait.ge [sflag:s9], $0x2800  }
0x94: {  	[sflag:s9] =	ssyncset.done $0x0  }
0x95: {  	[sflag:s9] =	ssyncadd.s32 $0xFFFFD800  }
0x96: {  	s2 =	simm.s32 $0x100;
	_ =	swait.ge [sflag:s16], $0x80  }
0x97: {  	s23 =	sand.u32 $0xFC00, s2;
	[sflag:s16] =	ssyncset.done $0x0  }
0x98: {  	s8 =	sand.u32 $0x380, s2;
	s23 =	sadd.s32 s7, s23;
	[sflag:s16] =	ssyncadd.s32 $0xFFFFFF80  }
0x99: {  	[spmem:s4] =	stream.indirect.scatter.add.f32 [tilespmem:s31], [sflag:$0xA], $0x80, s12, s10, $0xb8;
	[tilespmem:$0x1B380] =	vst v63  }
0x9a: {  	s8 =	sor.u32 s8, s23;
	_ =	swait.ge [sflag:s17], $0x2800  }
0x9b: {  	s8 =	sshrl.u32 s8, $0x3;
	[sflag:s17] =	ssyncset.done $0x0  }
0x9c: {  	s8 =	sadd.s32 s6, s8;
	s16 =	simm.s32 $0x0;
	[sflag:s17] =	ssyncadd.s32 $0xFFFFD800  }
0x9d: {  	[tilespmem:s30], [sflag:$0x6] =	stream.linear.gather [hbm4b:s8+s16], $0x80, $0x38;
	[tilespmem:$0x1B380] =	vst v63  }
0x9e: {  	s29 =	rddreg [dreg:$0x15]  }
0x9f: {  	[tilespmem:s16], [sflag:$0x1] =	stream.linear.gather [hbm4b:s29+s16], $0x80, $0x38;
	[tilespmem:$0x1B380] =	vst v63  }
0xa0: {  	_ =	swait.ge [sflag:s18], $0x80  }
0xa1: {  	[sflag:s18] =	ssyncset.done $0x0  }
0xa2: {  	[sflag:s18] =	ssyncadd.s32 $0xFFFFFF80  }
0xa3: {  	[tilespmem:s15], [sflag:$0x9] =	stream.indirect.gather [hbm4b:s1+s10], $0x80, s19, s10, $0xb8;
	[tilespmem:$0x1B380] =	vst v63  }
0xa4: {  	_ =	swait.ge [sflag:s20], $0x2800  }
0xa5: {  	[sflag:s20] =	ssyncset.done $0x0  }
0xa6: {  	[sflag:s20] =	ssyncadd.s32 $0xFFFFD800  }
0xa7: {  	s9 =	simm.s32 $0x180;
	_ =	swait.ge [sflag:s21], $0x80  }
0xa8: {  	s11 =	sand.u32 $0xFC00, s9;
	[sflag:s21] =	ssyncset.done $0x0  }
0xa9: {  	s23 =	sadd.s32 s7, s11;
	s8 =	sand.u32 $0x380, s9;
	[sflag:s21] =	ssyncadd.s32 $0xFFFFFF80  }
0xaa: {  	[spmem:s4] =	stream.indirect.scatter.add.f32 [tilespmem:s14], [sflag:$0xB], $0x80, s25, s10, $0xb8;
	[tilespmem:$0x1B380] =	vst v63  }
0xab: {  	s8 =	sor.u32 s8, s23;
	_ =	swait.ge [sflag:s22], $0x2800  }
0xac: {  	s8 =	sshrl.u32 s8, $0x3;
	[sflag:s22] =	ssyncset.done $0x0  }
0xad: {  	s8 =	sadd.s32 s6, s8;
	[sflag:s22] =	ssyncadd.s32 $0xFFFFD800  }
0xae: {  	[tilespmem:s12], [sflag:$0x4] =	stream.linear.gather [hbm4b:s8+s16], $0x80, $0x38;
	[tilespmem:$0x1B380] =	vst v63  }
0xaf: {  	s11 =	simm.s32 $0x1;
	s15 =	simm.s32 $0x80;
	s28 =	rddreg [dreg:$0x14]  }
0xb0: {  	[tilespmem:s15], [sflag:$0x2] =	stream.linear.gather [hbm4b:s28+s16], $0x80, $0x38;
	[tilespmem:$0x1B380] =	vst v63  }
0xb1: {  	s2 =	smov.u32 s6;
	s0 =	simm.s32 $0xB;
	_ =	swait.ge [sflag:s11], $0x80  }
0xb2: {  	s13 =	simm.s32 $0x5300;
	s17 =	simm.s32 $0x4;
	[sflag:s11] =	ssyncset.done $0x0  }
0xb3: {  	s9 =	simm.s32 $0x7;
	s15 =	simm.s32 $0x9;
	[sflag:s11] =	ssyncadd.s32 $0xFFFFFF80  }
0xb4: {  	[tilespmem:s31], [sflag:$0x7] =	stream.indirect.gather [hbm4b:s1+s5], $0x80, s16, s5, $0xb8;
	[tilespmem:$0x1B380] =	vst v63  }
0xb5: {  	s6 =	smov.u32 s2;
	s18 =	simm.s32 $0x200;
	_ =	swait.ge [sflag:s15], $0x2800  }
0xb6: {  	s19 =	simm.s32 $0x6;
	s20 =	smin.u32 s24, $0x77;
	[sflag:s15] =	ssyncset.done $0x0  }
0xb7: {  	s21 =	simm.s32 $0x8;
	s22 =	sand.u32 $0xFC00, s3;
	[sflag:s15] =	ssyncadd.s32 $0xFFFFD800  }
0xb8: {  	s3 =	sand.u32 $0x380, s3;
	s8 =	sshll.u32 s20, $0x7;
	_ =	swait.ge [sflag:s19], $0x80  }
0xb9: {  	s23 =	sadd.s32 s7, s22;
	s8 =	sadd.s32 $0x280, s8;
	[sflag:s19] =	ssyncset.done $0x0  }
0xba: {  	s3 =	sor.u32 s3, s23;
	s25 =	sand.u32 $0x7C00, s8;
	[sflag:s19] =	ssyncadd.s32 $0xFFFFFF80  }
0xbb: {  	[spmem:s4] =	stream.indirect.scatter.add.f32 [tilespmem:s13], [sflag:$0xC], $0x80, s30, s5, $0xb8;
	[tilespmem:$0x1B380] =	vst v63  }
0xbc: {  	s8 =	sand.u32 $0x380, s8;
	s23 =	sadd.s32 s7, s25;
	_ =	swait.ge [sflag:s0], $0x2800  }
0xbd: {  	s3 =	sshrl.u32 s3, $0x3;
	s8 =	sor.u32 s8, s23;
	[sflag:s0] =	ssyncset.done $0x0  }
0xbe: {  	s3 =	sadd.s32 s2, s3;
	s8 =	sshrl.u32 s8, $0x3;
	[sflag:s0] =	ssyncadd.s32 $0xFFFFD800  }
0xbf: {  	[tilespmem:s18], [sflag:$0x5] =	stream.linear.gather [hbm4b:s3+s16], $0x80, $0x38;
	[tilespmem:$0x1B380] =	vst v63  }
0xc0: {  	s14 =	simm.s32 $0x2;
	s10 =	simm.s32 $0x100;
	s31 =	sadd.s32 s26, s8  }
0xc1: {  	[tilespmem:s10], [sflag:$0x3] =	stream.linear.gather [hbm4b:s31+s16], $0x80, $0x38;
	[tilespmem:$0x1B380] =	vst v63  }
0xc2: {  	s23 =	simm.s32 $0x380;
	s8 =	sadd.s32 $0x30, s29;
	_ =	swait.ge [sflag:s14], $0x80  }
.LBB2_8:
0xc3: {  	[sflag:s14] =	ssyncset.done $0x0;
	s24 =	sadd.s32 $0x3, s24;
	s28 =	sadd.s32 $0x30, s28  }
0xc4: {  	s3 =	smov.u32 s23;
	p0 =	sne.s32 s23, $0x3E00;
	s23 =	sadd.s32 $0x180, s23  }
0xc5: {  	s29 =	simm.s32 $0x2B00;
	s12 =	simm.s32 $0x80;
	[sflag:s14] =	ssyncadd.s32 $0xFFFFFF80  }
0xc6: {  	[tilespmem:s29], [sflag:$0x8] =	stream.indirect.gather [hbm4b:s1+s5], $0x80, s12, s5, $0xb8;
	[tilespmem:$0x1B380] =	vst v63  }
0xc7: {  	_ =	swait.ge [sflag:s9], $0x2800  }
0xc8: {  	[sflag:s9] =	ssyncset.done $0x0  }
0xc9: {  	s31 =	smov.u32 s26;
	s13 =	simm.s32 $0x180;
	[sflag:s9] =	ssyncadd.s32 $0xFFFFD800  }
0xca: {  	s22 =	simm.s32 $0x300;
	s26 =	sadd.s32 $0xFFFFFF00, s3;
	_ =	swait.ge [sflag:s17], $0x80  }
0xcb: {  	s30 =	sand.u32 $0xFC00, s26;
	s26 =	sand.u32 $0x380, s26;
	[sflag:s17] =	ssyncset.done $0x0  }
0xcc: {  	s10 =	simm.s32 $0xC;
	s30 =	sadd.s32 s7, s30;
	[sflag:s17] =	ssyncadd.s32 $0xFFFFFF80  }
0xcd: {  	[spmem:s4] =	stream.indirect.scatter.add.f32 [tilespmem:s22], [sflag:$0xA], $0x80, s13, s5, $0xb8;
	[tilespmem:$0x1B380] =	vst v63  }
0xce: {  	s26 =	sor.u32 s26, s30;
	_ =	swait.ge [sflag:s10], $0x2800  }
0xcf: {  	s26 =	sshrl.u32 s26, $0x3;
	[sflag:s10] =	ssyncset.done $0x0  }
0xd0: {  	s18 =	simm.s32 $0x280;
	s26 =	sadd.s32 s6, s26;
	[sflag:s10] =	ssyncadd.s32 $0xFFFFD800  }
0xd1: {  	[tilespmem:s18], [sflag:$0x6] =	stream.linear.gather [hbm4b:s26+s16], $0x80, $0x38;
	[tilespmem:$0x1B380] =	vst v63  }
0xd2: {  	s6 =	simm.s32 $0x3  }
0xd3: {  	[tilespmem:s16], [sflag:$0x1] =	stream.linear.gather [hbm4b:s8+s16], $0x80, $0x38;
	[tilespmem:$0x1B380] =	vst v63  }
0xd4: {  	_ =	swait.ge [sflag:s6], $0x80  }
0xd5: {  	[sflag:s6] =	ssyncset.done $0x0  }
0xd6: {  	s20 =	simm.s32 $0x100;
	[sflag:s6] =	ssyncadd.s32 $0xFFFFFF80;
	s6 =	simm.s32 $0x5300  }
0xd7: {  	[tilespmem:s6], [sflag:$0x9] =	stream.indirect.gather [hbm4b:s1+s5], $0x80, s20, s5, $0xb8;
	[tilespmem:$0x1B380] =	vst v63  }
0xd8: {  	_ =	swait.ge [sflag:s21], $0x2800  }
0xd9: {  	[sflag:s21] =	ssyncset.done $0x0  }
0xda: {  	s10 =	simm.s32 $0x5;
	s26 =	sadd.s32 $0xFFFFFF80, s3;
	[sflag:s21] =	ssyncadd.s32 $0xFFFFD800  }
0xdb: {  	s25 =	simm.s32 $0x0;
	s30 =	sand.u32 $0xFC00, s26;
	_ =	swait.ge [sflag:s10], $0x80  }
0xdc: {  	s26 =	sand.u32 $0x380, s26;
	s30 =	sadd.s32 s7, s30;
	[sflag:s10] =	ssyncset.done $0x0  }
0xdd: {  	s16 =	simm.s32 $0x200;
	[sflag:s10] =	ssyncadd.s32 $0xFFFFFF80;
	s10 =	simm.s32 $0xA  }
0xde: {  	[spmem:s4] =	stream.indirect.scatter.add.f32 [tilespmem:s29], [sflag:$0xB], $0x80, s16, s5, $0xb8;
	[tilespmem:$0x1B380] =	vst v63  }
0xdf: {  	s26 =	sor.u32 s26, s30;
	_ =	swait.ge [sflag:s10], $0x2800  }
0xe0: {  	s26 =	sshrl.u32 s26, $0x3;
	[sflag:s10] =	ssyncset.done $0x0  }
0xe1: {  	s26 =	sadd.s32 s2, s26;
	[sflag:s10] =	ssyncadd.s32 $0xFFFFD800;
	s10 =	simm.s32 $0x180  }
0xe2: {  	[tilespmem:s13], [sflag:$0x4] =	stream.linear.gather [hbm4b:s26+s25], $0x80, $0x38;
	[tilespmem:$0x1B380] =	vst v63  }
0xe3: {  	s13 =	simm.s32 $0x80  }
0xe4: {  	[tilespmem:s12], [sflag:$0x2] =	stream.linear.gather [hbm4b:s28+s25], $0x80, $0x38;
	[tilespmem:$0x1B380] =	vst v63  }
0xe5: {  	_ =	swait.ge [sflag:s11], $0x80  }
0xe6: {  	[sflag:s11] =	ssyncset.done $0x0  }
0xe7: {  	s12 =	simm.s32 $0x300;
	[sflag:s11] =	ssyncadd.s32 $0xFFFFFF80  }
0xe8: {  	[tilespmem:s22], [sflag:$0x7] =	stream.indirect.gather [hbm4b:s1+s5], $0x80, s25, s5, $0xb8;
	[tilespmem:$0x1B380] =	vst v63  }
0xe9: {  	_ =	swait.ge [sflag:s15], $0x2800  }
0xea: {  	[sflag:s15] =	ssyncset.done $0x0  }
0xeb: {  	[sflag:s15] =	ssyncadd.s32 $0xFFFFD800  }
0xec: {  	s26 =	smin.u32 s24, $0x77;
	_ =	swait.ge [sflag:s19], $0x80  }
0xed: {  	s30 =	sand.u32 $0x380, s3;
	s26 =	sshll.u32 s26, $0x7;
	[sflag:s19] =	ssyncset.done $0x0  }
0xee: {  	s3 =	sand.u32 $0xFC00, s3;
	s26 =	sadd.s32 $0x280, s26;
	[sflag:s19] =	ssyncadd.s32 $0xFFFFFF80  }
0xef: {  	s3 =	sadd.s32 s7, s3;
	s29 =	sand.u32 $0x7C00, s26;
	s26 =	sand.u32 $0x380, s26  }
0xf0: {  	[spmem:s4] =	stream.indirect.scatter.add.f32 [tilespmem:s6], [sflag:$0xC], $0x80, s18, s5, $0xb8;
	[tilespmem:$0x1B380] =	vst v63  }
0xf1: {  	s6 =	smov.u32 s2  }
0xf2: {  	s3 =	sor.u32 s30, s3;
	s29 =	sadd.s32 s7, s29;
	_ =	swait.ge [sflag:s0], $0x2800  }
0xf3: {  	s3 =	sshrl.u32 s3, $0x3;
	s26 =	sor.u32 s26, s29;
	[sflag:s0] =	ssyncset.done $0x0  }
0xf4: {  	s3 =	sadd.s32 s2, s3;
	s26 =	sshrl.u32 s26, $0x3;
	[sflag:s0] =	ssyncadd.s32 $0xFFFFD800  }
0xf5: {  	[tilespmem:s16], [sflag:$0x5] =	stream.linear.gather [hbm4b:s3+s25], $0x80, $0x38;
	[tilespmem:$0x1B380] =	vst v63  }
.Ltmp3:
0xf6: {  	_ = 	snop;
	(pc) =	sbr.rel @p0 .LBB2_8-.Ltmp3, $4  }
0xf7: {  	s29 =	simm.s32 $0x200;
	s16 =	simm.s32 $0x0  }
0xf8: {  	s3 =	sadd.s32 s31, s26;
	s26 =	smov.u32 s31  }
0xf9: {  	[tilespmem:s20], [sflag:$0x3] =	stream.linear.gather [hbm4b:s3+s16], $0x80, $0x38;
	[tilespmem:$0x1B380] =	vst v63  }
0xfa: {  	s8 =	sadd.s32 $0x30, s8;
	_ =	swait.ge [sflag:s14], $0x80  }
0xfb: {  	[sflag:s14] =	ssyncset.done $0x0  }
0xfc: {  	s2 =	simm.s32 $0x2B00;
	[sflag:s14] =	ssyncadd.s32 $0xFFFFFF80  }
0xfd: {  	[tilespmem:s2], [sflag:$0x8] =	stream.indirect.gather [hbm4b:s1+s5], $0x80, s13, s5, $0xb8;
	[tilespmem:$0x1B380] =	vst v63  }
0xfe: {  	_ =	swait.ge [sflag:s9], $0x2800  }
0xff: {  	[sflag:s9] =	ssyncset.done $0x0  }
0x100: {  	[sflag:s9] =	ssyncadd.s32 $0xFFFFD800  }
0x101: {  	_ =	swait.ge [sflag:s17], $0x80  }
0x102: {  	[sflag:s17] =	ssyncset.done $0x0  }
0x103: {  	s3 =	simm.s32 $0xC;
	[sflag:s17] =	ssyncadd.s32 $0xFFFFFF80  }
0x104: {  	[spmem:s4] =	stream.indirect.scatter.add.f32 [tilespmem:s12], [sflag:$0xA], $0x80, s10, s5, $0xb8;
	[tilespmem:$0x1B380] =	vst v63  }
0x105: {  	_ =	swait.ge [sflag:s3], $0x2800  }
0x106: {  	[sflag:s3] =	ssyncset.done $0x0  }
0x107: {  	[sflag:s3] =	ssyncadd.s32 $0xFFFFD800  }
0x108: {  	_ =	swait.ge [sflag:s21], $0x2800  }
0x109: {  	[sflag:s21] =	ssyncset.done $0x0  }
0x10a: {  	s22 =	simm.s32 $0x5;
	[sflag:s21] =	ssyncadd.s32 $0xFFFFD800  }
0x10b: {  	_ =	swait.ge [sflag:s22], $0x80  }
0x10c: {  	[sflag:s22] =	ssyncset.done $0x0  }
0x10d: {  	s23 =	simm.s32 $0xA;
	[sflag:s22] =	ssyncadd.s32 $0xFFFFFF80  }
0x10e: {  	[spmem:s4] =	stream.indirect.scatter.add.f32 [tilespmem:s2], [sflag:$0xB], $0x80, s29, s5, $0xb8;
	[tilespmem:$0x1B380] =	vst v63  }
0x10f: {  	_ =	swait.ge [sflag:s23], $0x2800  }
0x110: {  	[sflag:s23] =	ssyncset.done $0x0  }
0x111: {  	[sflag:s23] =	ssyncadd.s32 $0xFFFFD800  }
0x112: {  	_ =	swait.ge [sflag:s0], $0x2800  }
0x113: {  	[sflag:s0] =	ssyncset.done $0x0  }
0x114: {  	s24 =	simm.s32 $0x3;
	[sflag:s0] =	ssyncadd.s32 $0xFFFFD800  }
0x115: {  	_ =	swait.ge [sflag:s24], $0x80  }
0x116: {  	[sflag:s24] =	ssyncset.done $0x0  }
0x117: {  	[sflag:s24] =	ssyncadd.s32 $0xFFFFFF80  }
0x118: {  	s25 =	stileid.u32;
	[bflag:$0x0] =	sbarrier.arrive $0xFFFF  }
0x119: {  	s3 =	sshll.u32 s25, $0x6;
	s8 =	rddreg [dreg:$0xa]  }
0x11a: {  	s3 =	sor.u32 $0x1C0D, s3;
	s2 =	simm.s32 $0xD;
	s23 =	rddreg [dreg:$0x16]  }
0x11b: {  	[hbm:s8], [sflag:s3] =	dma.local [spmem:s23], $0x2780  }
0x11c: {  	s30 =	simm.s32 $0x280;
	_ =	swait.ge [sflag:s2], $0x2780  }
0x11d: {  	s31 =	simm.s32 $0x300;
	s19 =	simm.s32 $0x100;
	s28 =	rddreg [dreg:$0x17]  }
0x11e: {  	s11 =	simm.s32 $0x2;
	s29 =	rddreg [dreg:$0xb];
	s8 =	sadd.s32 $0x1, s28  }
0x11f: {  	s15 =	simm.s32 $0x5300;
	s16 =	simm.s32 $0x4;
	p0 =	sne.s32 s8, s29  }
.Ltmp4:
0x120: {  	s18 =	simm.s32 $0x3;
	s20 =	simm.s32 $0x8;
	(pc) =	sbr.rel @p0 .LBB2_1-.Ltmp4, $4  }
0x121: {  	s14 =	simm.s32 $0x2B00;
	s13 =	simm.s32 $0x80;
	s9 =	simm.s32 $0x7  }
0x122: {  	s17 =	simm.s32 $0xC;
	s12 =	simm.s32 $0x180;
	s10 =	simm.s32 $0x50  }
0x123: {  	s25 =	simm.s32 $0x200;
	s21 =	simm.s32 $0x5;
	[sflag:s2] =	ssyncset.done $0x0  }
0x124: {  	s22 =	simm.s32 $0xA;
	s0 =	simm.s32 $0x1;
	[sflag:s2] =	ssyncadd.s32 $0xFFFFD880  }
0x125: {  	_ =	sfence.sel $0x180000  }
0x126: {  	[bflag:$0x0] =	sbarrier.arrive $0xFFFF  }
0x127: {  	_ =	strace $0x90000047  }
0x128: {  	s0 =	stileid.u32;
	[bflag:$0x2] =	sbarrier.arrive $0xFFFF  }
0x129: {  	p0 =	sne.s32 s0, $0x0;
	s0 =	rddreg [dreg:$0x4]  }
0x12a: {  	s0 =	sadd.s32 @!p0 $0x100000, s0  }
0x12b: {  	[sflag:s0] =	ssyncadd.tile.s32 @!p0 $0x1;
	_ =	shalt  }
.Lfunc_end2:
_tile_overlayer_lowered:
.L_overlay_start_2:
0x12c: {  	(tag) =	ssettag $0x2  }
0x12d: {  	s0 =	rddreg [dreg:$0x0];
	s2 =	stileid.u32  }
0x12e: {  	s1 =	rddreg [dreg:$0x1];
	p0 =	sne.s32 s2, $0x0  }
0x12f: {  	s3 =	rddreg [dreg:$0x2];
	[bflag:$0x3] =	sbarrier.arrive $0xFFFF;
	s2 =	simm.s32 @!p0 $0x1C0D  }
0x130: {  	[timem:s3], [sflag:s2] =	dma.local @!p0 [hbm:s0], s1  }
0x131: {  	s0 =	simm.s32 @!p0 $0xD  }
0x132: {  	_ =	swait.ge @!p0 [sflag:s0], s1  }
0x133: {  	s1 =	ssub.s32 @!p0 $0x0, s1;
	[sflag:s0] =	ssyncset.done @!p0 $0x0  }
0x134: {  	[sflag:s0] =	ssyncadd.s32 @!p0 s1  }
0x135: {  	[bflag:$0x3] =	sbarrier.arrive $0xFFFF  }
0x136: {  	_ =	shalt  }

// kernel: kernel.13.cloned.1.call-start
scs
__scs_entry_jumppad:
0x0: {  	(pc) =	sbr.rel $0x88, $3  }
0x1: {  	(tag) =	ssettag $0x0;
	lr =	simm.s32 $0x1  }
0x2: {  	[smem:$0x3F95] =	sst lr;
	_ =	strace $0xD0000000  }
0x3: {  	_ = 	snop  }
0x4: {  	_ = 	snop  }
0x5: {  	_ = 	snop  }
0x6: {  	_ = 	snop  }
0x7: {  	_ = 	snop  }
__scs_overlays_trampoline_lowered:
0x8: {  	[smem:$0x3FA4] =	sst s0  }
0x9: {  	[smem:$0x3FA5] =	sst s1  }
0xa: {  	[smem:$0x3FA6] =	sst s2  }
0xb: {  	[smem:$0x3FA7] =	sst s3  }
0xc: {  	[smem:$0x3FA8] =	sst s4  }
0xd: {  	[smem:$0x3FA9] =	sst s5  }
0xe: {  	[smem:$0x3FAA] =	sst s6  }
0xf: {  	[smem:$0x3FAB] =	sst s7  }
0x10: {  	[smem:$0x3FAC] =	sst s8  }
0x11: {  	[smem:$0x3FAD] =	sst s9;
	s0 =	simm.s32 @!p0 $0x0  }
0x12: {  	s1 =	sld [smem:$0x3F93];
	s0 =	simm.s32 @p0 $0x1  }
0x13: {  	[smem:$0x3FAE] =	sst s0;
	s0 =	simm.s32 @!p1 $0x0  }
0x14: {  	s2 =	sld [smem:$0x3F92];
	s0 =	simm.s32 @p1 $0x1  }
0x15: {  	[smem:$0x3FAF] =	sst s0;
	s0 =	simm.s32 @!p2 $0x0  }
0x16: {  	s3 =	sld [smem:$0x3FDB];
	s0 =	simm.s32 @p2 $0x1  }
0x17: {  	s4 =	simm.s32 $0x1BF5;
	[smem:$0x3FB1] =	sst s0  }
0x18: {  	s0 =	sld [smem:$0x3F94];
	_ =	swait.ge [sflag:s4], $0x0  }
0x19: {  	s7 =	sld [smem:$0x3F95]  }
0x1a: {  	s8 =	sadd.s32 $0xFFFFE003, lr  }
0x1b: {  	s9 =	sadd.s32 $0xFFFFFEF7, lr;
	s5 =	simm.s32 $0xFFFFFFFF;
	p2 =	slt.u32 s8, $0xFFFFF086  }
0x1c: {  	p1 =	slt.u32 s9, $0xF7A;
	s5 =	simm.s32 @!p2 $0x0  }
0x1d: {  	s5 =	simm.s32 @p1 $0x1;
	p0 =	seq.s32 s7, s2  }
0x1e: {  	s7 =	smul.u32 @!p0 $0xF7A, s2;
	p2 =	seq.s32 @!p0 s5, $0x0  }
0x1f: {  	s9 =	smul.u32 $0xF7A, s1;
	s8 =	simm.s32 @!p0 $0x1BF5;
	p2 =	por !p2, p0  }
0x20: {  	[sflag:s8] =	ssyncset.s32 @!p0 $0xFFFFF086;
	s6 =	sadd.s32 @!p0 s3, s7;
	s7 =	simm.s32 @!p0 $0x108  }
0x21: {  	s3 =	sadd.s32 s3, s9;
	s6 =	sadd.s32 @!p0 $0x88, s6;
	s7 =	simm.s32 @p2 $0x1082  }
0x22: {  	[simem:s7], [sflag:s8] =	dma.local @!p0 [hbm:s6], $0xF7A  }
0x23: {  	s9 =	sor.u32 $0xD0000000, s2;
	s6 =	simm.s32 $0x108;
	_ =	swait.ge @!p0 [sflag:s8], $0x0  }
0x24: {  	s3 =	sadd.s32 $0x88, s3;
	s6 =	simm.s32 @!p1 $0x1082;
	[sflag:s4] =	ssyncset.s32 $0xFFFFF086  }
0x25: {  	[simem:s6], [sflag:s4] =	dma.local [hbm:s3], $0xF7A  }
0x26: {  	[smem:$0x3F95] =	sst s1;
	(tag) =	ssettag s2;
	_ =	strace s9  }
0x27: {  	s1 =	sld [smem:$0x3FA5]  }
0x28: {  	s2 =	sld [smem:$0x3FA6]  }
0x29: {  	s4 =	sld [smem:$0x3FA8]  }
0x2a: {  	p0 =	seq.s32 s5, $0x0;
	s5 =	sld [smem:$0x3FA9]  }
0x2b: {  	s6 =	sld [smem:$0x3FAA]  }
0x2c: {  	s7 =	sld [smem:$0x3FAB]  }
0x2d: {  	s3 =	simm.s32 $0x108;
	s8 =	sld [smem:$0x3FAC]  }
0x2e: {  	s3 =	simm.s32 @!p0 $0x1082;
	s9 =	sld [smem:$0x3FAD]  }
0x2f: {  	lr =	sadd.s32 s0, s3;
	s0 =	sld [smem:$0x3FA4]  }
0x30: {  	s3 =	sld [smem:$0x3FA7]  }
0x31: {  	[smem:$0x3FB0] =	sst s10  }
0x32: {  	s10 =	sld [smem:$0x3FAE];
	_ =	sdelay $0x3  }
0x33: {  	p0 =	seq.s32 s10, $0x1;
	s10 =	sld [smem:$0x3FB0];
	_ =	sdelay $0x3  }
0x34: {  	[smem:$0x3FB0] =	sst s10  }
0x35: {  	s10 =	sld [smem:$0x3FAF];
	_ =	sdelay $0x3  }
0x36: {  	p1 =	seq.s32 s10, $0x1;
	s10 =	sld [smem:$0x3FB0];
	_ =	sdelay $0x3  }
0x37: {  	[smem:$0x3FB0] =	sst s10  }
0x38: {  	s10 =	sld [smem:$0x3FB1]  }
0x39: {  	_ = 	snop;
	(pc) =	sbr.ind lr, $3  }
0x3a: {  	_ = 	snop  }
0x3b: {  	_ = 	snop  }
0x3c: {  	p2 =	seq.s32 s10, $0x1;
	s10 =	sld [smem:$0x3FB0]  }
0x3d: {  	_ =	shalt  }
0x3e: {  	_ =	shalt  }
0x3f: {  	_ =	shalt  }
0x40: {  	_ =	shalt  }
0x41: {  	_ =	shalt  }
0x42: {  	_ =	shalt  }
0x43: {  	_ =	shalt  }
0x44: {  	_ =	shalt  }
0x45: {  	_ =	shalt  }
0x46: {  	_ =	shalt  }
0x47: {  	_ =	shalt  }
0x48: {  	_ =	shalt  }
0x49: {  	_ =	shalt  }
0x4a: {  	_ =	shalt  }
0x4b: {  	_ =	shalt  }
0x4c: {  	_ =	shalt  }
0x4d: {  	_ =	shalt  }
0x4e: {  	_ =	shalt  }
0x4f: {  	_ =	shalt  }
0x50: {  	_ =	shalt  }
0x51: {  	_ =	shalt  }
0x52: {  	_ =	shalt  }
0x53: {  	_ =	shalt  }
0x54: {  	_ =	shalt  }
0x55: {  	_ =	shalt  }
0x56: {  	_ =	shalt  }
0x57: {  	_ =	shalt  }
0x58: {  	_ =	shalt  }
0x59: {  	_ =	shalt  }
0x5a: {  	_ =	shalt  }
0x5b: {  	_ =	shalt  }
0x5c: {  	_ =	shalt  }
0x5d: {  	_ =	shalt  }
0x5e: {  	_ =	shalt  }
0x5f: {  	_ =	shalt  }
0x60: {  	_ =	shalt  }
0x61: {  	_ =	shalt  }
0x62: {  	_ =	shalt  }
0x63: {  	_ =	shalt  }
0x64: {  	_ =	shalt  }
0x65: {  	_ =	shalt  }
0x66: {  	_ =	shalt  }
0x67: {  	_ =	shalt  }
0x68: {  	_ =	shalt  }
0x69: {  	_ =	shalt  }
0x6a: {  	_ =	shalt  }
0x6b: {  	_ =	shalt  }
0x6c: {  	_ =	shalt  }
0x6d: {  	_ =	shalt  }
0x6e: {  	_ =	shalt  }
0x6f: {  	_ =	shalt  }
0x70: {  	_ =	shalt  }
0x71: {  	_ =	shalt  }
0x72: {  	_ =	shalt  }
0x73: {  	_ =	shalt  }
0x74: {  	_ =	shalt  }
0x75: {  	_ =	shalt  }
0x76: {  	_ =	shalt  }
0x77: {  	_ =	shalt  }
0x78: {  	_ =	shalt  }
0x79: {  	_ =	shalt  }
0x7a: {  	_ =	shalt  }
0x7b: {  	_ =	shalt  }
0x7c: {  	_ =	shalt  }
0x7d: {  	_ =	shalt  }
0x7e: {  	_ =	shalt  }
0x7f: {  	_ =	shalt  }
0x80: {  	_ =	shalt  }
0x81: {  	_ =	shalt  }
0x82: {  	_ =	shalt  }
0x83: {  	_ =	shalt  }
0x84: {  	_ =	shalt  }
0x85: {  	_ =	shalt  }
0x86: {  	_ =	shalt  }
0x87: {  	_ =	shalt  }
.Lfunc_end0:
.L_simem_size_0:
called_computation.2_lowered:
.L_overlay_start_0:
0x88: {  	s2 =	sld [smem:$0x3FD9]  }
0x89: {  	s3 =	sld [smem:$0x3FFE];
	_ =	sdelay $0x1  }
0x8a: {  	s1 =	srdreg.scid  }
0x8b: {  	s0 =	sand.u32 $0x1, s1  }
0x8c: {  	s17 =	sshll.u32 s0, $0xA;
	s2 =	sadd.s32 s3, s2  }
0x8d: {  	s2 =	sadd.s32 s2, s17  }
0x8e: {  	[smem:$0x3FBC] =	sst s2  }
0x8f: {  	_ = 	snop  }
0x90: {  	s2 =	sld [smem:$0x3FD0];
	(tm) =	ssettm $0x1  }
0x91: {  	s18 =	sld [smem:$0x3FFB];
	_ =	sdelay $0x3  }
0x92: {  	_ =	strace s18  }
0x93: {  	s3 =	sld [smem:$0x3FFC];
	_ =	sdelay $0x3  }
0x94: {  	_ =	strace s3  }
0x95: {  	s3 =	sld [smem:$0x3FFD];
	_ =	sdelay $0x3  }
0x96: {  	_ =	strace s3  }
0x97: {  	_ =	strace $0x8FFFFFFF  }
0x98: {  	s19 =	sld [smem:$0x3FDB];
	_ =	sdelay $0x1  }
0x99: {  	s4 =	simm.s32 $_scs_section_size  }
0x9a: {  	s5 =	simm.s32 $_size__tile_overlayer_lowered;
	s6 =	simm.s32 $_tile_overlayer_lowered  }
0x9b: {  	s22 =	simm.s32 $0x1BFF;
	s21 =	sshll.u32 s6, $0x1;
	s3 =	sadd.s32 s4, s19  }
0x9c: {  	s7 =	simm.s32 $0x0;
	s20 =	sshll.u32 s5, $0x1;
	s5 =	sadd.s32 s21, s3  }
0x9d: {  	[timem:s7], [sflag:s22] =	dma.local [hbm:s5], s20  }
0x9e: {  	_ =	swait.ge [sflag:s22], s20  }
0x9f: {  	s4 =	ssub.s32 $0x0, s20;
	[sflag:s22] =	ssyncset.done $0x0  }
0xa0: {  	[sflag:s22] =	ssyncadd.s32 s4;
	_ =	sdelay $0x1  }
0xa1: {  	s23 =	simm.s32 $0x1B8B  }
0xa2: {  	_ =	swait.ge [sflag:s23], $0x1  }
0xa3: {  	[sflag:s23] =	ssyncset.done $0x0  }
0xa4: {  	s25 =	simm.s32 $0x1B8E;
	s24 =	sld [smem:$0x3FFE];
	[sflag:s23] =	ssyncadd.s32 $0xFFFFFFFF  }
0xa5: {  	s26 =	simm.s32 $execute0_lowered;
	[smem:$0x3FD2] =	sst s25  }
0xa6: {  	s5 =	sshll.u32 s26, $0x1;
	_ =	strace $0x8000004C;
	[dreg:$0x1] =	wrdreg $0xFFFFFFFF  }
0xa7: {  	s28 =	simm.s32 $_size_execute0_lowered;
	s3 =	sadd.s32 s3, s5;
	[dreg:$0x0] =	wrdreg $0x0  }
0xa8: {  	s5 =	sshll.u32 s28, $0x1;
	[dreg:$0x2] =	wrdreg s3  }
0xa9: {  	[dreg:$0x3] =	wrdreg s5  }
0xaa: {  	[dreg:$0x4] =	wrdreg $0xC0  }
0xab: {  	_ =	task [dreg:s7], $0x5FFFF  }
0xac: {  	[dreg:$0x1] =	wrdreg $0xFFFFFFFF  }
0xad: {  	[dreg:$0x0] =	wrdreg $0x60  }
0xae: {  	[dreg:$0x2] =	wrdreg s24  }
0xaf: {  	[dreg:$0x3] =	wrdreg s2  }
0xb0: {  	[dreg:$0x4] =	wrdreg $0x7B000  }
0xb1: {  	[dreg:$0x5] =	wrdreg $0x9  }
0xb2: {  	_ =	task.clear_ibuf [dreg:s7], $0x6FFFF;
	_ =	strace $0x9000004C  }
0xb3: {  	s29 =	simm.s32 $0x9;
	_ =	strace $0x8000004E  }
0xb4: {  	_ =	swait.ge [sflag:s29], $0x1  }
0xb5: {  	[sflag:s29] =	ssyncadd.s32 $0xFFFFFFFF  }
0xb6: {  	_ =	strace $0x9000004E  }
0xb7: {  	_ =	sfence  }
0xb8: {  	s30 =	sld [smem:$0x0];
	_ =	sdelay $0x2  }
0xb9: {  	s31 =	sshll.u32 s1, $0xD;
	s1 =	sshrl.u32 s1, $0x2  }
0xba: {  	s3 =	sand.u32 $0x4000, s31;
	s1 =	sadd.s32 s1, s30  }
0xbb: {  	s0 =	sor.u32 s3, s0;
	s1 =	sshll.u32 s1, $0x11  }
0xbc: {  	s0 =	sor.u32 s1, s0  }
0xbd: {  	s0 =	sadd.s32 $0x8F2B, s0  }
0xbe: {  	[sflag:s0] =	ssyncadd.remote.s32 $0x1  }
0xbf: {  	_ =	sfence.sel $0xFFFF  }
0xc0: {  	[dreg:$0x0] =	wrdreg $0xFFFFFFFF;
	(pc) =	sbr.abs _section_cstart, $3  }
0xc1: {  	[dreg:$0x1] =	wrdreg $0xFFFFFFFF  }
0xc2: {  	_ =	task.clear_ibuf [dreg:s7], $0x2FFFF;
	_ =	strace $0x9FFFFFFF  }
0xc3: {  	(tm) =	ssettm $0x7FFFFFFF  }
tec
execute0_lowered:
.L_overlay_start_1:
0x0: {  	(tag) =	ssettag $0x1  }
0x1: {  	s0 =	rddreg [dreg:$0x0]  }
0x2: {  	s26 =	rddreg [dreg:$0x1]  }
0x3: {  	s3 =	rddreg [dreg:$0x2];
	s1 =	simm.s32 $0x0  }
0x4: {  	s11 =	stileid.u32;
	s20 =	srdreg.scid;
	s30 =	simm.s32 $0x280  }
0x5: {  	s31 =	simm.s32 $0x300;
	[smem:$0x7FF] =	sst s1;
	s2 =	smul.u32 $0x278, s11  }
0x6: {  	s1 =	sand.u32 $0x1, s20;
	s6 =	sadd.s32 $0x12800, s0;
	s5 =	sadd.s32 $0x2800, s0  }
0x7: {  	s9 =	sshll.u32 s11, $0xE;
	s23 =	smul.u32 $0x280, s11;
	_ =	strace $0x8000004D  }
0x8: {  	s7 =	smul.u32 $0x138800, s1;
	s8 =	sshll.u32 s1, $0x12;
	s1 =	ssub.s32 $0x2, s1  }
0x9: {  	s2 =	smin.u32 s2, $0x2498;
	s21 =	sshrl.u32 s1, $0x1;
	s29 =	smin.u32 s23, $0x26C0  }
0xa: {  	s11 =	sor.u32 $0x50, s23;
	s12 =	smin.u32 s23, $0x2620;
	s13 =	smin.u32 s23, $0x25D0  }
0xb: {  	s17 =	smin.u32 s23, $0x2580;
	s18 =	smin.u32 s23, $0x2530;
	s19 =	smin.u32 s23, $0x24E0  }
0xc: {  	s23 =	smin.u32 s23, $0x2490;
	s2 =	sshll.u32 s2, $0x7;
	s1 =	ssub.s32 s1, s21  }
0xd: {  	s7 =	sadd.s32 s7, s2;
	s4 =	sadd.s32 s2, s3;
	s1 =	smax.u32 s1, $0x1  }
0xe: {  	s2 =	sshll.u32 s12, $0x7;
	s12 =	simm.s32 $0x180;
	s10 =	sshrl.u32 s7, $0x3  }
0xf: {  	s7 =	sor.u32 s9, s8;
	[dreg:$0xa] =	wrdreg s1;
	s1 =	smin.u32 s11, $0x26C0  }
0x10: {  	s14 =	sadd.s32 s2, s3;
	s2 =	sshll.u32 s18, $0x7;
	s11 =	simm.s32 $0x2  }
0x11: {  	s18 =	simm.s32 $0x3;
	s0 =	sadd.s32 s10, s0;
	s9 =	sshrl.u32 s7, $0x3  }
0x12: {  	s1 =	sshll.u32 s1, $0x7;
	s20 =	sadd.s32 s2, s3;
	s24 =	sadd.s32 s5, s9  }
0x13: {  	s22 =	sor.u32 $0x10, s9;
	s9 =	sadd.s32 s26, s9;
	[dreg:$0x4] =	wrdreg s24  }
0x14: {  	s10 =	simm.s32 $0x0;
	s0 =	sadd.s32 $0xAEC00, s0;
	[dreg:$0x5] =	wrdreg s9  }
0x15: {  	s1 =	sadd.s32 s1, s3;
	s25 =	sadd.s32 s26, s22;
	[dreg:$0x9] =	wrdreg s0  }
0x16: {  	s8 =	sadd.s32 s5, s22;
	s28 =	sadd.s32 $0x20, s9;
	[dreg:$0xc] =	wrdreg s1  }
0x17: {  	s1 =	sadd.s32 $0x5000, s14;
	s24 =	sor.u32 $0x200, s7;
	[dreg:$0x6] =	wrdreg s25  }
0x18: {  	s0 =	sshrl.u32 s4, $0x3;
	s14 =	simm.s32 $0x2B00;
	[dreg:$0x7] =	wrdreg s8  }
0x19: {  	s4 =	simm.s32 $0x200;
	[dreg:$0x8] =	wrdreg s28;
	s8 =	sshll.u32 s29, $0x7  }
0x1a: {  	[dreg:$0xd] =	wrdreg s1;
	s1 =	sshll.u32 s17, $0x7;
	s25 =	sor.u32 $0x180, s7  }
0x1b: {  	s2 =	sshrl.u32 s24, $0x3;
	[dreg:$0x15] =	wrdreg s0;
	s0 =	simm.s32 $0xD  }
0x1c: {  	s17 =	simm.s32 $0xC;
	s9 =	sadd.s32 s8, s3;
	s8 =	sshll.u32 s13, $0x7  }
0x1d: {  	s1 =	sadd.s32 s1, s3;
	s28 =	sadd.s32 s2, s26;
	s13 =	simm.s32 $0x80  }
0x1e: {  	s2 =	simm.s32 $0x1;
	[dreg:$0xb] =	wrdreg s9;
	s15 =	sadd.s32 s8, s3  }
0x1f: {  	s8 =	sshll.u32 s19, $0x7;
	s1 =	sadd.s32 $0xA000, s1;
	[dreg:$0x13] =	wrdreg s28  }
0x20: {  	s19 =	simm.s32 $0x100;
	s9 =	simm.s32 $0x7;
	s16 =	sadd.s32 $0x7800, s15  }
0x21: {  	[dreg:$0xf] =	wrdreg s1;
	s21 =	sadd.s32 s8, s3;
	s1 =	sadd.s32 $0xC800, s20  }
0x22: {  	s8 =	sshrl.u32 s25, $0x3;
	s15 =	simm.s32 $0x5300;
	[dreg:$0xe] =	wrdreg s16  }
0x23: {  	s20 =	simm.s32 $0x8;
	s25 =	simm.s32 $0x50;
	[dreg:$0x10] =	wrdreg s1  }
0x24: {  	s22 =	sadd.s32 $0xF000, s21;
	s1 =	sshll.u32 s23, $0x7;
	s29 =	sadd.s32 s8, s26  }
0x25: {  	s16 =	simm.s32 $0x4;
	[dreg:$0x11] =	wrdreg s22;
	s1 =	sadd.s32 s1, s3  }
0x26: {  	s21 =	simm.s32 $0x5;
	[dreg:$0x14] =	wrdreg s29;
	s1 =	sadd.s32 $0x11800, s1  }
0x27: {  	v0 =	vimm.f32 $0.0e+00;
	s8 =	simm.s32 $0x0;
	s22 =	simm.s32 $0xA;
	[dreg:$0x12] =	wrdreg s1  }
.LBB2_1:
0x28: {  	[dreg:$0x16] =	wrdreg s8;
	s1 =	simm.s32 $0x0;
	s8 =	simm.s32 $0x200  }
.LBB2_2:
0x29: {  	p0 =	sne.s32 s8, $0x9E00;
	[tilespmem:s1+$0x370] =	vst v0  }
0x2a: {  	[tilespmem:s1+$0x300] =	vst v0  }
0x2b: {  	[tilespmem:s1+$0x310] =	vst v0  }
.Ltmp0:
0x2c: {  	[tilespmem:s1+$0x320] =	vst v0;
	(pc) =	sbr.rel @p0 .LBB2_2-.Ltmp0, $4  }
0x2d: {  	[tilespmem:s1+$0x330] =	vst v0  }
0x2e: {  	[tilespmem:s1+$0x340] =	vst v0  }
0x2f: {  	[tilespmem:s1+$0x350] =	vst v0  }
0x30: {  	[tilespmem:s1+$0x360] =	vst v0;
	s1 =	sshra.s32 s8, $0x2;
	s8 =	sadd.s32 $0x200, s8  }
0x31: {  	[tilespmem:s1+$0x370] =	vst v0  }
0x32: {  	[tilespmem:s1+$0x300] =	vst v0  }
0x33: {  	[tilespmem:s1+$0x310] =	vst v0  }
0x34: {  	[tilespmem:s1+$0x320] =	vst v0  }
0x35: {  	[tilespmem:s1+$0x330] =	vst v0  }
0x36: {  	[tilespmem:s1+$0x340] =	vst v0  }
0x37: {  	[tilespmem:s1+$0x350] =	vst v0  }
0x38: {  	[tilespmem:s1+$0x360] =	vst v0;
	s1 =	simm.s32 $0x0;
	s8 =	simm.s32 $0x200  }
.LBB2_4:
0x39: {  	p0 =	sne.s32 s8, $0x9E00;
	[tilespmem:s1+$0x2B70] =	vst v0  }
0x3a: {  	[tilespmem:s1+$0x2B00] =	vst v0  }
0x3b: {  	[tilespmem:s1+$0x2B10] =	vst v0  }
.Ltmp1:
0x3c: {  	[tilespmem:s1+$0x2B20] =	vst v0;
	(pc) =	sbr.rel @p0 .LBB2_4-.Ltmp1, $4  }
0x3d: {  	[tilespmem:s1+$0x2B30] =	vst v0  }
0x3e: {  	[tilespmem:s1+$0x2B40] =	vst v0  }
0x3f: {  	[tilespmem:s1+$0x2B50] =	vst v0  }
0x40: {  	[tilespmem:s1+$0x2B60] =	vst v0;
	s1 =	sshra.s32 s8, $0x2;
	s8 =	sadd.s32 $0x200, s8  }
0x41: {  	[tilespmem:s1+$0x2B70] =	vst v0  }
0x42: {  	[tilespmem:s1+$0x2B00] =	vst v0  }
0x43: {  	[tilespmem:s1+$0x2B10] =	vst v0  }
0x44: {  	[tilespmem:s1+$0x2B20] =	vst v0  }
0x45: {  	[tilespmem:s1+$0x2B30] =	vst v0  }
0x46: {  	[tilespmem:s1+$0x2B40] =	vst v0  }
0x47: {  	[tilespmem:s1+$0x2B50] =	vst v0  }
0x48: {  	[tilespmem:s1+$0x2B60] =	vst v0;
	s1 =	simm.s32 $0x0;
	s8 =	simm.s32 $0x200  }
.LBB2_6:
0x49: {  	p0 =	sne.s32 s8, $0x9E00;
	[tilespmem:s1+$0x5370] =	vst v0  }
0x4a: {  	[tilespmem:s1+$0x5300] =	vst v0  }
0x4b: {  	[tilespmem:s1+$0x5310] =	vst v0  }
.Ltmp2:
0x4c: {  	[tilespmem:s1+$0x5320] =	vst v0;
	(pc) =	sbr.rel @p0 .LBB2_6-.Ltmp2, $4  }
0x4d: {  	[tilespmem:s1+$0x5330] =	vst v0  }
0x4e: {  	[tilespmem:s1+$0x5340] =	vst v0  }
0x4f: {  	[tilespmem:s1+$0x5350] =	vst v0  }
0x50: {  	[tilespmem:s1+$0x5360] =	vst v0;
	s1 =	sshra.s32 s8, $0x2;
	s8 =	sadd.s32 $0x200, s8  }
0x51: {  	[tilespmem:s1+$0x5370] =	vst v0  }
0x52: {  	[tilespmem:s1+$0x5300] =	vst v0  }
0x53: {  	[tilespmem:s1+$0x5310] =	vst v0  }
0x54: {  	[tilespmem:s1+$0x5320] =	vst v0  }
0x55: {  	[tilespmem:s1+$0x5330] =	vst v0  }
0x56: {  	[tilespmem:s1+$0x5340] =	vst v0  }
0x57: {  	[tilespmem:s1+$0x5350] =	vst v0  }
0x58: {  	[tilespmem:s1+$0x5360] =	vst v0;
	s24 =	simm.s32 $0x0;
	s1 =	rddreg [dreg:$0x4]  }
0x59: {  	[tilespmem:s30], [sflag:$0xD] =	stream.linear.gather [hbm4b:s1+s24], $0x80, $0x38;
	[tilespmem:$0x1B380] =	vst v63  }
0x5a: {  	_ =	swait.ge [sflag:s0], $0x80  }
0x5b: {  	[sflag:s0] =	ssyncset.done $0x0  }
0x5c: {  	s8 =	rddreg [dreg:$0xb];
	[sflag:s0] =	ssyncadd.s32 $0xFFFFFF80  }
0x5d: {  	[spmem:s8] =	stream.linear.scatter [tilespmem:s31], [sflag:$0xD], $0x2800, $0x38;
	[tilespmem:$0x1B380] =	vst v63  }
0x5e: {  	_ =	swait.ge [sflag:s0], $0x2800  }
0x5f: {  	[sflag:s0] =	ssyncset.done $0x0  }
0x60: {  	s29 =	rddreg [dreg:$0xc];
	[sflag:s0] =	ssyncadd.s32 $0xFFFFD800  }
0x61: {  	[spmem:s29] =	stream.linear.scatter [tilespmem:s31], [sflag:$0xD], $0x2800, $0x38;
	[tilespmem:$0x1B380] =	vst v63  }
0x62: {  	_ =	swait.ge [sflag:s0], $0x2800  }
0x63: {  	[sflag:s0] =	ssyncset.done $0x0  }
0x64: {  	s23 =	rddreg [dreg:$0xd];
	[sflag:s0] =	ssyncadd.s32 $0xFFFFD800  }
0x65: {  	[spmem:s23] =	stream.linear.scatter [tilespmem:s31], [sflag:$0xD], $0x2800, $0x38;
	[tilespmem:$0x1B380] =	vst v63  }
0x66: {  	_ =	swait.ge [sflag:s0], $0x2800  }
0x67: {  	[sflag:s0] =	ssyncset.done $0x0  }
0x68: {  	s29 =	rddreg [dreg:$0xe];
	[sflag:s0] =	ssyncadd.s32 $0xFFFFD800  }
0x69: {  	[spmem:s29] =	stream.linear.scatter [tilespmem:s31], [sflag:$0xD], $0x2800, $0x38;
	[tilespmem:$0x1B380] =	vst v63  }
0x6a: {  	_ =	swait.ge [sflag:s0], $0x2800  }
0x6b: {  	[sflag:s0] =	ssyncset.done $0x0  }
0x6c: {  	s23 =	rddreg [dreg:$0xf];
	[sflag:s0] =	ssyncadd.s32 $0xFFFFD800  }
0x6d: {  	[spmem:s23] =	stream.linear.scatter [tilespmem:s31], [sflag:$0xD], $0x2800, $0x38;
	[tilespmem:$0x1B380] =	vst v63  }
0x6e: {  	_ =	swait.ge [sflag:s0], $0x2800  }
0x6f: {  	[sflag:s0] =	ssyncset.done $0x0  }
0x70: {  	s29 =	rddreg [dreg:$0x10];
	[sflag:s0] =	ssyncadd.s32 $0xFFFFD800  }
0x71: {  	[spmem:s29] =	stream.linear.scatter [tilespmem:s31], [sflag:$0xD], $0x2800, $0x38;
	[tilespmem:$0x1B380] =	vst v63  }
0x72: {  	_ =	swait.ge [sflag:s0], $0x2800  }
0x73: {  	[sflag:s0] =	ssyncset.done $0x0  }
0x74: {  	s23 =	rddreg [dreg:$0x11];
	[sflag:s0] =	ssyncadd.s32 $0xFFFFD800  }
0x75: {  	[spmem:s23] =	stream.linear.scatter [tilespmem:s31], [sflag:$0xD], $0x2800, $0x38;
	[tilespmem:$0x1B380] =	vst v63  }
0x76: {  	_ =	swait.ge [sflag:s0], $0x2800  }
0x77: {  	[sflag:s0] =	ssyncset.done $0x0  }
0x78: {  	s29 =	rddreg [dreg:$0x12];
	[sflag:s0] =	ssyncadd.s32 $0xFFFFD800  }
0x79: {  	[spmem:s29] =	stream.linear.scatter [tilespmem:s31], [sflag:$0xD], $0x2800, $0x38;
	[tilespmem:$0x1B380] =	vst v63  }
0x7a: {  	_ =	swait.ge [sflag:s0], $0x2800  }
0x7b: {  	[sflag:s0] =	ssyncset.done $0x0  }
0x7c: {  	[sflag:s0] =	ssyncadd.s32 $0xFFFFD800  }
0x7d: {  	[bflag:$0x0] =	sbarrier.arrive $0xFFFF  }
0x7e: {  	s0 =	rddreg [dreg:$0x5]  }
0x7f: {  	[tilespmem:s24], [sflag:$0x1] =	stream.linear.gather [hbm4b:s0+s24], $0x80, $0x38;
	[tilespmem:$0x1B380] =	vst v63  }
0x80: {  	_ = 	snop  }
0x81: {  	[tilespmem:s12], [sflag:$0x4] =	stream.linear.gather [hbm4b:s1+s24], $0x80, $0x38;
	[tilespmem:$0x1B380] =	vst v63  }
0x82: {  	s23 =	rddreg [dreg:$0x6]  }
0x83: {  	[tilespmem:s13], [sflag:$0x2] =	stream.linear.gather [hbm4b:s23+s24], $0x80, $0x38;
	[tilespmem:$0x1B380] =	vst v63  }
0x84: {  	s29 =	rddreg [dreg:$0x7];
	s1 =	simm.s32 $0x200  }
0x85: {  	[tilespmem:s1], [sflag:$0x5] =	stream.linear.gather [hbm4b:s29+s24], $0x80, $0x38;
	[tilespmem:$0x1B380] =	vst v63  }
0x86: {  	s0 =	rddreg [dreg:$0x8]  }
0x87: {  	[tilespmem:s19], [sflag:$0x3] =	stream.linear.gather [hbm4b:s0+s24], $0x80, $0x38;
	[tilespmem:$0x1B380] =	vst v63  }
0x88: {  	_ =	swait.ge [sflag:s2], $0x80  }
0x89: {  	[sflag:s2] =	ssyncset.done $0x0  }
0x8a: {  	[sflag:s2] =	ssyncadd.s32 $0xFFFFFF80  }
0x8b: {  	[tilespmem:s31], [sflag:$0x7] =	stream.indirect.gather [hbm4b:s6+s25], $0x80, s24, s25, $0xb8;
	[tilespmem:$0x1B380] =	vst v63  }
0x8c: {  	_ =	swait.ge [sflag:s11], $0x80  }
0x8d: {  	[sflag:s11] =	ssyncset.done $0x0  }
0x8e: {  	[sflag:s11] =	ssyncadd.s32 $0xFFFFFF80  }
0x8f: {  	[tilespmem:s14], [sflag:$0x8] =	stream.indirect.gather [hbm4b:s6+s25], $0x80, s13, s25, $0xb8;
	[tilespmem:$0x1B380] =	vst v63  }
0x90: {  	_ = 	snop  }
0x91: {  	[spmem:s3] =	stream.indirect.scatter.add.f32 [tilespmem:s15], [sflag:$0xC], $0x80, s30, s25, $0xb8;
	[tilespmem:$0x1B380] =	vst v63  }
0x92: {  	_ =	swait.ge [sflag:s9], $0x2800  }
0x93: {  	[sflag:s9] =	ssyncset.done $0x0  }
0x94: {  	[sflag:s9] =	ssyncadd.s32 $0xFFFFD800  }
0x95: {  	s2 =	simm.s32 $0x100;
	_ =	swait.ge [sflag:s16], $0x80  }
0x96: {  	s23 =	sand.u32 $0xFC00, s2;
	[sflag:s16] =	ssyncset.done $0x0  }
0x97: {  	s8 =	sand.u32 $0x380, s2;
	s23 =	sadd.s32 s7, s23;
	[sflag:s16] =	ssyncadd.s32 $0xFFFFFF80  }
0x98: {  	[spmem:s3] =	stream.indirect.scatter.add.f32 [tilespmem:s31], [sflag:$0xA], $0x80, s12, s25, $0xb8;
	[tilespmem:$0x1B380] =	vst v63  }
0x99: {  	s8 =	sor.u32 s8, s23;
	_ =	swait.ge [sflag:s17], $0x2800  }
0x9a: {  	s8 =	sshrl.u32 s8, $0x3;
	[sflag:s17] =	ssyncset.done $0x0  }
0x9b: {  	s8 =	sadd.s32 s5, s8;
	s16 =	simm.s32 $0x0;
	[sflag:s17] =	ssyncadd.s32 $0xFFFFD800  }
0x9c: {  	[tilespmem:s30], [sflag:$0x6] =	stream.linear.gather [hbm4b:s8+s16], $0x80, $0x38;
	[tilespmem:$0x1B380] =	vst v63  }
0x9d: {  	s29 =	rddreg [dreg:$0x14]  }
0x9e: {  	[tilespmem:s16], [sflag:$0x1] =	stream.linear.gather [hbm4b:s29+s16], $0x80, $0x38;
	[tilespmem:$0x1B380] =	vst v63  }
0x9f: {  	_ =	swait.ge [sflag:s18], $0x80  }
0xa0: {  	[sflag:s18] =	ssyncset.done $0x0  }
0xa1: {  	[sflag:s18] =	ssyncadd.s32 $0xFFFFFF80  }
0xa2: {  	[tilespmem:s15], [sflag:$0x9] =	stream.indirect.gather [hbm4b:s6+s25], $0x80, s19, s25, $0xb8;
	[tilespmem:$0x1B380] =	vst v63  }
0xa3: {  	_ =	swait.ge [sflag:s20], $0x2800  }
0xa4: {  	[sflag:s20] =	ssyncset.done $0x0  }
0xa5: {  	[sflag:s20] =	ssyncadd.s32 $0xFFFFD800  }
0xa6: {  	s9 =	simm.s32 $0x180;
	_ =	swait.ge [sflag:s21], $0x80  }
0xa7: {  	s11 =	sand.u32 $0xFC00, s9;
	[sflag:s21] =	ssyncset.done $0x0  }
0xa8: {  	s23 =	sadd.s32 s7, s11;
	s8 =	sand.u32 $0x380, s9;
	[sflag:s21] =	ssyncadd.s32 $0xFFFFFF80  }
0xa9: {  	[spmem:s3] =	stream.indirect.scatter.add.f32 [tilespmem:s14], [sflag:$0xB], $0x80, s4, s25, $0xb8;
	[tilespmem:$0x1B380] =	vst v63  }
0xaa: {  	s8 =	sor.u32 s8, s23;
	_ =	swait.ge [sflag:s22], $0x2800  }
0xab: {  	s8 =	sshrl.u32 s8, $0x3;
	[sflag:s22] =	ssyncset.done $0x0  }
0xac: {  	s8 =	sadd.s32 s5, s8;
	[sflag:s22] =	ssyncadd.s32 $0xFFFFD800  }
0xad: {  	[tilespmem:s12], [sflag:$0x4] =	stream.linear.gather [hbm4b:s8+s16], $0x80, $0x38;
	[tilespmem:$0x1B380] =	vst v63  }
0xae: {  	s11 =	simm.s32 $0x1;
	s23 =	simm.s32 $0x80;
	s28 =	rddreg [dreg:$0x13]  }
0xaf: {  	[tilespmem:s23], [sflag:$0x2] =	stream.linear.gather [hbm4b:s28+s16], $0x80, $0x38;
	[tilespmem:$0x1B380] =	vst v63  }
0xb0: {  	s0 =	smov.u32 s5;
	s2 =	simm.s32 $0xB;
	_ =	swait.ge [sflag:s11], $0x80  }
0xb1: {  	s13 =	simm.s32 $0x100;
	s17 =	simm.s32 $0x4;
	[sflag:s11] =	ssyncset.done $0x0  }
0xb2: {  	s9 =	simm.s32 $0x7;
	s15 =	simm.s32 $0x9;
	[sflag:s11] =	ssyncadd.s32 $0xFFFFFF80  }
0xb3: {  	[tilespmem:s31], [sflag:$0x7] =	stream.indirect.gather [hbm4b:s6+s25], $0x80, s16, s25, $0xb8;
	[tilespmem:$0x1B380] =	vst v63  }
0xb4: {  	s5 =	smov.u32 s0;
	s18 =	smin.u32 s24, $0x77;
	_ =	swait.ge [sflag:s15], $0x2800  }
0xb5: {  	s19 =	simm.s32 $0x6;
	s20 =	sand.u32 $0xFC00, s1;
	[sflag:s15] =	ssyncset.done $0x0  }
0xb6: {  	s1 =	sand.u32 $0x380, s1;
	s4 =	simm.s32 $0x200;
	[sflag:s15] =	ssyncadd.s32 $0xFFFFD800  }
0xb7: {  	s12 =	simm.s32 $0x5300;
	s8 =	sshll.u32 s18, $0x7;
	_ =	swait.ge [sflag:s19], $0x80  }
0xb8: {  	s8 =	sadd.s32 $0x280, s8;
	s23 =	sadd.s32 s7, s20;
	[sflag:s19] =	ssyncset.done $0x0  }
0xb9: {  	s22 =	sand.u32 $0x7C00, s8;
	s8 =	sand.u32 $0x380, s8;
	[sflag:s19] =	ssyncadd.s32 $0xFFFFFF80  }
0xba: {  	[spmem:s3] =	stream.indirect.scatter.add.f32 [tilespmem:s12], [sflag:$0xC], $0x80, s30, s25, $0xb8;
	[tilespmem:$0x1B380] =	vst v63  }
0xbb: {  	s1 =	sor.u32 s1, s23;
	s23 =	sadd.s32 s7, s22;
	_ =	swait.ge [sflag:s2], $0x2800  }
0xbc: {  	s1 =	sshrl.u32 s1, $0x3;
	s8 =	sor.u32 s8, s23;
	[sflag:s2] =	ssyncset.done $0x0  }
0xbd: {  	s1 =	sadd.s32 s0, s1;
	s8 =	sshrl.u32 s8, $0x3;
	[sflag:s2] =	ssyncadd.s32 $0xFFFFD800  }
0xbe: {  	[tilespmem:s4], [sflag:$0x5] =	stream.linear.gather [hbm4b:s1+s16], $0x80, $0x38;
	[tilespmem:$0x1B380] =	vst v63  }
0xbf: {  	s21 =	simm.s32 $0x8;
	s14 =	simm.s32 $0x2;
	s31 =	sadd.s32 s26, s8  }
0xc0: {  	[tilespmem:s13], [sflag:$0x3] =	stream.linear.gather [hbm4b:s31+s16], $0x80, $0x38;
	[tilespmem:$0x1B380] =	vst v63  }
0xc1: {  	s23 =	simm.s32 $0x380;
	s8 =	sadd.s32 $0x30, s29;
	_ =	swait.ge [sflag:s14], $0x80  }
.LBB2_8:
0xc2: {  	[sflag:s14] =	ssyncset.done $0x0;
	s24 =	sadd.s32 $0x3, s24;
	s28 =	sadd.s32 $0x30, s28  }
0xc3: {  	s1 =	smov.u32 s23;
	p0 =	sne.s32 s23, $0x3E00;
	s23 =	sadd.s32 $0x180, s23  }
0xc4: {  	s29 =	simm.s32 $0x2B00;
	s12 =	simm.s32 $0x80;
	[sflag:s14] =	ssyncadd.s32 $0xFFFFFF80  }
0xc5: {  	[tilespmem:s29], [sflag:$0x8] =	stream.indirect.gather [hbm4b:s6+s25], $0x80, s12, s25, $0xb8;
	[tilespmem:$0x1B380] =	vst v63  }
0xc6: {  	_ =	swait.ge [sflag:s9], $0x2800  }
0xc7: {  	[sflag:s9] =	ssyncset.done $0x0  }
0xc8: {  	s31 =	smov.u32 s26;
	s13 =	simm.s32 $0x180;
	[sflag:s9] =	ssyncadd.s32 $0xFFFFD800  }
0xc9: {  	s22 =	simm.s32 $0x300;
	s26 =	sadd.s32 $0xFFFFFF00, s1;
	_ =	swait.ge [sflag:s17], $0x80  }
0xca: {  	s30 =	sand.u32 $0xFC00, s26;
	s26 =	sand.u32 $0x380, s26;
	[sflag:s17] =	ssyncset.done $0x0  }
0xcb: {  	s4 =	simm.s32 $0xC;
	s30 =	sadd.s32 s7, s30;
	[sflag:s17] =	ssyncadd.s32 $0xFFFFFF80  }
0xcc: {  	[spmem:s3] =	stream.indirect.scatter.add.f32 [tilespmem:s22], [sflag:$0xA], $0x80, s13, s25, $0xb8;
	[tilespmem:$0x1B380] =	vst v63  }
0xcd: {  	s26 =	sor.u32 s26, s30;
	_ =	swait.ge [sflag:s4], $0x2800  }
0xce: {  	s26 =	sshrl.u32 s26, $0x3;
	[sflag:s4] =	ssyncset.done $0x0  }
0xcf: {  	s18 =	simm.s32 $0x280;
	s26 =	sadd.s32 s5, s26;
	[sflag:s4] =	ssyncadd.s32 $0xFFFFD800  }
0xd0: {  	[tilespmem:s18], [sflag:$0x6] =	stream.linear.gather [hbm4b:s26+s16], $0x80, $0x38;
	[tilespmem:$0x1B380] =	vst v63  }
0xd1: {  	s5 =	simm.s32 $0x3  }
0xd2: {  	[tilespmem:s16], [sflag:$0x1] =	stream.linear.gather [hbm4b:s8+s16], $0x80, $0x38;
	[tilespmem:$0x1B380] =	vst v63  }
0xd3: {  	_ =	swait.ge [sflag:s5], $0x80  }
0xd4: {  	[sflag:s5] =	ssyncset.done $0x0  }
0xd5: {  	s20 =	simm.s32 $0x100;
	[sflag:s5] =	ssyncadd.s32 $0xFFFFFF80;
	s5 =	simm.s32 $0x5300  }
0xd6: {  	[tilespmem:s5], [sflag:$0x9] =	stream.indirect.gather [hbm4b:s6+s25], $0x80, s20, s25, $0xb8;
	[tilespmem:$0x1B380] =	vst v63  }
0xd7: {  	_ =	swait.ge [sflag:s21], $0x2800  }
0xd8: {  	[sflag:s21] =	ssyncset.done $0x0  }
0xd9: {  	s4 =	simm.s32 $0x5;
	s26 =	sadd.s32 $0xFFFFFF80, s1;
	[sflag:s21] =	ssyncadd.s32 $0xFFFFD800  }
0xda: {  	s30 =	sand.u32 $0xFC00, s26;
	_ =	swait.ge [sflag:s4], $0x80  }
0xdb: {  	s26 =	sand.u32 $0x380, s26;
	s30 =	sadd.s32 s7, s30;
	[sflag:s4] =	ssyncset.done $0x0  }
0xdc: {  	s16 =	simm.s32 $0x200;
	[sflag:s4] =	ssyncadd.s32 $0xFFFFFF80;
	s4 =	simm.s32 $0xA  }
0xdd: {  	[spmem:s3] =	stream.indirect.scatter.add.f32 [tilespmem:s29], [sflag:$0xB], $0x80, s16, s25, $0xb8;
	[tilespmem:$0x1B380] =	vst v63  }
0xde: {  	s26 =	sor.u32 s26, s30;
	_ =	swait.ge [sflag:s4], $0x2800  }
0xdf: {  	s26 =	sshrl.u32 s26, $0x3;
	[sflag:s4] =	ssyncset.done $0x0  }
0xe0: {  	s26 =	sadd.s32 s0, s26;
	[sflag:s4] =	ssyncadd.s32 $0xFFFFD800;
	s4 =	simm.s32 $0x180  }
0xe1: {  	[tilespmem:s13], [sflag:$0x4] =	stream.linear.gather [hbm4b:s26+s10], $0x80, $0x38;
	[tilespmem:$0x1B380] =	vst v63  }
0xe2: {  	s13 =	simm.s32 $0x80  }
0xe3: {  	[tilespmem:s12], [sflag:$0x2] =	stream.linear.gather [hbm4b:s28+s10], $0x80, $0x38;
	[tilespmem:$0x1B380] =	vst v63  }
0xe4: {  	_ =	swait.ge [sflag:s11], $0x80  }
0xe5: {  	[sflag:s11] =	ssyncset.done $0x0  }
0xe6: {  	s12 =	simm.s32 $0x300;
	[sflag:s11] =	ssyncadd.s32 $0xFFFFFF80  }
0xe7: {  	[tilespmem:s22], [sflag:$0x7] =	stream.indirect.gather [hbm4b:s6+s25], $0x80, s10, s25, $0xb8;
	[tilespmem:$0x1B380] =	vst v63  }
0xe8: {  	_ =	swait.ge [sflag:s15], $0x2800  }
0xe9: {  	[sflag:s15] =	ssyncset.done $0x0  }
0xea: {  	[sflag:s15] =	ssyncadd.s32 $0xFFFFD800  }
0xeb: {  	s26 =	smin.u32 s24, $0x77;
	_ =	swait.ge [sflag:s19], $0x80  }
0xec: {  	s30 =	sand.u32 $0x380, s1;
	s26 =	sshll.u32 s26, $0x7;
	[sflag:s19] =	ssyncset.done $0x0  }
0xed: {  	s1 =	sand.u32 $0xFC00, s1;
	s26 =	sadd.s32 $0x280, s26;
	[sflag:s19] =	ssyncadd.s32 $0xFFFFFF80  }
0xee: {  	s1 =	sadd.s32 s7, s1;
	s29 =	sand.u32 $0x7C00, s26;
	s26 =	sand.u32 $0x380, s26  }
0xef: {  	[spmem:s3] =	stream.indirect.scatter.add.f32 [tilespmem:s5], [sflag:$0xC], $0x80, s18, s25, $0xb8;
	[tilespmem:$0x1B380] =	vst v63  }
0xf0: {  	s5 =	smov.u32 s0  }
0xf1: {  	s1 =	sor.u32 s30, s1;
	s29 =	sadd.s32 s7, s29;
	_ =	swait.ge [sflag:s2], $0x2800  }
0xf2: {  	s1 =	sshrl.u32 s1, $0x3;
	s26 =	sor.u32 s26, s29;
	[sflag:s2] =	ssyncset.done $0x0  }
0xf3: {  	s1 =	sadd.s32 s0, s1;
	s26 =	sshrl.u32 s26, $0x3;
	[sflag:s2] =	ssyncadd.s32 $0xFFFFD800  }
0xf4: {  	[tilespmem:s16], [sflag:$0x5] =	stream.linear.gather [hbm4b:s1+s10], $0x80, $0x38;
	[tilespmem:$0x1B380] =	vst v63  }
.Ltmp3:
0xf5: {  	_ = 	snop;
	(pc) =	sbr.rel @p0 .LBB2_8-.Ltmp3, $4  }
0xf6: {  	s29 =	simm.s32 $0x200;
	s16 =	simm.s32 $0x0  }
0xf7: {  	s1 =	sadd.s32 s31, s26;
	s26 =	smov.u32 s31  }
0xf8: {  	[tilespmem:s20], [sflag:$0x3] =	stream.linear.gather [hbm4b:s1+s16], $0x80, $0x38;
	[tilespmem:$0x1B380] =	vst v63  }
0xf9: {  	s8 =	sadd.s32 $0x30, s8;
	_ =	swait.ge [sflag:s14], $0x80  }
0xfa: {  	[sflag:s14] =	ssyncset.done $0x0  }
0xfb: {  	s0 =	simm.s32 $0x2B00;
	[sflag:s14] =	ssyncadd.s32 $0xFFFFFF80  }
0xfc: {  	[tilespmem:s0], [sflag:$0x8] =	stream.indirect.gather [hbm4b:s6+s25], $0x80, s13, s25, $0xb8;
	[tilespmem:$0x1B380] =	vst v63  }
0xfd: {  	_ =	swait.ge [sflag:s9], $0x2800  }
0xfe: {  	[sflag:s9] =	ssyncset.done $0x0  }
0xff: {  	[sflag:s9] =	ssyncadd.s32 $0xFFFFD800  }
0x100: {  	_ =	swait.ge [sflag:s17], $0x80  }
0x101: {  	[sflag:s17] =	ssyncset.done $0x0  }
0x102: {  	s1 =	simm.s32 $0xC;
	[sflag:s17] =	ssyncadd.s32 $0xFFFFFF80  }
0x103: {  	[spmem:s3] =	stream.indirect.scatter.add.f32 [tilespmem:s12], [sflag:$0xA], $0x80, s4, s25, $0xb8;
	[tilespmem:$0x1B380] =	vst v63  }
0x104: {  	_ =	swait.ge [sflag:s1], $0x2800  }
0x105: {  	[sflag:s1] =	ssyncset.done $0x0  }
0x106: {  	[sflag:s1] =	ssyncadd.s32 $0xFFFFD800  }
0x107: {  	_ =	swait.ge [sflag:s21], $0x2800  }
0x108: {  	[sflag:s21] =	ssyncset.done $0x0  }
0x109: {  	[sflag:s21] =	ssyncadd.s32 $0xFFFFD800;
	s21 =	simm.s32 $0x5  }
0x10a: {  	_ =	swait.ge [sflag:s21], $0x80  }
0x10b: {  	[sflag:s21] =	ssyncset.done $0x0  }
0x10c: {  	s22 =	simm.s32 $0xA;
	[sflag:s21] =	ssyncadd.s32 $0xFFFFFF80  }
0x10d: {  	[spmem:s3] =	stream.indirect.scatter.add.f32 [tilespmem:s0], [sflag:$0xB], $0x80, s29, s25, $0xb8;
	[tilespmem:$0x1B380] =	vst v63  }
0x10e: {  	_ =	swait.ge [sflag:s22], $0x2800  }
0x10f: {  	[sflag:s22] =	ssyncset.done $0x0  }
0x110: {  	[sflag:s22] =	ssyncadd.s32 $0xFFFFD800  }
0x111: {  	_ =	swait.ge [sflag:s2], $0x2800  }
0x112: {  	[sflag:s2] =	ssyncset.done $0x0  }
0x113: {  	s23 =	simm.s32 $0x3;
	[sflag:s2] =	ssyncadd.s32 $0xFFFFD800  }
0x114: {  	_ =	swait.ge [sflag:s23], $0x80  }
0x115: {  	[sflag:s23] =	ssyncset.done $0x0  }
0x116: {  	[sflag:s23] =	ssyncadd.s32 $0xFFFFFF80  }
0x117: {  	s24 =	stileid.u32;
	[bflag:$0x0] =	sbarrier.arrive $0xFFFF  }
0x118: {  	s1 =	sshll.u32 s24, $0x6;
	s8 =	rddreg [dreg:$0x9]  }
0x119: {  	s1 =	sor.u32 $0x1C0D, s1;
	s0 =	simm.s32 $0xD;
	s23 =	rddreg [dreg:$0x15]  }
0x11a: {  	[hbm:s8], [sflag:s1] =	dma.local [spmem:s23], $0x2780  }
0x11b: {  	_ =	swait.ge [sflag:s0], $0x2780  }
0x11c: {  	s30 =	simm.s32 $0x280;
	s31 =	simm.s32 $0x300;
	s28 =	rddreg [dreg:$0x16]  }
0x11d: {  	s19 =	simm.s32 $0x100;
	s29 =	rddreg [dreg:$0xa];
	s8 =	sadd.s32 $0x1, s28  }
0x11e: {  	s11 =	simm.s32 $0x2;
	s15 =	simm.s32 $0x5300;
	p0 =	sne.s32 s8, s29  }
.Ltmp4:
0x11f: {  	s16 =	simm.s32 $0x4;
	s18 =	simm.s32 $0x3;
	(pc) =	sbr.rel @p0 .LBB2_1-.Ltmp4, $4  }
0x120: {  	s20 =	simm.s32 $0x8;
	s14 =	simm.s32 $0x2B00;
	s13 =	simm.s32 $0x80  }
0x121: {  	s9 =	simm.s32 $0x7;
	s17 =	simm.s32 $0xC;
	s12 =	simm.s32 $0x180  }
0x122: {  	s4 =	simm.s32 $0x200;
	s21 =	simm.s32 $0x5;
	[sflag:s0] =	ssyncset.done $0x0  }
0x123: {  	s22 =	simm.s32 $0xA;
	s2 =	simm.s32 $0x1;
	[sflag:s0] =	ssyncadd.s32 $0xFFFFD880  }
0x124: {  	_ =	sfence.sel $0x180000  }
0x125: {  	[bflag:$0x0] =	sbarrier.arrive $0xFFFF  }
0x126: {  	_ =	strace $0x9000004D  }
0x127: {  	s0 =	stileid.u32;
	[bflag:$0x2] =	sbarrier.arrive $0xFFFF  }
0x128: {  	p0 =	sne.s32 s0, $0x0;
	s0 =	rddreg [dreg:$0x3]  }
0x129: {  	s0 =	sadd.s32 @!p0 $0x100000, s0  }
0x12a: {  	[sflag:s0] =	ssyncadd.tile.s32 @!p0 $0x1;
	_ =	shalt  }
.Lfunc_end2:
_tile_overlayer_lowered:
.L_overlay_start_2:
0x12b: {  	(tag) =	ssettag $0x2  }
0x12c: {  	s0 =	rddreg [dreg:$0x0];
	s2 =	stileid.u32  }
0x12d: {  	s1 =	rddreg [dreg:$0x1];
	p0 =	sne.s32 s2, $0x0  }
0x12e: {  	s3 =	rddreg [dreg:$0x2];
	[bflag:$0x3] =	sbarrier.arrive $0xFFFF;
	s2 =	simm.s32 @!p0 $0x1C0D  }
0x12f: {  	[timem:s3], [sflag:s2] =	dma.local @!p0 [hbm:s0], s1  }
0x130: {  	s0 =	simm.s32 @!p0 $0xD  }
0x131: {  	_ =	swait.ge @!p0 [sflag:s0], s1  }
0x132: {  	s1 =	ssub.s32 @!p0 $0x0, s1;
	[sflag:s0] =	ssyncset.done @!p0 $0x0  }
0x133: {  	[sflag:s0] =	ssyncadd.s32 @!p0 s1  }
0x134: {  	[bflag:$0x3] =	sbarrier.arrive $0xFFFF  }
0x135: {  	_ =	shalt  }

// kernel: kernel.7.cloned.1.call-start
scs
__scs_entry_jumppad:
0x0: {  	(pc) =	sbr.rel $0x88, $3  }
0x1: {  	(tag) =	ssettag $0x0;
	lr =	simm.s32 $0x1  }
0x2: {  	[smem:$0x3F95] =	sst lr;
	_ =	strace $0xD0000000  }
0x3: {  	_ = 	snop  }
0x4: {  	_ = 	snop  }
0x5: {  	_ = 	snop  }
0x6: {  	_ = 	snop  }
0x7: {  	_ = 	snop  }
__scs_overlays_trampoline_lowered:
0x8: {  	[smem:$0x3FA4] =	sst s0  }
0x9: {  	[smem:$0x3FA5] =	sst s1  }
0xa: {  	[smem:$0x3FA6] =	sst s2  }
0xb: {  	[smem:$0x3FA7] =	sst s3  }
0xc: {  	[smem:$0x3FA8] =	sst s4  }
0xd: {  	[smem:$0x3FA9] =	sst s5  }
0xe: {  	[smem:$0x3FAA] =	sst s6  }
0xf: {  	[smem:$0x3FAB] =	sst s7  }
0x10: {  	[smem:$0x3FAC] =	sst s8  }
0x11: {  	[smem:$0x3FAD] =	sst s9;
	s0 =	simm.s32 @!p0 $0x0  }
0x12: {  	s1 =	sld [smem:$0x3F93];
	s0 =	simm.s32 @p0 $0x1  }
0x13: {  	[smem:$0x3FAE] =	sst s0;
	s0 =	simm.s32 @!p1 $0x0  }
0x14: {  	s2 =	sld [smem:$0x3F92];
	s0 =	simm.s32 @p1 $0x1  }
0x15: {  	[smem:$0x3FAF] =	sst s0;
	s0 =	simm.s32 @!p2 $0x0  }
0x16: {  	s3 =	sld [smem:$0x3FDB];
	s0 =	simm.s32 @p2 $0x1  }
0x17: {  	s4 =	simm.s32 $0x1BF5;
	[smem:$0x3FB1] =	sst s0  }
0x18: {  	s0 =	sld [smem:$0x3F94];
	_ =	swait.ge [sflag:s4], $0x0  }
0x19: {  	s7 =	sld [smem:$0x3F95]  }
0x1a: {  	s8 =	sadd.s32 $0xFFFFE003, lr  }
0x1b: {  	s9 =	sadd.s32 $0xFFFFFEF7, lr;
	s5 =	simm.s32 $0xFFFFFFFF;
	p2 =	slt.u32 s8, $0xFFFFF086  }
0x1c: {  	p1 =	slt.u32 s9, $0xF7A;
	s5 =	simm.s32 @!p2 $0x0  }
0x1d: {  	s5 =	simm.s32 @p1 $0x1;
	p0 =	seq.s32 s7, s2  }
0x1e: {  	s7 =	smul.u32 @!p0 $0xF7A, s2;
	p2 =	seq.s32 @!p0 s5, $0x0  }
0x1f: {  	s9 =	smul.u32 $0xF7A, s1;
	s8 =	simm.s32 @!p0 $0x1BF5;
	p2 =	por !p2, p0  }
0x20: {  	[sflag:s8] =	ssyncset.s32 @!p0 $0xFFFFF086;
	s6 =	sadd.s32 @!p0 s3, s7;
	s7 =	simm.s32 @!p0 $0x108  }
0x21: {  	s3 =	sadd.s32 s3, s9;
	s6 =	sadd.s32 @!p0 $0x88, s6;
	s7 =	simm.s32 @p2 $0x1082  }
0x22: {  	[simem:s7], [sflag:s8] =	dma.local @!p0 [hbm:s6], $0xF7A  }
0x23: {  	s9 =	sor.u32 $0xD0000000, s2;
	s6 =	simm.s32 $0x108;
	_ =	swait.ge @!p0 [sflag:s8], $0x0  }
0x24: {  	s3 =	sadd.s32 $0x88, s3;
	s6 =	simm.s32 @!p1 $0x1082;
	[sflag:s4] =	ssyncset.s32 $0xFFFFF086  }
0x25: {  	[simem:s6], [sflag:s4] =	dma.local [hbm:s3], $0xF7A  }
0x26: {  	[smem:$0x3F95] =	sst s1;
	(tag) =	ssettag s2;
	_ =	strace s9  }
0x27: {  	s1 =	sld [smem:$0x3FA5]  }
0x28: {  	s2 =	sld [smem:$0x3FA6]  }
0x29: {  	s4 =	sld [smem:$0x3FA8]  }
0x2a: {  	p0 =	seq.s32 s5, $0x0;
	s5 =	sld [smem:$0x3FA9]  }
0x2b: {  	s6 =	sld [smem:$0x3FAA]  }
0x2c: {  	s7 =	sld [smem:$0x3FAB]  }
0x2d: {  	s3 =	simm.s32 $0x108;
	s8 =	sld [smem:$0x3FAC]  }
0x2e: {  	s3 =	simm.s32 @!p0 $0x1082;
	s9 =	sld [smem:$0x3FAD]  }
0x2f: {  	lr =	sadd.s32 s0, s3;
	s0 =	sld [smem:$0x3FA4]  }
0x30: {  	s3 =	sld [smem:$0x3FA7]  }
0x31: {  	[smem:$0x3FB0] =	sst s10  }
0x32: {  	s10 =	sld [smem:$0x3FAE];
	_ =	sdelay $0x3  }
0x33: {  	p0 =	seq.s32 s10, $0x1;
	s10 =	sld [smem:$0x3FB0];
	_ =	sdelay $0x3  }
0x34: {  	[smem:$0x3FB0] =	sst s10  }
0x35: {  	s10 =	sld [smem:$0x3FAF];
	_ =	sdelay $0x3  }
0x36: {  	p1 =	seq.s32 s10, $0x1;
	s10 =	sld [smem:$0x3FB0];
	_ =	sdelay $0x3  }
0x37: {  	[smem:$0x3FB0] =	sst s10  }
0x38: {  	s10 =	sld [smem:$0x3FB1]  }
0x39: {  	_ = 	snop;
	(pc) =	sbr.ind lr, $3  }
0x3a: {  	_ = 	snop  }
0x3b: {  	_ = 	snop  }
0x3c: {  	p2 =	seq.s32 s10, $0x1;
	s10 =	sld [smem:$0x3FB0]  }
0x3d: {  	_ =	shalt  }
0x3e: {  	_ =	shalt  }
0x3f: {  	_ =	shalt  }
0x40: {  	_ =	shalt  }
0x41: {  	_ =	shalt  }
0x42: {  	_ =	shalt  }
0x43: {  	_ =	shalt  }
0x44: {  	_ =	shalt  }
0x45: {  	_ =	shalt  }
0x46: {  	_ =	shalt  }
0x47: {  	_ =	shalt  }
0x48: {  	_ =	shalt  }
0x49: {  	_ =	shalt  }
0x4a: {  	_ =	shalt  }
0x4b: {  	_ =	shalt  }
0x4c: {  	_ =	shalt  }
0x4d: {  	_ =	shalt  }
0x4e: {  	_ =	shalt  }
0x4f: {  	_ =	shalt  }
0x50: {  	_ =	shalt  }
0x51: {  	_ =	shalt  }
0x52: {  	_ =	shalt  }
0x53: {  	_ =	shalt  }
0x54: {  	_ =	shalt  }
0x55: {  	_ =	shalt  }
0x56: {  	_ =	shalt  }
0x57: {  	_ =	shalt  }
0x58: {  	_ =	shalt  }
0x59: {  	_ =	shalt  }
0x5a: {  	_ =	shalt  }
0x5b: {  	_ =	shalt  }
0x5c: {  	_ =	shalt  }
0x5d: {  	_ =	shalt  }
0x5e: {  	_ =	shalt  }
0x5f: {  	_ =	shalt  }
0x60: {  	_ =	shalt  }
0x61: {  	_ =	shalt  }
0x62: {  	_ =	shalt  }
0x63: {  	_ =	shalt  }
0x64: {  	_ =	shalt  }
0x65: {  	_ =	shalt  }
0x66: {  	_ =	shalt  }
0x67: {  	_ =	shalt  }
0x68: {  	_ =	shalt  }
0x69: {  	_ =	shalt  }
0x6a: {  	_ =	shalt  }
0x6b: {  	_ =	shalt  }
0x6c: {  	_ =	shalt  }
0x6d: {  	_ =	shalt  }
0x6e: {  	_ =	shalt  }
0x6f: {  	_ =	shalt  }
0x70: {  	_ =	shalt  }
0x71: {  	_ =	shalt  }
0x72: {  	_ =	shalt  }
0x73: {  	_ =	shalt  }
0x74: {  	_ =	shalt  }
0x75: {  	_ =	shalt  }
0x76: {  	_ =	shalt  }
0x77: {  	_ =	shalt  }
0x78: {  	_ =	shalt  }
0x79: {  	_ =	shalt  }
0x7a: {  	_ =	shalt  }
0x7b: {  	_ =	shalt  }
0x7c: {  	_ =	shalt  }
0x7d: {  	_ =	shalt  }
0x7e: {  	_ =	shalt  }
0x7f: {  	_ =	shalt  }
0x80: {  	_ =	shalt  }
0x81: {  	_ =	shalt  }
0x82: {  	_ =	shalt  }
0x83: {  	_ =	shalt  }
0x84: {  	_ =	shalt  }
0x85: {  	_ =	shalt  }
0x86: {  	_ =	shalt  }
0x87: {  	_ =	shalt  }
.Lfunc_end0:
.L_simem_size_0:
called_computation_lowered:
.L_overlay_start_0:
0x88: {  	s2 =	sld [smem:$0x3FD9]  }
0x89: {  	s3 =	sld [smem:$0x3FFE];
	_ =	sdelay $0x1  }
0x8a: {  	s1 =	srdreg.scid  }
0x8b: {  	s0 =	sand.u32 $0x1, s1  }
0x8c: {  	s17 =	sshll.u32 s0, $0xA;
	s2 =	sadd.s32 s3, s2  }
0x8d: {  	s2 =	sadd.s32 s2, s17  }
0x8e: {  	[smem:$0x3FBC] =	sst s2  }
0x8f: {  	_ = 	snop  }
0x90: {  	(tm) =	ssettm $0x1  }
0x91: {  	s18 =	sld [smem:$0x3FFB];
	_ =	sdelay $0x3  }
0x92: {  	_ =	strace s18  }
0x93: {  	s2 =	sld [smem:$0x3FFC];
	_ =	sdelay $0x3  }
0x94: {  	_ =	strace s2  }
0x95: {  	s2 =	sld [smem:$0x3FFD];
	_ =	sdelay $0x3  }
0x96: {  	_ =	strace s2  }
0x97: {  	_ =	strace $0x8FFFFFFF  }
0x98: {  	s19 =	sld [smem:$0x3FDB];
	_ =	sdelay $0x1  }
0x99: {  	s20 =	simm.s32 $_scs_section_size  }
0x9a: {  	s4 =	simm.s32 $_size__tile_overlayer_lowered;
	s5 =	simm.s32 $_tile_overlayer_lowered  }
0x9b: {  	s6 =	simm.s32 $0x1BFF;
	s21 =	sshll.u32 s5, $0x1;
	s3 =	sadd.s32 s20, s19  }
0x9c: {  	s22 =	simm.s32 $0x0;
	s4 =	sshll.u32 s4, $0x1;
	s5 =	sadd.s32 s21, s3  }
0x9d: {  	[timem:s22], [sflag:s6] =	dma.local [hbm:s5], s4  }
0x9e: {  	_ =	swait.ge [sflag:s6], s4  }
0x9f: {  	s4 =	ssub.s32 $0x0, s4;
	[sflag:s6] =	ssyncset.done $0x0  }
0xa0: {  	[sflag:s6] =	ssyncadd.s32 s4;
	_ =	sdelay $0x1  }
0xa1: {  	s23 =	simm.s32 $0x1B8B  }
0xa2: {  	_ =	swait.ge [sflag:s23], $0x1  }
0xa3: {  	[sflag:s23] =	ssyncset.done $0x0  }
0xa4: {  	[sflag:s23] =	ssyncadd.s32 $0xFFFFFFFF  }
0xa5: {  	s4 =	sld [smem:$0x0]  }
0xa6: {  	s5 =	sand.u32 $0xFFFFFFFE, s1  }
0xa7: {  	p0 =	sne.s32 s1, s5  }
0xa8: {  	s5 =	sshll.u32 @p0 s5, $0xE  }
0xa9: {  	s5 =	sadd.s32 @p0 $0x11B8D, s5;
	s6 =	sshll.u32 @p0 s4, $0x11  }
0xaa: {  	s5 =	sor.u32 @p0 s6, s5  }
0xab: {  	[sflag:s5] =	ssyncadd.remote.s32 @p0 $0x1;
	_ =	sdelay $0x1  }
0xac: {  	s5 =	simm.s32 @p0 $0x1B8D  }
0xad: {  	_ =	swait.eq @p0 [sflag:s5], $0x1  }
0xae: {  	[sflag:s5] =	ssyncadd.s32 @p0 $0xFFFFFFFF  }
0xaf: {  	s6 =	sshll.u32 @!p0 s1, $0xE  }
0xb0: {  	s6 =	sor.u32 @!p0 $0x4000, s6;
	s5 =	simm.s32 @!p0 $0x1B8D  }
0xb1: {  	s4 =	sshll.u32 @!p0 s4, $0x11;
	s6 =	sadd.s32 @!p0 $0x11B8D, s6;
	_ =	swait.eq @!p0 [sflag:s5], $0x1  }
0xb2: {  	s4 =	sor.u32 @!p0 s4, s6;
	[sflag:s5] =	ssyncadd.s32 @!p0 $0xFFFFFFFF  }
0xb3: {  	s25 =	simm.s32 $0x1B8E;
	s24 =	sld [smem:$0x3FFE];
	[sflag:s4] =	ssyncadd.remote.s32 @!p0 $0x1  }
0xb4: {  	s26 =	simm.s32 $execute0_lowered;
	[smem:$0x3FD2] =	sst s25  }
0xb5: {  	s5 =	sshll.u32 s26, $0x1;
	_ =	strace $0x80000049;
	[dreg:$0x1] =	wrdreg $0xFFFFFFFF  }
0xb6: {  	s28 =	simm.s32 $_size_execute0_lowered;
	s3 =	sadd.s32 s3, s5;
	[dreg:$0x0] =	wrdreg $0x0  }
0xb7: {  	s5 =	sshll.u32 s28, $0x1;
	[dreg:$0x2] =	wrdreg s3  }
0xb8: {  	[dreg:$0x3] =	wrdreg s5  }
0xb9: {  	[dreg:$0x4] =	wrdreg $0xC0  }
0xba: {  	_ =	task [dreg:s22], $0x5FFFF  }
0xbb: {  	[dreg:$0x1] =	wrdreg $0xFFFFFFFF  }
0xbc: {  	[dreg:$0x0] =	wrdreg $0x60  }
0xbd: {  	[dreg:$0x2] =	wrdreg s24  }
0xbe: {  	[dreg:$0x3] =	wrdreg $0x90000  }
0xbf: {  	[dreg:$0x4] =	wrdreg $0x9  }
0xc0: {  	_ =	task.clear_ibuf [dreg:s22], $0x5FFFF;
	_ =	strace $0x90000049  }
0xc1: {  	s29 =	simm.s32 $0x9;
	_ =	strace $0x8000004B  }
0xc2: {  	_ =	swait.ge [sflag:s29], $0x1  }
0xc3: {  	[sflag:s29] =	ssyncadd.s32 $0xFFFFFFFF  }
0xc4: {  	_ =	strace $0x9000004B  }
0xc5: {  	_ =	sfence  }
0xc6: {  	s30 =	sld [smem:$0x0];
	_ =	sdelay $0x2  }
0xc7: {  	s31 =	sshll.u32 s1, $0xD;
	s1 =	sshrl.u32 s1, $0x2  }
0xc8: {  	s4 =	sand.u32 $0x4000, s31;
	s1 =	sadd.s32 s1, s30  }
0xc9: {  	s0 =	sor.u32 s4, s0;
	s1 =	sshll.u32 s1, $0x11  }
0xca: {  	s0 =	sor.u32 s1, s0  }
0xcb: {  	s0 =	sadd.s32 $0x8F2B, s0  }
0xcc: {  	[sflag:s0] =	ssyncadd.remote.s32 $0x1  }
0xcd: {  	_ =	sfence.sel $0xFFFF  }
0xce: {  	[dreg:$0x0] =	wrdreg $0xFFFFFFFF;
	(pc) =	sbr.abs _section_cstart, $3  }
0xcf: {  	[dreg:$0x1] =	wrdreg $0xFFFFFFFF  }
0xd0: {  	_ =	task.clear_ibuf [dreg:s22], $0x2FFFF;
	_ =	strace $0x9FFFFFFF  }
0xd1: {  	(tm) =	ssettm $0x7FFFFFFF  }
tec
execute0_lowered:
.L_overlay_start_1:
0x0: {  	(tag) =	ssettag $0x1  }
0x1: {  	s4 =	rddreg [dreg:$0x0]  }
0x2: {  	s2 =	rddreg [dreg:$0x1];
	s0 =	stileid.u32  }
0x3: {  	s3 =	srdreg.scid;
	s1 =	rddreg [dreg:$0x2];
	s16 =	simm.s32 $0x6800  }
0x4: {  	s17 =	simm.s32 $0x50;
	s18 =	simm.s32 $0x4000;
	s19 =	simm.s32 $0x80  }
0x5: {  	s20 =	simm.s32 $0x100;
	s21 =	simm.s32 $0x180;
	s5 =	smul.u32 $0x278, s0  }
0x6: {  	s6 =	sand.u32 $0x1, s3;
	s3 =	simm.s32 $0x0;
	s12 =	smul.u32 $0x280, s0  }
0x7: {  	s22 =	sshll.u32 s0, $0xB;
	s7 =	smul.u32 $0x138800, s6;
	[smem:$0x7FF] =	sst s3  }
0x8: {  	s9 =	ssub.s32 $0x2, s6;
	s6 =	sshll.u32 s6, $0xF;
	s5 =	smin.u32 s5, $0x2498  }
0x9: {  	_ =	strace $0x8000004A;
	s10 =	sshrl.u32 s9, $0x1;
	s24 =	sor.u32 $0x50, s12  }
0xa: {  	s25 =	smin.u32 s12, $0x26C0;
	s28 =	smin.u32 s12, $0x2620;
	s29 =	smin.u32 s12, $0x25D0  }
0xb: {  	s11 =	smin.u32 s12, $0x2580;
	s13 =	smin.u32 s12, $0x2530;
	s14 =	smin.u32 s12, $0x24E0  }
0xc: {  	s12 =	smin.u32 s12, $0x2490;
	s8 =	sshll.u32 s5, $0x7;
	s5 =	sadd.s32 s22, s4  }
0xd: {  	s9 =	ssub.s32 s9, s10;
	s26 =	smin.u32 s24, $0x26C0;
	s10 =	sshll.u32 s29, $0x7  }
0xe: {  	s11 =	sshll.u32 s11, $0x7;
	s13 =	sshll.u32 s13, $0x7;
	s14 =	sshll.u32 s14, $0x7  }
0xf: {  	s15 =	sshll.u32 s12, $0x7;
	s22 =	simm.s32 $0x1;
	s24 =	simm.s32 $0x0  }
0x10: {  	s7 =	sadd.s32 s7, s8;
	s23 =	sadd.s32 s6, s5;
	s6 =	smax.u32 s9, $0x1  }
0x11: {  	s9 =	sshll.u32 s28, $0x7;
	s10 =	sadd.s32 s10, s2;
	s11 =	sadd.s32 s11, s2  }
0x12: {  	s13 =	sadd.s32 s13, s2;
	s30 =	sadd.s32 s14, s2;
	s31 =	sadd.s32 s15, s2  }
0x13: {  	s15 =	simm.s32 $0x2;
	s7 =	sshrl.u32 s7, $0x3;
	s9 =	sadd.s32 s9, s2  }
0x14: {  	s10 =	sadd.s32 $0x7800, s10;
	s11 =	sadd.s32 $0xA000, s11;
	s12 =	sadd.s32 $0xC800, s13  }
0x15: {  	s13 =	sadd.s32 $0xF000, s30;
	s14 =	sadd.s32 $0x11800, s31;
	s7 =	sadd.s32 s7, s4  }
0x16: {  	s4 =	sadd.s32 $0x2800, s23;
	s23 =	sadd.s32 s8, s2;
	s8 =	sshll.u32 s26, $0x7  }
0x17: {  	s9 =	sadd.s32 $0x5000, s9;
	s5 =	sadd.s32 $0x60A00, s7;
	s7 =	sshll.u32 s25, $0x7  }
0x18: {  	v0 =	vimm.f32 $0.0e+00;
	v1 =	vimm.f32 $1.000000000e+00;
	s8 =	sadd.s32 s8, s2;
	s23 =	sshrl.u32 s23, $0x3;
	s7 =	sadd.s32 s7, s2  }
.LBB2_1:
0x19: {  	s25 =	simm.s32 $0x0;
	s26 =	simm.s32 $0x200  }
.LBB2_2:
0x1a: {  	p0 =	sne.s32 s26, $0x9E00;
	[tilespmem:s25+$0x6870] =	vst v0  }
0x1b: {  	[tilespmem:s25+$0x6800] =	vst v0  }
0x1c: {  	[tilespmem:s25+$0x6810] =	vst v0  }
.Ltmp0:
0x1d: {  	[tilespmem:s25+$0x6820] =	vst v0;
	(pc) =	sbr.rel @p0 .LBB2_2-.Ltmp0, $4  }
0x1e: {  	[tilespmem:s25+$0x6830] =	vst v0  }
0x1f: {  	[tilespmem:s25+$0x6840] =	vst v0  }
0x20: {  	[tilespmem:s25+$0x6850] =	vst v0  }
0x21: {  	[tilespmem:s25+$0x6860] =	vst v0;
	s25 =	sshra.s32 s26, $0x2;
	s26 =	sadd.s32 $0x200, s26  }
0x22: {  	[tilespmem:s25+$0x6870] =	vst v0  }
0x23: {  	[tilespmem:s25+$0x6800] =	vst v0  }
0x24: {  	[tilespmem:s25+$0x6810] =	vst v0  }
0x25: {  	[tilespmem:s25+$0x6820] =	vst v0  }
0x26: {  	[tilespmem:s25+$0x6830] =	vst v0  }
0x27: {  	[tilespmem:s25+$0x6840] =	vst v0  }
0x28: {  	[tilespmem:s25+$0x6850] =	vst v0  }
0x29: {  	[tilespmem:s25+$0x6860] =	vst v0;
	s25 =	simm.s32 $0x0;
	s26 =	simm.s32 $0x200  }
.LBB2_4:
0x2a: {  	p0 =	sne.s32 s26, $0x9E00;
	[tilespmem:s25+$0x4070] =	vst v1  }
0x2b: {  	[tilespmem:s25+$0x4000] =	vst v1  }
0x2c: {  	[tilespmem:s25+$0x4010] =	vst v1  }
.Ltmp1:
0x2d: {  	[tilespmem:s25+$0x4020] =	vst v1;
	(pc) =	sbr.rel @p0 .LBB2_4-.Ltmp1, $4  }
0x2e: {  	[tilespmem:s25+$0x4030] =	vst v1  }
0x2f: {  	[tilespmem:s25+$0x4040] =	vst v1  }
0x30: {  	[tilespmem:s25+$0x4050] =	vst v1  }
0x31: {  	[tilespmem:s25+$0x4060] =	vst v1;
	s25 =	sshra.s32 s26, $0x2;
	s26 =	sadd.s32 $0x200, s26  }
0x32: {  	[tilespmem:s25+$0x4070] =	vst v1  }
0x33: {  	[tilespmem:s25+$0x4000] =	vst v1  }
0x34: {  	[tilespmem:s25+$0x4010] =	vst v1  }
0x35: {  	[tilespmem:s25+$0x4020] =	vst v1  }
0x36: {  	[tilespmem:s25+$0x4030] =	vst v1  }
0x37: {  	[tilespmem:s25+$0x4040] =	vst v1  }
0x38: {  	[tilespmem:s25+$0x4050] =	vst v1  }
0x39: {  	[tilespmem:s25+$0x4060] =	vst v1  }
0x3a: {  	[tilespmem:s3], [sflag:$0x2] =	stream.linear.gather [hbm4b:s4+s3], $0x3E80, $0x38;
	[tilespmem:$0x1C880] =	vst v63  }
0x3b: {  	_ =	swait.ge [sflag:s15], $0x3E80  }
0x3c: {  	[sflag:s15] =	ssyncset.done $0x0  }
0x3d: {  	[sflag:s15] =	ssyncadd.s32 $0xFFFFC180  }
0x3e: {  	[spmem:s7] =	stream.linear.scatter [tilespmem:s16], [sflag:$0x2], $0x2800, $0x38;
	[tilespmem:$0x1C880] =	vst v63  }
0x3f: {  	_ =	swait.ge [sflag:s15], $0x2800  }
0x40: {  	[sflag:s15] =	ssyncset.done $0x0  }
0x41: {  	[sflag:s15] =	ssyncadd.s32 $0xFFFFD800  }
0x42: {  	[spmem:s8] =	stream.linear.scatter [tilespmem:s16], [sflag:$0x2], $0x2800, $0x38;
	[tilespmem:$0x1C880] =	vst v63  }
0x43: {  	_ =	swait.ge [sflag:s15], $0x2800  }
0x44: {  	[sflag:s15] =	ssyncset.done $0x0  }
0x45: {  	[sflag:s15] =	ssyncadd.s32 $0xFFFFD800  }
0x46: {  	[spmem:s9] =	stream.linear.scatter [tilespmem:s16], [sflag:$0x2], $0x2800, $0x38;
	[tilespmem:$0x1C880] =	vst v63  }
0x47: {  	_ =	swait.ge [sflag:s15], $0x2800  }
0x48: {  	[sflag:s15] =	ssyncset.done $0x0  }
0x49: {  	[sflag:s15] =	ssyncadd.s32 $0xFFFFD800  }
0x4a: {  	[spmem:s10] =	stream.linear.scatter [tilespmem:s16], [sflag:$0x2], $0x2800, $0x38;
	[tilespmem:$0x1C880] =	vst v63  }
0x4b: {  	_ =	swait.ge [sflag:s15], $0x2800  }
0x4c: {  	[sflag:s15] =	ssyncset.done $0x0  }
0x4d: {  	[sflag:s15] =	ssyncadd.s32 $0xFFFFD800  }
0x4e: {  	[spmem:s11] =	stream.linear.scatter [tilespmem:s16], [sflag:$0x2], $0x2800, $0x38;
	[tilespmem:$0x1C880] =	vst v63  }
0x4f: {  	_ =	swait.ge [sflag:s15], $0x2800  }
0x50: {  	[sflag:s15] =	ssyncset.done $0x0  }
0x51: {  	[sflag:s15] =	ssyncadd.s32 $0xFFFFD800  }
0x52: {  	[spmem:s12] =	stream.linear.scatter [tilespmem:s16], [sflag:$0x2], $0x2800, $0x38;
	[tilespmem:$0x1C880] =	vst v63  }
0x53: {  	_ =	swait.ge [sflag:s15], $0x2800  }
0x54: {  	[sflag:s15] =	ssyncset.done $0x0  }
0x55: {  	[sflag:s15] =	ssyncadd.s32 $0xFFFFD800  }
0x56: {  	[spmem:s13] =	stream.linear.scatter [tilespmem:s16], [sflag:$0x2], $0x2800, $0x38;
	[tilespmem:$0x1C880] =	vst v63  }
0x57: {  	_ =	swait.ge [sflag:s15], $0x2800  }
0x58: {  	[sflag:s15] =	ssyncset.done $0x0  }
0x59: {  	[sflag:s15] =	ssyncadd.s32 $0xFFFFD800  }
0x5a: {  	[spmem:s14] =	stream.linear.scatter [tilespmem:s16], [sflag:$0x2], $0x2800, $0x38;
	[tilespmem:$0x1C880] =	vst v63  }
0x5b: {  	_ =	swait.ge [sflag:s15], $0x2800  }
0x5c: {  	[sflag:s15] =	ssyncset.done $0x0  }
0x5d: {  	[sflag:s15] =	ssyncadd.s32 $0xFFFFD800  }
0x5e: {  	[bflag:$0x0] =	sbarrier.arrive $0xFFFF  }
0x5f: {  	[spmem:s2] =	stream.indirect.scatter.add.f32 [tilespmem:s18], [sflag:$0x1], $0x80, s3, s17, $0xb8;
	[tilespmem:$0x1C880] =	vst v63  }
0x60: {  	_ = 	snop  }
0x61: {  	[spmem:s2] =	stream.indirect.scatter.add.f32 [tilespmem:s18], [sflag:$0x1], $0x80, s19, s17, $0xb8;
	[tilespmem:$0x1C880] =	vst v63  }
0x62: {  	_ = 	snop  }
0x63: {  	[spmem:s2] =	stream.indirect.scatter.add.f32 [tilespmem:s18], [sflag:$0x1], $0x80, s20, s17, $0xb8;
	[tilespmem:$0x1C880] =	vst v63  }
0x64: {  	_ = 	snop  }
0x65: {  	[spmem:s2] =	stream.indirect.scatter.add.f32 [tilespmem:s18], [sflag:$0x1], $0x80, s21, s17, $0xb8;
	[tilespmem:$0x1C880] =	vst v63  }
0x66: {  	s31 =	simm.s32 $0x200  }
0x67: {  	[spmem:s2] =	stream.indirect.scatter.add.f32 [tilespmem:s18], [sflag:$0x1], $0x80, s31, s17, $0xb8;
	[tilespmem:$0x1C880] =	vst v63  }
0x68: {  	_ =	swait.ge [sflag:s22], $0x2800  }
0x69: {  	s25 =	simm.s32 $0xA00;
	[sflag:s22] =	ssyncset.done $0x0  }
.LBB2_6:
0x6a: {  	s26 =	sshra.s32 s25, $0x2;
	[sflag:s22] =	ssyncadd.s32 $0xFFFFD800;
	p0 =	sne.s32 s25, $0xF800  }
0x6b: {  	[spmem:s2] =	stream.indirect.scatter.add.f32 [tilespmem:s18], [sflag:$0x1], $0x80, s26, s17, $0xb8;
	[tilespmem:$0x1C880] =	vst v63  }
.Ltmp2:
0x6c: {  	_ = 	snop;
	(pc) =	sbr.rel @p0 .LBB2_6-.Ltmp2, $4  }
0x6d: {  	_ = 	snop  }
0x6e: {  	s25 =	sadd.s32 $0x200, s25  }
0x6f: {  	_ =	swait.ge [sflag:s22], $0x2800  }
0x70: {  	[sflag:s22] =	ssyncset.done $0x0  }
0x71: {  	[sflag:s22] =	ssyncadd.s32 $0xFFFFD800  }
0x72: {  	_ =	swait.ge [sflag:s22], $0x2800  }
0x73: {  	[sflag:s22] =	ssyncset.done $0x0  }
0x74: {  	[sflag:s22] =	ssyncadd.s32 $0xFFFFD800  }
0x75: {  	_ =	swait.ge [sflag:s22], $0x2800  }
0x76: {  	[sflag:s22] =	ssyncset.done $0x0  }
0x77: {  	[sflag:s22] =	ssyncadd.s32 $0xFFFFD800  }
0x78: {  	_ =	swait.ge [sflag:s22], $0x2800  }
0x79: {  	[sflag:s22] =	ssyncset.done $0x0  }
0x7a: {  	[sflag:s22] =	ssyncadd.s32 $0xFFFFD800  }
0x7b: {  	_ =	swait.ge [sflag:s22], $0x2800  }
0x7c: {  	s24 =	sadd.s32 $0x1, s24;
	[sflag:s22] =	ssyncset.done $0x0  }
0x7d: {  	s25 =	sshll.u32 s0, $0x6;
	p0 =	sne.s32 s24, s6;
	[sflag:s22] =	ssyncadd.s32 $0xFFFFD800  }
.Ltmp3:
0x7e: {  	s25 =	sor.u32 $0x1C02, s25;
	[bflag:$0x0] =	sbarrier.arrive $0xFFFF;
	(pc) =	sbr.rel @p0 .LBB2_1-.Ltmp3, $4  }
0x7f: {  	[hbm:s5], [sflag:s25] =	dma.local [spmem:s23], $0x2780  }
0x80: {  	_ =	swait.ge [sflag:s15], $0x2780  }
0x81: {  	[sflag:s15] =	ssyncset.done $0x0  }
0x82: {  	[sflag:s15] =	ssyncadd.s32 $0xFFFFD880  }
0x83: {  	_ =	sfence.sel $0x180000  }
0x84: {  	[bflag:$0x0] =	sbarrier.arrive $0xFFFF  }
0x85: {  	p0 =	sne.s32 s0, $0x0;
	_ =	strace $0x9000004A  }
0x86: {  	s0 =	sadd.s32 @!p0 $0x100000, s1;
	[bflag:$0x2] =	sbarrier.arrive $0xFFFF  }
0x87: {  	[sflag:s0] =	ssyncadd.tile.s32 @!p0 $0x1;
	_ =	shalt  }
.Lfunc_end2:
_tile_overlayer_lowered:
.L_overlay_start_2:
0x88: {  	(tag) =	ssettag $0x2  }
0x89: {  	s0 =	rddreg [dreg:$0x0];
	s2 =	stileid.u32  }
0x8a: {  	s1 =	rddreg [dreg:$0x1];
	p0 =	sne.s32 s2, $0x0  }
0x8b: {  	s3 =	rddreg [dreg:$0x2];
	[bflag:$0x3] =	sbarrier.arrive $0xFFFF;
	s2 =	simm.s32 @!p0 $0x1C02  }
0x8c: {  	[timem:s3], [sflag:s2] =	dma.local @!p0 [hbm:s0], s1  }
0x8d: {  	s0 =	simm.s32 @!p0 $0x2  }
0x8e: {  	_ =	swait.ge @!p0 [sflag:s0], s1  }
0x8f: {  	s1 =	ssub.s32 @!p0 $0x0, s1;
	[sflag:s0] =	ssyncset.done @!p0 $0x0  }
0x90: {  	[sflag:s0] =	ssyncadd.s32 @!p0 s1  }
0x91: {  	[bflag:$0x3] =	sbarrier.arrive $0xFFFF  }
0x92: {  	_ =	shalt  }

</sc_bundles>
